<compile_context>
chip_gen: v7x
topology: tpu7x:2x2x1
jax: 0.10.2.dev20260603
libtpu: 0.0.44.dev20260713+nightly
codegen_flags: <defaults>
</compile_context>

<pallas_src>
import functools

import jax
import jax.numpy as jnp
from jax import lax
from jax.experimental import pallas as pl
from jax.experimental.pallas import tpu as pltpu
from jax.experimental.pallas import tpu_sc as plsc

B = 4
S = 2048
D = 768
L = 16
NV = D // L

_info = plsc.get_sparse_core_info()
NC = _info.num_cores
NS = _info.num_subcores
NW = NC * NS
PPW = S // NW

RPC = 16
CH = (B * PPW) // RPC
NBUF = 6
LOOK = 3
UNJ = 8
JB = 8
DB = D // (JB * L)

_GATHER_DNUMS = lax.GatherDimensionNumbers(
    offset_dims=(), collapsed_slice_dims=(0,), start_index_map=(0,))


def _xlane(x, pm):
    return lax.gather(x, pm[:, None], _GATHER_DNUMS, slice_sizes=(1,),
                      mode=lax.GatherScatterMode.PROMISE_IN_BOUNDS)


def _rsqrt(x):
    iv = lax.bitcast_convert_type(x, jnp.int32)
    iv = jnp.int32(0x5F3759DF) - lax.shift_right_logical(iv, 1)
    y = lax.bitcast_convert_type(iv, jnp.float32)
    for _ in range(3):
        y = y * (1.5 - 0.5 * x * y * y)
    return y


def _tree16(vs, lane):
    level = list(vs)
    for k in range(4):
        bit = 1 << k
        pm = lane ^ bit
        mk = (lane & bit) != 0
        nxt = []
        for j in range(len(level) // 2):
            a, b = level[2 * j], level[2 * j + 1]
            c = (jnp.where(mk, _xlane(b, pm), a)
                 + jnp.where(mk, b, _xlane(a, pm)))
            nxt.append(c)
        level = nxt
    return level[0]


def _make_kernel():
    mesh = plsc.VectorSubcoreMesh(core_axis_name="c", subcore_axis_name="s")

    @functools.partial(
        pl.kernel,
        mesh=mesh,
        out_type=jax.ShapeDtypeStruct((B, S, D), jnp.float32),
        scratch_types=[
            pltpu.VMEM((B, PPW), jnp.int32),
            pltpu.VMEM((PPW, D), jnp.float32),
            pltpu.VMEM((NBUF * RPC, D), jnp.float32),
            pltpu.VMEM((D,), jnp.float32),
            pltpu.VMEM((D,), jnp.float32),
            pltpu.VMEM((L * L,), jnp.float32),
            pltpu.VMEM((L * L,), jnp.float32),
            pltpu.VMEM((L * L,), jnp.float32),
            pltpu.VMEM((L * L,), jnp.float32),
            pltpu.SemaphoreType.DMA((NBUF,)),
            pltpu.SemaphoreType.DMA((NBUF,)),
            pltpu.SemaphoreType.DMA,
            pltpu.SemaphoreType.DMA,
            pltpu.SemaphoreType.DMA,
            pltpu.SemaphoreType.DMA,
        ],
    )
    def emb_ln(x_hbm, w_hbm, p_hbm, g_hbm, be_hbm, out_hbm,
               idx_v, p_v, ring, g_v, be_v, accb, acc2b, mv2, yv2,
               gsem, osem, psem, isem, sgsem, sbsem):
        wid = lax.axis_index("s") * NC + lax.axis_index("c")
        pos0 = wid * PPW

        cp_i = [pltpu.async_copy(x_hbm.at[b, pl.ds(pos0, PPW)],
                                 idx_v.at[b], isem) for b in range(B)]
        cp_p = pltpu.async_copy(p_hbm.at[pl.ds(pos0, PPW), :], p_v, psem)
        cp_g = pltpu.async_copy(g_hbm, g_v, sgsem)
        cp_b = pltpu.async_copy(be_hbm, be_v, sbsem)

        lane = lax.iota(jnp.int32, L)
        zero = jnp.zeros((L,), jnp.float32)

        def gather_copy(c):
            hh = c // B
            b = c % B
            cb = c % NBUF
            return pltpu.make_async_copy(
                w_hbm.at[idx_v.at[b, pl.ds(hh * RPC, RPC)]],
                ring.at[pl.ds(cb * RPC, RPC), :], gsem.at[cb])

        def out_copy(c):
            hh = c // B
            b = c % B
            cb = c % NBUF
            return pltpu.make_async_copy(
                ring.at[pl.ds(cb * RPC, RPC), :],
                out_hbm.at[b, pl.ds(pos0 + hh * RPC, RPC), :], osem.at[cb])

        def pass1(base, pbase):
            def pair_body(i, carry):
                rb = 2 * i

                def jblk_body(jc, accs):
                    (a00, a01, a10, a11, b00, b01, b10, b11) = accs
                    acc = [[a00, a01], [a10, a11]]
                    acc2 = [[b00, b01], [b10, b11]]
                    for jj in range(UNJ):
                        sl = pl.ds(jc * (UNJ * L) + jj * L, L)
                        for rr in range(2):
                            v = (ring[base + rb + rr, sl]
                                 + p_v[pbase + rb + rr, sl])
                            a = jj % 2
                            acc[rr][a] = acc[rr][a] + v
                            acc2[rr][a] = acc2[rr][a] + v * v
                    return (acc[0][0], acc[0][1], acc[1][0], acc[1][1],
                            acc2[0][0], acc2[0][1], acc2[1][0], acc2[1][1])

                accs = lax.fori_loop(0, NV // UNJ, jblk_body, (zero,) * 8)
                accb[pl.ds(2 * i * L, L)] = accs[0] + accs[1]
                accb[pl.ds((2 * i + 1) * L, L)] = accs[2] + accs[3]
                acc2b[pl.ds(2 * i * L, L)] = accs[4] + accs[5]
                acc2b[pl.ds((2 * i + 1) * L, L)] = accs[6] + accs[7]
                return carry

            lax.fori_loop(0, L // 2, pair_body, 0)
            w = _tree16([accb[pl.ds(t * L, L)] for t in range(L)], lane)
            w2 = _tree16([acc2b[pl.ds(t * L, L)] for t in range(L)], lane)
            mean = w * (1.0 / D)
            var = w2 * (1.0 / D) - mean * mean
            y = _rsqrt(var + 1e-5)
            for t in range(L):
                pm = jnp.full((L,), t, jnp.int32)
                mv2[pl.ds(t * L, L)] = _xlane(mean, pm)
                yv2[pl.ds(t * L, L)] = _xlane(y, pm)

        def pass2(base, pbase):
            def dblk_body(dblk, carry):
                d0 = dblk * (JB * L)
                gs = [g_v[pl.ds(d0 + j * L, L)] for j in range(JB)]
                bs = [be_v[pl.ds(d0 + j * L, L)] for j in range(JB)]

                def row_body(r, c2):
                    m = mv2[pl.ds(r * L, L)]
                    y = yv2[pl.ds(r * L, L)]
                    for j in range(JB):
                        sl = pl.ds(d0 + j * L, L)
                        h = ring[base + r, sl] + p_v[pbase + r, sl]
                        ring[base + r, sl] = (h - m) * y * gs[j] + bs[j]
                    return c2

                lax.fori_loop(0, RPC, row_body, 0)
                return carry

            lax.fori_loop(0, DB, dblk_body, 0)

        for cp in cp_i:
            cp.wait()
        for c in range(NBUF):
            gather_copy(c).start()
        cp_p.wait()
        cp_g.wait()
        cp_b.wait()

        def chunk_body(c, carry):
            cb = lax.rem(c, NBUF)
            base = cb * RPC
            pbase = (c // B) * RPC
            gather_copy(c).wait()
            pass1(base, pbase)
            pass2(base, pbase)
            out_copy(c).start()
            n = c + LOOK

            @pl.when(jnp.logical_and(n >= NBUF, n < CH))
            def _():
                out_copy(n - NBUF).wait()
                gather_copy(n).start()

            return carry

        lax.fori_loop(0, CH, chunk_body, 0)
        for c in range(CH - NBUF, CH):
            out_copy(c).wait()

    return emb_ln


_emb_ln = _make_kernel()


@jax.jit
def kernel(x, W, P, gamma, beta):
    return _emb_ln(x.astype(jnp.int32), W, P, gamma, beta)

# --- scband reference (transcript-rebuilt; emitter-appended) ---
"""Pipeline reference for scband-embeddings-31275951849611 (READ-ONLY COPY).

The authoritative reference and input builder live on the scoring server;
editing this copy changes nothing except your own understanding.
"""

import jax, jax.numpy as jnp
import numpy as np

VOCAB = 100000
D_MODEL = 768
MAX_POS = 2048
BATCH = 4
SEQ = 2048


def setup_inputs(seed: int = 0) -> dict:
    key = jax.random.key(seed)
    k1, k2, k3 = jax.random.split(key, 3)
    x = jax.random.randint(k1, (BATCH, SEQ), 0, VOCAB, dtype=jnp.int32).astype(jnp.int64) if False else jax.random.randint(k1, (BATCH, SEQ), 0, VOCAB)
    W = jax.random.normal(k2, (VOCAB, D_MODEL), dtype=jnp.float32) * 0.02
    P = jax.random.normal(k3, (MAX_POS, D_MODEL), dtype=jnp.float32) * 0.02
    gamma = jnp.ones((D_MODEL,), dtype=jnp.float32)
    beta = jnp.zeros((D_MODEL,), dtype=jnp.float32)
    return {"x": x, "W": W, "P": P, "gamma": gamma, "beta": beta}


def reference(x, W, P, gamma, beta):
    # word embedding lookup (gather)
    emb = jnp.take(W, x, axis=0)  # [B, S, D]
    # position embedding lookup
    seq_len = x.shape[1]
    position_ids = jnp.arange(seq_len)
    pos_emb = jnp.take(P, position_ids, axis=0)[None, :, :]  # [1, S, D]
    h = emb + pos_emb
    # LayerNorm over last dim (eps=1e-5, torch default)
    mean = jnp.mean(h, axis=-1, keepdims=True)
    var = jnp.var(h, axis=-1, keepdims=True)
    h = (h - mean) / jnp.sqrt(var + 1e-5)
    out = h * gamma + beta
    # dropout is identity in eval mode
    return out

if __name__ == "__main__":
    import jax
    _d = setup_inputs()
    print(jax.jit(kernel)(*tuple(_d.values())))

</pallas_src>

<mosaic_0001>
#map = affine_map<(d0, d1) -> (0, 0)>
#map1 = affine_map<(d0, d1) -> (0)>
#map2 = affine_map<(d0, d1) -> (0, 0, 0)>
module attributes {stable_mosaic.version = 14 : i64} {
  func.func @emb_ln(%arg0: i32, %arg1: i32, %arg2: memref<4x2048xi32, #tpu.memory_space<hbm>>, %arg3: memref<100000x768xf32, #tpu.memory_space<hbm>>, %arg4: memref<2048x768xf32, #tpu.memory_space<hbm>>, %arg5: memref<768xf32, #tpu.memory_space<hbm>>, %arg6: memref<768xf32, #tpu.memory_space<hbm>>, %arg7: memref<4x2048x768xf32, #tpu.memory_space<hbm>>, %arg8: memref<4x64xi32, #tpu.memory_space<vmem>>, %arg9: memref<64x768xf32, #tpu.memory_space<vmem>>, %arg10: memref<96x768xf32, #tpu.memory_space<vmem>>, %arg11: memref<768xf32, #tpu.memory_space<vmem>>, %arg12: memref<768xf32, #tpu.memory_space<vmem>>, %arg13: memref<256xf32, #tpu.memory_space<vmem>>, %arg14: memref<256xf32, #tpu.memory_space<vmem>>, %arg15: memref<256xf32, #tpu.memory_space<vmem>>, %arg16: memref<256xf32, #tpu.memory_space<vmem>>, %arg17: memref<6x!tpu.dma_semaphore, #tpu.memory_space<semaphore_mem>>, %arg18: memref<6x!tpu.dma_semaphore, #tpu.memory_space<semaphore_mem>>, %arg19: memref<!tpu.dma_semaphore, #tpu.memory_space<semaphore_mem>>, %arg20: memref<!tpu.dma_semaphore, #tpu.memory_space<semaphore_mem>>, %arg21: memref<!tpu.dma_semaphore, #tpu.memory_space<semaphore_mem>>, %arg22: memref<!tpu.dma_semaphore, #tpu.memory_space<semaphore_mem>>) attributes {dimension_semantics = [#tpu.dimension_semantics<core_parallel>, #tpu.dimension_semantics<subcore_parallel>], iteration_bounds = array<i64: 2, 16>, scalar_prefetch = 0 : i64, scratch_operands = 15 : i64, tpu.core_type = #tpu.core_type<sc_vector_subcore>, window_params = [{transform_indices = #map}, {transform_indices = #map}, {transform_indices = #map}, {transform_indices = #map1}, {transform_indices = #map1}, {transform_indices = #map2}]} {
    %mul3A = arith.constant 2 : i32
    %mul3A_0 = arith.muli %arg1, %mul3A : i32
    %add3A = arith.addi %mul3A_0, %arg0 : i32
    %mul3A_1 = arith.constant 64 : i32
    %mul3A_2 = arith.muli %add3A, %mul3A_1 : i32
    %dma_start3A = arith.constant 0 : i32
    %dma_start3A_3 = arith.constant 0 : i32
    %dma_start3A_4 = arith.constant 0 : i32
    %dma_start3A_5 = tpu.memref_slice %arg8[%dma_start3A_3, %dma_start3A_4] : memref<4x64xi32, #tpu.memory_space<vmem>> -> memref<1x64xi32, #tpu.memory_space<vmem>>
    %dma_start3A_6 = tpu.memref_squeeze %dma_start3A_5 : memref<1x64xi32, #tpu.memory_space<vmem>> -> memref<64xi32, #tpu.memory_space<vmem>>
    %dma_start3A_7 = tpu.memref_slice %arg2[%dma_start3A, %mul3A_2] : memref<4x2048xi32, #tpu.memory_space<hbm>> -> memref<1x64xi32, #tpu.memory_space<hbm>>
    %dma_start3A_8 = tpu.memref_squeeze %dma_start3A_7 : memref<1x64xi32, #tpu.memory_space<hbm>> -> memref<64xi32, #tpu.memory_space<hbm>>
    %dma_start3A_9 = arith.constant 0 : i32
    %dma_start3A_10 = tpu.memref_slice %arg8[%dma_start3A_3, %dma_start3A_9] : memref<4x64xi32, #tpu.memory_space<vmem>> -> memref<1x64xi32, #tpu.memory_space<vmem>>
    %dma_start3A_11 = tpu.memref_squeeze %dma_start3A_10 : memref<1x64xi32, #tpu.memory_space<vmem>> -> memref<64xi32, #tpu.memory_space<vmem>>
    %dma_start3A_12 = tpu.memref_slice %arg2[%dma_start3A, %mul3A_2] : memref<4x2048xi32, #tpu.memory_space<hbm>> -> memref<1x64xi32, #tpu.memory_space<hbm>>
    %dma_start3A_13 = tpu.memref_squeeze %dma_start3A_12 : memref<1x64xi32, #tpu.memory_space<hbm>> -> memref<64xi32, #tpu.memory_space<hbm>>
    tpu.enqueue_dma source(%dma_start3A_13 : memref<64xi32, #tpu.memory_space<hbm>>) target(%dma_start3A_11 : memref<64xi32, #tpu.memory_space<vmem>>) target_semaphore(%arg20 : memref<!tpu.dma_semaphore, #tpu.memory_space<semaphore_mem>>)
    %dma_start3A_14 = arith.constant 1 : i32
    %dma_start3A_15 = arith.constant 1 : i32
    %dma_start3A_16 = arith.constant 0 : i32
    %dma_start3A_17 = tpu.memref_slice %arg8[%dma_start3A_15, %dma_start3A_16] : memref<4x64xi32, #tpu.memory_space<vmem>> -> memref<1x64xi32, #tpu.memory_space<vmem>>
    %dma_start3A_18 = tpu.memref_squeeze %dma_start3A_17 : memref<1x64xi32, #tpu.memory_space<vmem>> -> memref<64xi32, #tpu.memory_space<vmem>>
    %dma_start3A_19 = tpu.memref_slice %arg2[%dma_start3A_14, %mul3A_2] : memref<4x2048xi32, #tpu.memory_space<hbm>> -> memref<1x64xi32, #tpu.memory_space<hbm>>
    %dma_start3A_20 = tpu.memref_squeeze %dma_start3A_19 : memref<1x64xi32, #tpu.memory_space<hbm>> -> memref<64xi32, #tpu.memory_space<hbm>>
    %dma_start3A_21 = arith.constant 0 : i32
    %dma_start3A_22 = tpu.memref_slice %arg8[%dma_start3A_15, %dma_start3A_21] : memref<4x64xi32, #tpu.memory_space<vmem>> -> memref<1x64xi32, #tpu.memory_space<vmem>>
    %dma_start3A_23 = tpu.memref_squeeze %dma_start3A_22 : memref<1x64xi32, #tpu.memory_space<vmem>> -> memref<64xi32, #tpu.memory_space<vmem>>
    %dma_start3A_24 = tpu.memref_slice %arg2[%dma_start3A_14, %mul3A_2] : memref<4x2048xi32, #tpu.memory_space<hbm>> -> memref<1x64xi32, #tpu.memory_space<hbm>>
    %dma_start3A_25 = tpu.memref_squeeze %dma_start3A_24 : memref<1x64xi32, #tpu.memory_space<hbm>> -> memref<64xi32, #tpu.memory_space<hbm>>
    tpu.enqueue_dma source(%dma_start3A_25 : memref<64xi32, #tpu.memory_space<hbm>>) target(%dma_start3A_23 : memref<64xi32, #tpu.memory_space<vmem>>) target_semaphore(%arg20 : memref<!tpu.dma_semaphore, #tpu.memory_space<semaphore_mem>>)
    %dma_start3A_26 = arith.constant 2 : i32
    %dma_start3A_27 = arith.constant 2 : i32
    %dma_start3A_28 = arith.constant 0 : i32
    %dma_start3A_29 = tpu.memref_slice %arg8[%dma_start3A_27, %dma_start3A_28] : memref<4x64xi32, #tpu.memory_space<vmem>> -> memref<1x64xi32, #tpu.memory_space<vmem>>
    %dma_start3A_30 = tpu.memref_squeeze %dma_start3A_29 : memref<1x64xi32, #tpu.memory_space<vmem>> -> memref<64xi32, #tpu.memory_space<vmem>>
    %dma_start3A_31 = tpu.memref_slice %arg2[%dma_start3A_26, %mul3A_2] : memref<4x2048xi32, #tpu.memory_space<hbm>> -> memref<1x64xi32, #tpu.memory_space<hbm>>
    %dma_start3A_32 = tpu.memref_squeeze %dma_start3A_31 : memref<1x64xi32, #tpu.memory_space<hbm>> -> memref<64xi32, #tpu.memory_space<hbm>>
    %dma_start3A_33 = arith.constant 0 : i32
    %dma_start3A_34 = tpu.memref_slice %arg8[%dma_start3A_27, %dma_start3A_33] : memref<4x64xi32, #tpu.memory_space<vmem>> -> memref<1x64xi32, #tpu.memory_space<vmem>>
    %dma_start3A_35 = tpu.memref_squeeze %dma_start3A_34 : memref<1x64xi32, #tpu.memory_space<vmem>> -> memref<64xi32, #tpu.memory_space<vmem>>
    %dma_start3A_36 = tpu.memref_slice %arg2[%dma_start3A_26, %mul3A_2] : memref<4x2048xi32, #tpu.memory_space<hbm>> -> memref<1x64xi32, #tpu.memory_space<hbm>>
    %dma_start3A_37 = tpu.memref_squeeze %dma_start3A_36 : memref<1x64xi32, #tpu.memory_space<hbm>> -> memref<64xi32, #tpu.memory_space<hbm>>
    tpu.enqueue_dma source(%dma_start3A_37 : memref<64xi32, #tpu.memory_space<hbm>>) target(%dma_start3A_35 : memref<64xi32, #tpu.memory_space<vmem>>) target_semaphore(%arg20 : memref<!tpu.dma_semaphore, #tpu.memory_space<semaphore_mem>>)
    %dma_start3A_38 = arith.constant 3 : i32
    %dma_start3A_39 = arith.constant 3 : i32
    %dma_start3A_40 = arith.constant 0 : i32
    %dma_start3A_41 = tpu.memref_slice %arg8[%dma_start3A_39, %dma_start3A_40] : memref<4x64xi32, #tpu.memory_space<vmem>> -> memref<1x64xi32, #tpu.memory_space<vmem>>
    %dma_start3A_42 = tpu.memref_squeeze %dma_start3A_41 : memref<1x64xi32, #tpu.memory_space<vmem>> -> memref<64xi32, #tpu.memory_space<vmem>>
    %dma_start3A_43 = tpu.memref_slice %arg2[%dma_start3A_38, %mul3A_2] : memref<4x2048xi32, #tpu.memory_space<hbm>> -> memref<1x64xi32, #tpu.memory_space<hbm>>
    %dma_start3A_44 = tpu.memref_squeeze %dma_start3A_43 : memref<1x64xi32, #tpu.memory_space<hbm>> -> memref<64xi32, #tpu.memory_space<hbm>>
    %dma_start3A_45 = arith.constant 0 : i32
    %dma_start3A_46 = tpu.memref_slice %arg8[%dma_start3A_39, %dma_start3A_45] : memref<4x64xi32, #tpu.memory_space<vmem>> -> memref<1x64xi32, #tpu.memory_space<vmem>>
    %dma_start3A_47 = tpu.memref_squeeze %dma_start3A_46 : memref<1x64xi32, #tpu.memory_space<vmem>> -> memref<64xi32, #tpu.memory_space<vmem>>
    %dma_start3A_48 = tpu.memref_slice %arg2[%dma_start3A_38, %mul3A_2] : memref<4x2048xi32, #tpu.memory_space<hbm>> -> memref<1x64xi32, #tpu.memory_space<hbm>>
    %dma_start3A_49 = tpu.memref_squeeze %dma_start3A_48 : memref<1x64xi32, #tpu.memory_space<hbm>> -> memref<64xi32, #tpu.memory_space<hbm>>
    tpu.enqueue_dma source(%dma_start3A_49 : memref<64xi32, #tpu.memory_space<hbm>>) target(%dma_start3A_47 : memref<64xi32, #tpu.memory_space<vmem>>) target_semaphore(%arg20 : memref<!tpu.dma_semaphore, #tpu.memory_space<semaphore_mem>>)
    %dma_start3A_50 = arith.constant 0 : i32
    %dma_start3A_51 = tpu.memref_slice %arg4[%mul3A_2, %dma_start3A_50] : memref<2048x768xf32, #tpu.memory_space<hbm>> -> memref<64x768xf32, #tpu.memory_space<hbm>>
    %dma_start3A_52 = arith.constant 0 : i32
    %dma_start3A_53 = tpu.memref_slice %arg4[%mul3A_2, %dma_start3A_52] : memref<2048x768xf32, #tpu.memory_space<hbm>> -> memref<64x768xf32, #tpu.memory_space<hbm>>
    tpu.enqueue_dma source(%dma_start3A_53 : memref<64x768xf32, #tpu.memory_space<hbm>>) target(%arg9 : memref<64x768xf32, #tpu.memory_space<vmem>>) target_semaphore(%arg19 : memref<!tpu.dma_semaphore, #tpu.memory_space<semaphore_mem>>)
    tpu.enqueue_dma source(%arg5 : memref<768xf32, #tpu.memory_space<hbm>>) target(%arg11 : memref<768xf32, #tpu.memory_space<vmem>>) target_semaphore(%arg21 : memref<!tpu.dma_semaphore, #tpu.memory_space<semaphore_mem>>)
    tpu.enqueue_dma source(%arg6 : memref<768xf32, #tpu.memory_space<hbm>>) target(%arg12 : memref<768xf32, #tpu.memory_space<vmem>>) target_semaphore(%arg22 : memref<!tpu.dma_semaphore, #tpu.memory_space<semaphore_mem>>)
    %iota3A = tpu.iota {dimensions = array<i32: 0>} : vector<16xi32>
    %broadcast_in_dim3A = arith.constant 0.000000e+00 : f32
    %broadcast_in_dim3A_54 = vector.broadcast %broadcast_in_dim3A : f32 to vector<16xf32>
    %dma_wait3A = arith.constant 0 : i32
    %dma_wait3A_55 = arith.constant 0 : i32
    %dma_wait3A_56 = arith.constant 0 : i32
    %dma_wait3A_57 = tpu.memref_slice %arg8[%dma_wait3A_55, %dma_wait3A_56] : memref<4x64xi32, #tpu.memory_space<vmem>> -> memref<1x64xi32, #tpu.memory_space<vmem>>
    %dma_wait3A_58 = tpu.memref_squeeze %dma_wait3A_57 : memref<1x64xi32, #tpu.memory_space<vmem>> -> memref<64xi32, #tpu.memory_space<vmem>>
    %dma_wait3A_59 = tpu.memref_slice %arg2[%dma_wait3A, %mul3A_2] : memref<4x2048xi32, #tpu.memory_space<hbm>> -> memref<1x64xi32, #tpu.memory_space<hbm>>
    %dma_wait3A_60 = tpu.memref_squeeze %dma_wait3A_59 : memref<1x64xi32, #tpu.memory_space<hbm>> -> memref<64xi32, #tpu.memory_space<hbm>>
    %dma_wait3A_61 = arith.constant 0 : i32
    %dma_wait3A_62 = tpu.memref_slice %arg8[%dma_wait3A_55, %dma_wait3A_61] : memref<4x64xi32, #tpu.memory_space<vmem>> -> memref<1x64xi32, #tpu.memory_space<vmem>>
    %dma_wait3A_63 = tpu.memref_squeeze %dma_wait3A_62 : memref<1x64xi32, #tpu.memory_space<vmem>> -> memref<64xi32, #tpu.memory_space<vmem>>
    %dma_wait3A_64 = tpu.memref_slice %arg2[%dma_wait3A, %mul3A_2] : memref<4x2048xi32, #tpu.memory_space<hbm>> -> memref<1x64xi32, #tpu.memory_space<hbm>>
    %dma_wait3A_65 = tpu.memref_squeeze %dma_wait3A_64 : memref<1x64xi32, #tpu.memory_space<hbm>> -> memref<64xi32, #tpu.memory_space<hbm>>
    tpu.wait_dma2 semaphore(%arg20 : memref<!tpu.dma_semaphore, #tpu.memory_space<semaphore_mem>>) src(%dma_wait3A_65 : memref<64xi32, #tpu.memory_space<hbm>>) dst(%dma_wait3A_63 : memref<64xi32, #tpu.memory_space<vmem>>)
    %dma_wait3A_66 = arith.constant 1 : i32
    %dma_wait3A_67 = arith.constant 1 : i32
    %dma_wait3A_68 = arith.constant 0 : i32
    %dma_wait3A_69 = tpu.memref_slice %arg8[%dma_wait3A_67, %dma_wait3A_68] : memref<4x64xi32, #tpu.memory_space<vmem>> -> memref<1x64xi32, #tpu.memory_space<vmem>>
    %dma_wait3A_70 = tpu.memref_squeeze %dma_wait3A_69 : memref<1x64xi32, #tpu.memory_space<vmem>> -> memref<64xi32, #tpu.memory_space<vmem>>
    %dma_wait3A_71 = tpu.memref_slice %arg2[%dma_wait3A_66, %mul3A_2] : memref<4x2048xi32, #tpu.memory_space<hbm>> -> memref<1x64xi32, #tpu.memory_space<hbm>>
    %dma_wait3A_72 = tpu.memref_squeeze %dma_wait3A_71 : memref<1x64xi32, #tpu.memory_space<hbm>> -> memref<64xi32, #tpu.memory_space<hbm>>
    %dma_wait3A_73 = arith.constant 0 : i32
    %dma_wait3A_74 = tpu.memref_slice %arg8[%dma_wait3A_67, %dma_wait3A_73] : memref<4x64xi32, #tpu.memory_space<vmem>> -> memref<1x64xi32, #tpu.memory_space<vmem>>
    %dma_wait3A_75 = tpu.memref_squeeze %dma_wait3A_74 : memref<1x64xi32, #tpu.memory_space<vmem>> -> memref<64xi32, #tpu.memory_space<vmem>>
    %dma_wait3A_76 = tpu.memref_slice %arg2[%dma_wait3A_66, %mul3A_2] : memref<4x2048xi32, #tpu.memory_space<hbm>> -> memref<1x64xi32, #tpu.memory_space<hbm>>
    %dma_wait3A_77 = tpu.memref_squeeze %dma_wait3A_76 : memref<1x64xi32, #tpu.memory_space<hbm>> -> memref<64xi32, #tpu.memory_space<hbm>>
    tpu.wait_dma2 semaphore(%arg20 : memref<!tpu.dma_semaphore, #tpu.memory_space<semaphore_mem>>) src(%dma_wait3A_77 : memref<64xi32, #tpu.memory_space<hbm>>) dst(%dma_wait3A_75 : memref<64xi32, #tpu.memory_space<vmem>>)
    %dma_wait3A_78 = arith.constant 2 : i32
    %dma_wait3A_79 = arith.constant 2 : i32
    %dma_wait3A_80 = arith.constant 0 : i32
    %dma_wait3A_81 = tpu.memref_slice %arg8[%dma_wait3A_79, %dma_wait3A_80] : memref<4x64xi32, #tpu.memory_space<vmem>> -> memref<1x64xi32, #tpu.memory_space<vmem>>
    %dma_wait3A_82 = tpu.memref_squeeze %dma_wait3A_81 : memref<1x64xi32, #tpu.memory_space<vmem>> -> memref<64xi32, #tpu.memory_space<vmem>>
    %dma_wait3A_83 = tpu.memref_slice %arg2[%dma_wait3A_78, %mul3A_2] : memref<4x2048xi32, #tpu.memory_space<hbm>> -> memref<1x64xi32, #tpu.memory_space<hbm>>
    %dma_wait3A_84 = tpu.memref_squeeze %dma_wait3A_83 : memref<1x64xi32, #tpu.memory_space<hbm>> -> memref<64xi32, #tpu.memory_space<hbm>>
    %dma_wait3A_85 = arith.constant 0 : i32
    %dma_wait3A_86 = tpu.memref_slice %arg8[%dma_wait3A_79, %dma_wait3A_85] : memref<4x64xi32, #tpu.memory_space<vmem>> -> memref<1x64xi32, #tpu.memory_space<vmem>>
    %dma_wait3A_87 = tpu.memref_squeeze %dma_wait3A_86 : memref<1x64xi32, #tpu.memory_space<vmem>> -> memref<64xi32, #tpu.memory_space<vmem>>
    %dma_wait3A_88 = tpu.memref_slice %arg2[%dma_wait3A_78, %mul3A_2] : memref<4x2048xi32, #tpu.memory_space<hbm>> -> memref<1x64xi32, #tpu.memory_space<hbm>>
    %dma_wait3A_89 = tpu.memref_squeeze %dma_wait3A_88 : memref<1x64xi32, #tpu.memory_space<hbm>> -> memref<64xi32, #tpu.memory_space<hbm>>
    tpu.wait_dma2 semaphore(%arg20 : memref<!tpu.dma_semaphore, #tpu.memory_space<semaphore_mem>>) src(%dma_wait3A_89 : memref<64xi32, #tpu.memory_space<hbm>>) dst(%dma_wait3A_87 : memref<64xi32, #tpu.memory_space<vmem>>)
    %dma_wait3A_90 = arith.constant 3 : i32
    %dma_wait3A_91 = arith.constant 3 : i32
    %dma_wait3A_92 = arith.constant 0 : i32
    %dma_wait3A_93 = tpu.memref_slice %arg8[%dma_wait3A_91, %dma_wait3A_92] : memref<4x64xi32, #tpu.memory_space<vmem>> -> memref<1x64xi32, #tpu.memory_space<vmem>>
    %dma_wait3A_94 = tpu.memref_squeeze %dma_wait3A_93 : memref<1x64xi32, #tpu.memory_space<vmem>> -> memref<64xi32, #tpu.memory_space<vmem>>
    %dma_wait3A_95 = tpu.memref_slice %arg2[%dma_wait3A_90, %mul3A_2] : memref<4x2048xi32, #tpu.memory_space<hbm>> -> memref<1x64xi32, #tpu.memory_space<hbm>>
    %dma_wait3A_96 = tpu.memref_squeeze %dma_wait3A_95 : memref<1x64xi32, #tpu.memory_space<hbm>> -> memref<64xi32, #tpu.memory_space<hbm>>
    %dma_wait3A_97 = arith.constant 0 : i32
    %dma_wait3A_98 = tpu.memref_slice %arg8[%dma_wait3A_91, %dma_wait3A_97] : memref<4x64xi32, #tpu.memory_space<vmem>> -> memref<1x64xi32, #tpu.memory_space<vmem>>
    %dma_wait3A_99 = tpu.memref_squeeze %dma_wait3A_98 : memref<1x64xi32, #tpu.memory_space<vmem>> -> memref<64xi32, #tpu.memory_space<vmem>>
    %dma_wait3A_100 = tpu.memref_slice %arg2[%dma_wait3A_90, %mul3A_2] : memref<4x2048xi32, #tpu.memory_space<hbm>> -> memref<1x64xi32, #tpu.memory_space<hbm>>
    %dma_wait3A_101 = tpu.memref_squeeze %dma_wait3A_100 : memref<1x64xi32, #tpu.memory_space<hbm>> -> memref<64xi32, #tpu.memory_space<hbm>>
    tpu.wait_dma2 semaphore(%arg20 : memref<!tpu.dma_semaphore, #tpu.memory_space<semaphore_mem>>) src(%dma_wait3A_101 : memref<64xi32, #tpu.memory_space<hbm>>) dst(%dma_wait3A_99 : memref<64xi32, #tpu.memory_space<vmem>>)
    %dma_start3A_102 = arith.constant 0 : i32
    %dma_start3A_103 = arith.constant 0 : i32
    %dma_start3A_104 = arith.constant 0 : i32
    %dma_start3A_105 = arith.constant 0 : i32
    %dma_start3A_106 = tpu.memref_slice %arg10[%dma_start3A_104, %dma_start3A_105] : memref<96x768xf32, #tpu.memory_space<vmem>> -> memref<16x768xf32, #tpu.memory_space<vmem>>
    %dma_start3A_107 = arith.constant 0 : i32
    %dma_start3A_108 = tpu.memref_slice %arg8[%dma_start3A_102, %dma_start3A_107] : memref<4x64xi32, #tpu.memory_space<vmem>> -> memref<1x16xi32, #tpu.memory_space<vmem>>
    %dma_start3A_109 = tpu.memref_squeeze %dma_start3A_108 : memref<1x16xi32, #tpu.memory_space<vmem>> -> memref<16xi32, #tpu.memory_space<vmem>>
    %dma_start3A_110 = arith.constant 0 : i32
    %dma_start3A_111 = arith.constant 0 : i32
    %dma_start3A_112 = tpu.memref_slice %arg3[%dma_start3A_110, %dma_start3A_111] : memref<100000x768xf32, #tpu.memory_space<hbm>> -> memref<100000x768xf32, #tpu.memory_space<hbm>>
    %dma_start3A_113 = tpu.memref_slice %arg17[%dma_start3A_103] : memref<6x!tpu.dma_semaphore, #tpu.memory_space<semaphore_mem>> -> memref<1x!tpu.dma_semaphore, #tpu.memory_space<semaphore_mem>>
    %dma_start3A_114 = tpu.memref_squeeze %dma_start3A_113 : memref<1x!tpu.dma_semaphore, #tpu.memory_space<semaphore_mem>> -> memref<!tpu.dma_semaphore, #tpu.memory_space<semaphore_mem>>
    tpu.enqueue_indirect_dma source(%dma_start3A_112 : memref<100000x768xf32, #tpu.memory_space<hbm>>) target(%dma_start3A_106 : memref<16x768xf32, #tpu.memory_space<vmem>>) offsets(%dma_start3A_109 : memref<16xi32, #tpu.memory_space<vmem>>) semaphore(%dma_start3A_114 : memref<!tpu.dma_semaphore, #tpu.memory_space<semaphore_mem>>)
    %dma_start3A_115 = arith.constant 1 : i32
    %dma_start3A_116 = arith.constant 1 : i32
    %dma_start3A_117 = arith.constant 16 : i32
    %dma_start3A_118 = arith.constant 0 : i32
    %dma_start3A_119 = tpu.memref_slice %arg10[%dma_start3A_117, %dma_start3A_118] : memref<96x768xf32, #tpu.memory_space<vmem>> -> memref<16x768xf32, #tpu.memory_space<vmem>>
    %dma_start3A_120 = arith.constant 0 : i32
    %dma_start3A_121 = tpu.memref_slice %arg8[%dma_start3A_115, %dma_start3A_120] : memref<4x64xi32, #tpu.memory_space<vmem>> -> memref<1x16xi32, #tpu.memory_space<vmem>>
    %dma_start3A_122 = tpu.memref_squeeze %dma_start3A_121 : memref<1x16xi32, #tpu.memory_space<vmem>> -> memref<16xi32, #tpu.memory_space<vmem>>
    %dma_start3A_123 = arith.constant 0 : i32
    %dma_start3A_124 = arith.constant 0 : i32
    %dma_start3A_125 = tpu.memref_slice %arg3[%dma_start3A_123, %dma_start3A_124] : memref<100000x768xf32, #tpu.memory_space<hbm>> -> memref<100000x768xf32, #tpu.memory_space<hbm>>
    %dma_start3A_126 = tpu.memref_slice %arg17[%dma_start3A_116] : memref<6x!tpu.dma_semaphore, #tpu.memory_space<semaphore_mem>> -> memref<1x!tpu.dma_semaphore, #tpu.memory_space<semaphore_mem>>
    %dma_start3A_127 = tpu.memref_squeeze %dma_start3A_126 : memref<1x!tpu.dma_semaphore, #tpu.memory_space<semaphore_mem>> -> memref<!tpu.dma_semaphore, #tpu.memory_space<semaphore_mem>>
    tpu.enqueue_indirect_dma source(%dma_start3A_125 : memref<100000x768xf32, #tpu.memory_space<hbm>>) target(%dma_start3A_119 : memref<16x768xf32, #tpu.memory_space<vmem>>) offsets(%dma_start3A_122 : memref<16xi32, #tpu.memory_space<vmem>>) semaphore(%dma_start3A_127 : memref<!tpu.dma_semaphore, #tpu.memory_space<semaphore_mem>>)
    %dma_start3A_128 = arith.constant 2 : i32
    %dma_start3A_129 = arith.constant 2 : i32
    %dma_start3A_130 = arith.constant 32 : i32
    %dma_start3A_131 = arith.constant 0 : i32
    %dma_start3A_132 = tpu.memref_slice %arg10[%dma_start3A_130, %dma_start3A_131] : memref<96x768xf32, #tpu.memory_space<vmem>> -> memref<16x768xf32, #tpu.memory_space<vmem>>
    %dma_start3A_133 = arith.constant 0 : i32
    %dma_start3A_134 = tpu.memref_slice %arg8[%dma_start3A_128, %dma_start3A_133] : memref<4x64xi32, #tpu.memory_space<vmem>> -> memref<1x16xi32, #tpu.memory_space<vmem>>
    %dma_start3A_135 = tpu.memref_squeeze %dma_start3A_134 : memref<1x16xi32, #tpu.memory_space<vmem>> -> memref<16xi32, #tpu.memory_space<vmem>>
    %dma_start3A_136 = arith.constant 0 : i32
    %dma_start3A_137 = arith.constant 0 : i32
    %dma_start3A_138 = tpu.memref_slice %arg3[%dma_start3A_136, %dma_start3A_137] : memref<100000x768xf32, #tpu.memory_space<hbm>> -> memref<100000x768xf32, #tpu.memory_space<hbm>>
    %dma_start3A_139 = tpu.memref_slice %arg17[%dma_start3A_129] : memref<6x!tpu.dma_semaphore, #tpu.memory_space<semaphore_mem>> -> memref<1x!tpu.dma_semaphore, #tpu.memory_space<semaphore_mem>>
    %dma_start3A_140 = tpu.memref_squeeze %dma_start3A_139 : memref<1x!tpu.dma_semaphore, #tpu.memory_space<semaphore_mem>> -> memref<!tpu.dma_semaphore, #tpu.memory_space<semaphore_mem>>
    tpu.enqueue_indirect_dma source(%dma_start3A_138 : memref<100000x768xf32, #tpu.memory_space<hbm>>) target(%dma_start3A_132 : memref<16x768xf32, #tpu.memory_space<vmem>>) offsets(%dma_start3A_135 : memref<16xi32, #tpu.memory_space<vmem>>) semaphore(%dma_start3A_140 : memref<!tpu.dma_semaphore, #tpu.memory_space<semaphore_mem>>)
    %dma_start3A_141 = arith.constant 3 : i32
    %dma_start3A_142 = arith.constant 3 : i32
    %dma_start3A_143 = arith.constant 48 : i32
    %dma_start3A_144 = arith.constant 0 : i32
    %dma_start3A_145 = tpu.memref_slice %arg10[%dma_start3A_143, %dma_start3A_144] : memref<96x768xf32, #tpu.memory_space<vmem>> -> memref<16x768xf32, #tpu.memory_space<vmem>>
    %dma_start3A_146 = arith.constant 0 : i32
    %dma_start3A_147 = tpu.memref_slice %arg8[%dma_start3A_141, %dma_start3A_146] : memref<4x64xi32, #tpu.memory_space<vmem>> -> memref<1x16xi32, #tpu.memory_space<vmem>>
    %dma_start3A_148 = tpu.memref_squeeze %dma_start3A_147 : memref<1x16xi32, #tpu.memory_space<vmem>> -> memref<16xi32, #tpu.memory_space<vmem>>
    %dma_start3A_149 = arith.constant 0 : i32
    %dma_start3A_150 = arith.constant 0 : i32
    %dma_start3A_151 = tpu.memref_slice %arg3[%dma_start3A_149, %dma_start3A_150] : memref<100000x768xf32, #tpu.memory_space<hbm>> -> memref<100000x768xf32, #tpu.memory_space<hbm>>
    %dma_start3A_152 = tpu.memref_slice %arg17[%dma_start3A_142] : memref<6x!tpu.dma_semaphore, #tpu.memory_space<semaphore_mem>> -> memref<1x!tpu.dma_semaphore, #tpu.memory_space<semaphore_mem>>
    %dma_start3A_153 = tpu.memref_squeeze %dma_start3A_152 : memref<1x!tpu.dma_semaphore, #tpu.memory_space<semaphore_mem>> -> memref<!tpu.dma_semaphore, #tpu.memory_space<semaphore_mem>>
    tpu.enqueue_indirect_dma source(%dma_start3A_151 : memref<100000x768xf32, #tpu.memory_space<hbm>>) target(%dma_start3A_145 : memref<16x768xf32, #tpu.memory_space<vmem>>) offsets(%dma_start3A_148 : memref<16xi32, #tpu.memory_space<vmem>>) semaphore(%dma_start3A_153 : memref<!tpu.dma_semaphore, #tpu.memory_space<semaphore_mem>>)
    %dma_start3A_154 = arith.constant 0 : i32
    %dma_start3A_155 = arith.constant 4 : i32
    %dma_start3A_156 = arith.constant 64 : i32
    %dma_start3A_157 = arith.constant 0 : i32
    %dma_start3A_158 = tpu.memref_slice %arg10[%dma_start3A_156, %dma_start3A_157] : memref<96x768xf32, #tpu.memory_space<vmem>> -> memref<16x768xf32, #tpu.memory_space<vmem>>
    %dma_start3A_159 = arith.constant 16 : i32
    %dma_start3A_160 = tpu.memref_slice %arg8[%dma_start3A_154, %dma_start3A_159] : memref<4x64xi32, #tpu.memory_space<vmem>> -> memref<1x16xi32, #tpu.memory_space<vmem>>
    %dma_start3A_161 = tpu.memref_squeeze %dma_start3A_160 : memref<1x16xi32, #tpu.memory_space<vmem>> -> memref<16xi32, #tpu.memory_space<vmem>>
    %dma_start3A_162 = arith.constant 0 : i32
    %dma_start3A_163 = arith.constant 0 : i32
    %dma_start3A_164 = tpu.memref_slice %arg3[%dma_start3A_162, %dma_start3A_163] : memref<100000x768xf32, #tpu.memory_space<hbm>> -> memref<100000x768xf32, #tpu.memory_space<hbm>>
    %dma_start3A_165 = tpu.memref_slice %arg17[%dma_start3A_155] : memref<6x!tpu.dma_semaphore, #tpu.memory_space<semaphore_mem>> -> memref<1x!tpu.dma_semaphore, #tpu.memory_space<semaphore_mem>>
    %dma_start3A_166 = tpu.memref_squeeze %dma_start3A_165 : memref<1x!tpu.dma_semaphore, #tpu.memory_space<semaphore_mem>> -> memref<!tpu.dma_semaphore, #tpu.memory_space<semaphore_mem>>
    tpu.enqueue_indirect_dma source(%dma_start3A_164 : memref<100000x768xf32, #tpu.memory_space<hbm>>) target(%dma_start3A_158 : memref<16x768xf32, #tpu.memory_space<vmem>>) offsets(%dma_start3A_161 : memref<16xi32, #tpu.memory_space<vmem>>) semaphore(%dma_start3A_166 : memref<!tpu.dma_semaphore, #tpu.memory_space<semaphore_mem>>)
    %dma_start3A_167 = arith.constant 1 : i32
    %dma_start3A_168 = arith.constant 5 : i32
    %dma_start3A_169 = arith.constant 80 : i32
    %dma_start3A_170 = arith.constant 0 : i32
    %dma_start3A_171 = tpu.memref_slice %arg10[%dma_start3A_169, %dma_start3A_170] : memref<96x768xf32, #tpu.memory_space<vmem>> -> memref<16x768xf32, #tpu.memory_space<vmem>>
    %dma_start3A_172 = arith.constant 16 : i32
    %dma_start3A_173 = tpu.memref_slice %arg8[%dma_start3A_167, %dma_start3A_172] : memref<4x64xi32, #tpu.memory_space<vmem>> -> memref<1x16xi32, #tpu.memory_space<vmem>>
    %dma_start3A_174 = tpu.memref_squeeze %dma_start3A_173 : memref<1x16xi32, #tpu.memory_space<vmem>> -> memref<16xi32, #tpu.memory_space<vmem>>
    %dma_start3A_175 = arith.constant 0 : i32
    %dma_start3A_176 = arith.constant 0 : i32
    %dma_start3A_177 = tpu.memref_slice %arg3[%dma_start3A_175, %dma_start3A_176] : memref<100000x768xf32, #tpu.memory_space<hbm>> -> memref<100000x768xf32, #tpu.memory_space<hbm>>
    %dma_start3A_178 = tpu.memref_slice %arg17[%dma_start3A_168] : memref<6x!tpu.dma_semaphore, #tpu.memory_space<semaphore_mem>> -> memref<1x!tpu.dma_semaphore, #tpu.memory_space<semaphore_mem>>
    %dma_start3A_179 = tpu.memref_squeeze %dma_start3A_178 : memref<1x!tpu.dma_semaphore, #tpu.memory_space<semaphore_mem>> -> memref<!tpu.dma_semaphore, #tpu.memory_space<semaphore_mem>>
    tpu.enqueue_indirect_dma source(%dma_start3A_177 : memref<100000x768xf32, #tpu.memory_space<hbm>>) target(%dma_start3A_171 : memref<16x768xf32, #tpu.memory_space<vmem>>) offsets(%dma_start3A_174 : memref<16xi32, #tpu.memory_space<vmem>>) semaphore(%dma_start3A_179 : memref<!tpu.dma_semaphore, #tpu.memory_space<semaphore_mem>>)
    %dma_wait3A_180 = arith.constant 0 : i32
    %dma_wait3A_181 = tpu.memref_slice %arg4[%mul3A_2, %dma_wait3A_180] : memref<2048x768xf32, #tpu.memory_space<hbm>> -> memref<64x768xf32, #tpu.memory_space<hbm>>
    %dma_wait3A_182 = arith.constant 0 : i32
    %dma_wait3A_183 = tpu.memref_slice %arg4[%mul3A_2, %dma_wait3A_182] : memref<2048x768xf32, #tpu.memory_space<hbm>> -> memref<64x768xf32, #tpu.memory_space<hbm>>
    tpu.wait_dma2 semaphore(%arg19 : memref<!tpu.dma_semaphore, #tpu.memory_space<semaphore_mem>>) src(%dma_wait3A_183 : memref<64x768xf32, #tpu.memory_space<hbm>>) dst(%arg9 : memref<64x768xf32, #tpu.memory_space<vmem>>)
    tpu.wait_dma2 semaphore(%arg21 : memref<!tpu.dma_semaphore, #tpu.memory_space<semaphore_mem>>) src(%arg5 : memref<768xf32, #tpu.memory_space<hbm>>) dst(%arg11 : memref<768xf32, #tpu.memory_space<vmem>>)
    tpu.wait_dma2 semaphore(%arg22 : memref<!tpu.dma_semaphore, #tpu.memory_space<semaphore_mem>>) src(%arg6 : memref<768xf32, #tpu.memory_space<hbm>>) dst(%arg12 : memref<768xf32, #tpu.memory_space<vmem>>)
    %scan3A = arith.constant 0 : i32
    %scan3A_184 = arith.constant 0 : i32
    %scan3A_185 = arith.constant 16 : i32
    %scan3A_186 = arith.addi %scan3A_184, %scan3A_185 : i32
    %scan3A_187 = arith.constant 1 : i32
    scf.for %scan3A_297 = %scan3A_184 to %scan3A_186 step %scan3A_187  : i32 {
      %rem3A = arith.constant 6 : i32
      %rem3A_298 = arith.remsi %scan3A_297, %rem3A : i32
      %mul3A_299 = arith.constant 16 : i32
      %mul3A_300 = arith.muli %rem3A_298, %mul3A_299 : i32
      %jit3A = arith.constant 4 : i32
      %div3A = arith.divsi %scan3A_297, %jit3A : i32
      %sign3A = arith.constant 0 : i32
      %sign3A_301 = arith.cmpi sgt, %scan3A_297, %sign3A : i32
      %sign3A_302 = arith.extui %sign3A_301 : i1 to i32
      %sign3A_303 = arith.constant 0 : i32
      %sign3A_304 = arith.cmpi slt, %scan3A_297, %sign3A_303 : i32
      %sign3A_305 = arith.extui %sign3A_304 : i1 to i32
      %sign3A_306 = arith.subi %sign3A_302, %sign3A_305 : i32
      %sign3A_307 = arith.constant 0 : i32
      %sign3A_308 = arith.cmpi sgt, %jit3A, %sign3A_307 : i32
      %sign3A_309 = arith.extui %sign3A_308 : i1 to i32
      %sign3A_310 = arith.constant 0 : i32
      %sign3A_311 = arith.cmpi slt, %jit3A, %sign3A_310 : i32
      %sign3A_312 = arith.extui %sign3A_311 : i1 to i32
      %sign3A_313 = arith.subi %sign3A_309, %sign3A_312 : i32
      %ne3A = arith.cmpi ne, %sign3A_306, %sign3A_313 : i32
      %rem3A_314 = arith.remsi %scan3A_297, %jit3A : i32
      %ne3A_315 = arith.constant 0 : i32
      %ne3A_316 = arith.cmpi ne, %rem3A_314, %ne3A_315 : i32
      %and3A = arith.andi %ne3A, %ne3A_316 : i1
      %sub3A = arith.constant 1 : i32
      %sub3A_317 = arith.subi %div3A, %sub3A : i32
      %select_n3A = arith.select %and3A, %sub3A_317, %div3A : i32
      %mul3A_318 = arith.constant 16 : i32
      %mul3A_319 = arith.muli %select_n3A, %mul3A_318 : i32
      %jit3A_320 = arith.constant 4 : i32
      %div3A_321 = arith.divsi %scan3A_297, %jit3A_320 : i32
      %sign3A_322 = arith.constant 0 : i32
      %sign3A_323 = arith.cmpi sgt, %scan3A_297, %sign3A_322 : i32
      %sign3A_324 = arith.extui %sign3A_323 : i1 to i32
      %sign3A_325 = arith.constant 0 : i32
      %sign3A_326 = arith.cmpi slt, %scan3A_297, %sign3A_325 : i32
      %sign3A_327 = arith.extui %sign3A_326 : i1 to i32
      %sign3A_328 = arith.subi %sign3A_324, %sign3A_327 : i32
      %sign3A_329 = arith.constant 0 : i32
      %sign3A_330 = arith.cmpi sgt, %jit3A_320, %sign3A_329 : i32
      %sign3A_331 = arith.extui %sign3A_330 : i1 to i32
      %sign3A_332 = arith.constant 0 : i32
      %sign3A_333 = arith.cmpi slt, %jit3A_320, %sign3A_332 : i32
      %sign3A_334 = arith.extui %sign3A_333 : i1 to i32
      %sign3A_335 = arith.subi %sign3A_331, %sign3A_334 : i32
      %ne3A_336 = arith.cmpi ne, %sign3A_328, %sign3A_335 : i32
      %rem3A_337 = arith.remsi %scan3A_297, %jit3A_320 : i32
      %ne3A_338 = arith.constant 0 : i32
      %ne3A_339 = arith.cmpi ne, %rem3A_337, %ne3A_338 : i32
      %and3A_340 = arith.andi %ne3A_336, %ne3A_339 : i1
      %sub3A_341 = arith.constant 1 : i32
      %sub3A_342 = arith.subi %div3A_321, %sub3A_341 : i32
      %select_n3A_343 = arith.select %and3A_340, %sub3A_342, %div3A_321 : i32
      %jit3A_344 = arith.constant 4 : i32
      %eq3A = arith.constant 0 : i32
      %eq3A_345 = arith.cmpi eq, %jit3A_344, %eq3A : i32
      %jit3A_346 = arith.constant 1 : i32
      %select_n3A_347 = arith.select %eq3A_345, %jit3A_346, %jit3A_344 : i32
      %rem3A_348 = arith.remsi %scan3A_297, %select_n3A_347 : i32
      %ne3A_349 = arith.constant 0 : i32
      %ne3A_350 = arith.cmpi ne, %rem3A_348, %ne3A_349 : i32
      %lt3A = arith.constant 0 : i32
      %lt3A_351 = arith.cmpi slt, %rem3A_348, %lt3A : i32
      %lt3A_352 = arith.constant 0 : i32
      %lt3A_353 = arith.cmpi slt, %select_n3A_347, %lt3A_352 : i32
      %ne3A_354 = arith.xori %lt3A_351, %lt3A_353 : i1
      %and3A_355 = arith.andi %ne3A_354, %ne3A_350 : i1
      %add3A_356 = arith.addi %rem3A_348, %select_n3A_347 : i32
      %select_n3A_357 = arith.select %and3A_355, %add3A_356, %rem3A_348 : i32
      %jit3A_358 = arith.constant 6 : i32
      %eq3A_359 = arith.constant 0 : i32
      %eq3A_360 = arith.cmpi eq, %jit3A_358, %eq3A_359 : i32
      %jit3A_361 = arith.constant 1 : i32
      %select_n3A_362 = arith.select %eq3A_360, %jit3A_361, %jit3A_358 : i32
      %rem3A_363 = arith.remsi %scan3A_297, %select_n3A_362 : i32
      %ne3A_364 = arith.constant 0 : i32
      %ne3A_365 = arith.cmpi ne, %rem3A_363, %ne3A_364 : i32
      %lt3A_366 = arith.constant 0 : i32
      %lt3A_367 = arith.cmpi slt, %rem3A_363, %lt3A_366 : i32
      %lt3A_368 = arith.constant 0 : i32
      %lt3A_369 = arith.cmpi slt, %select_n3A_362, %lt3A_368 : i32
      %ne3A_370 = arith.xori %lt3A_367, %lt3A_369 : i1
      %and3A_371 = arith.andi %ne3A_370, %ne3A_365 : i1
      %add3A_372 = arith.addi %rem3A_363, %select_n3A_362 : i32
      %select_n3A_373 = arith.select %and3A_371, %add3A_372, %rem3A_363 : i32
      %mul3A_374 = arith.constant 16 : i32
      %mul3A_375 = arith.muli %select_n3A_343, %mul3A_374 : i32
      %mul3A_376 = arith.constant 16 : i32
      %mul3A_377 = arith.muli %select_n3A_373, %mul3A_376 : i32
      %dma_wait3A_378 = arith.constant 0 : i32
      %dma_wait3A_379 = tpu.memref_slice %arg10[%mul3A_377, %dma_wait3A_378] : memref<96x768xf32, #tpu.memory_space<vmem>> -> memref<16x768xf32, #tpu.memory_space<vmem>>
      %dma_wait3A_380 = tpu.memref_slice %arg8[%select_n3A_357, %mul3A_375] : memref<4x64xi32, #tpu.memory_space<vmem>> -> memref<1x16xi32, #tpu.memory_space<vmem>>
      %dma_wait3A_381 = tpu.memref_squeeze %dma_wait3A_380 : memref<1x16xi32, #tpu.memory_space<vmem>> -> memref<16xi32, #tpu.memory_space<vmem>>
      %dma_wait3A_382 = arith.constant 0 : i32
      %dma_wait3A_383 = arith.constant 0 : i32
      %dma_wait3A_384 = tpu.memref_slice %arg3[%dma_wait3A_382, %dma_wait3A_383] : memref<100000x768xf32, #tpu.memory_space<hbm>> -> memref<100000x768xf32, #tpu.memory_space<hbm>>
      %dma_wait3A_385 = tpu.memref_slice %arg17[%select_n3A_373] : memref<6x!tpu.dma_semaphore, #tpu.memory_space<semaphore_mem>> -> memref<1x!tpu.dma_semaphore, #tpu.memory_space<semaphore_mem>>
      %dma_wait3A_386 = tpu.memref_squeeze %dma_wait3A_385 : memref<1x!tpu.dma_semaphore, #tpu.memory_space<semaphore_mem>> -> memref<!tpu.dma_semaphore, #tpu.memory_space<semaphore_mem>>
      tpu.wait_indirect_dma semaphore(%dma_wait3A_386 : memref<!tpu.dma_semaphore, #tpu.memory_space<semaphore_mem>>) src(%dma_wait3A_384 : memref<100000x768xf32, #tpu.memory_space<hbm>>) dst(%dma_wait3A_379 : memref<16x768xf32, #tpu.memory_space<vmem>>)
      %scan3A_387 = arith.constant 0 : i32
      %scan3A_388 = arith.constant 0 : i32
      %scan3A_389 = arith.constant 8 : i32
      %scan3A_390 = arith.addi %scan3A_388, %scan3A_389 : i32
      %scan3A_391 = arith.constant 1 : i32
      scf.for %scan3A_1213 = %scan3A_388 to %scan3A_390 step %scan3A_391  : i32 {
        %mul3A_1214 = arith.constant 2 : i32
        %mul3A_1215 = arith.muli %mul3A_1214, %scan3A_1213 : i32
        %scan3A_1216 = arith.constant 0 : i32
        %scan3A_1217 = arith.constant 6 : i32
        %scan3A_1218 = arith.addi %scan3A_1216, %scan3A_1217 : i32
        %scan3A_1219 = arith.constant 1 : i32
        %scan3A_1220:8 = scf.for %scan3A_1262 = %scan3A_1216 to %scan3A_1218 step %scan3A_1219 iter_args(%scan3A_1263 = %broadcast_in_dim3A_54, %scan3A_1264 = %broadcast_in_dim3A_54, %scan3A_1265 = %broadcast_in_dim3A_54, %scan3A_1266 = %broadcast_in_dim3A_54, %scan3A_1267 = %broadcast_in_dim3A_54, %scan3A_1268 = %broadcast_in_dim3A_54, %scan3A_1269 = %broadcast_in_dim3A_54, %scan3A_1270 = %broadcast_in_dim3A_54) -> (vector<16xf32>, vector<16xf32>, vector<16xf32>, vector<16xf32>, vector<16xf32>, vector<16xf32>, vector<16xf32>, vector<16xf32>)  : i32 {
          %mul3A_1271 = arith.constant 128 : i32
          %mul3A_1272 = arith.muli %scan3A_1262, %mul3A_1271 : i32
          %add3A_1273 = arith.constant 0 : i32
          %add3A_1274 = arith.addi %mul3A_1272, %add3A_1273 : i32
          %add3A_1275 = arith.addi %mul3A_300, %mul3A_1215 : i32
          %add3A_1276 = arith.constant 0 : i32
          %add3A_1277 = arith.addi %add3A_1275, %add3A_1276 : i32
          %get3A_1278 = arith.index_cast %add3A_1277 : i32 to index
          %get3A_1279 = arith.index_cast %add3A_1274 : i32 to index
          %get3A_1280 = tpu.vector_load %arg10[%get3A_1278, %get3A_1279] {strides = array<i32>} : memref<96x768xf32, #tpu.memory_space<vmem>>, vector<1x16xf32>,
          %get3A_1281 = vector.shape_cast %get3A_1280 : vector<1x16xf32> to vector<16xf32>
          %add3A_1282 = arith.addi %mul3A_319, %mul3A_1215 : i32
          %add3A_1283 = arith.constant 0 : i32
          %add3A_1284 = arith.addi %add3A_1282, %add3A_1283 : i32
          %get3A_1285 = arith.index_cast %add3A_1284 : i32 to index
          %get3A_1286 = arith.index_cast %add3A_1274 : i32 to index
          %get3A_1287 = tpu.vector_load %arg9[%get3A_1285, %get3A_1286] {strides = array<i32>} : memref<64x768xf32, #tpu.memory_space<vmem>>, vector<1x16xf32>,
          %get3A_1288 = vector.shape_cast %get3A_1287 : vector<1x16xf32> to vector<16xf32>
          %add3A_1289 = arith.addf %get3A_1281, %get3A_1288 : vector<16xf32>
          %add3A_1290 = arith.addf %scan3A_1263, %add3A_1289 : vector<16xf32>
          %mul3A_1291 = arith.mulf %add3A_1289, %add3A_1289 : vector<16xf32>
          %add3A_1292 = arith.addf %scan3A_1267, %mul3A_1291 : vector<16xf32>
          %add3A_1293 = arith.addi %mul3A_300, %mul3A_1215 : i32
          %add3A_1294 = arith.constant 1 : i32
          %add3A_1295 = arith.addi %add3A_1293, %add3A_1294 : i32
          %get3A_1296 = arith.index_cast %add3A_1295 : i32 to index
          %get3A_1297 = arith.index_cast %add3A_1274 : i32 to index
          %get3A_1298 = tpu.vector_load %arg10[%get3A_1296, %get3A_1297] {strides = array<i32>} : memref<96x768xf32, #tpu.memory_space<vmem>>, vector<1x16xf32>,
          %get3A_1299 = vector.shape_cast %get3A_1298 : vector<1x16xf32> to vector<16xf32>
          %add3A_1300 = arith.addi %mul3A_319, %mul3A_1215 : i32
          %add3A_1301 = arith.constant 1 : i32
          %add3A_1302 = arith.addi %add3A_1300, %add3A_1301 : i32
          %get3A_1303 = arith.index_cast %add3A_1302 : i32 to index
          %get3A_1304 = arith.index_cast %add3A_1274 : i32 to index
          %get3A_1305 = tpu.vector_load %arg9[%get3A_1303, %get3A_1304] {strides = array<i32>} : memref<64x768xf32, #tpu.memory_space<vmem>>, vector<1x16xf32>,
          %get3A_1306 = vector.shape_cast %get3A_1305 : vector<1x16xf32> to vector<16xf32>
          %add3A_1307 = arith.addf %get3A_1299, %get3A_1306 : vector<16xf32>
          %add3A_1308 = arith.addf %scan3A_1265, %add3A_1307 : vector<16xf32>
          %mul3A_1309 = arith.mulf %add3A_1307, %add3A_1307 : vector<16xf32>
          %add3A_1310 = arith.addf %scan3A_1269, %mul3A_1309 : vector<16xf32>
          %mul3A_1311 = arith.constant 128 : i32
          %mul3A_1312 = arith.muli %scan3A_1262, %mul3A_1311 : i32
          %add3A_1313 = arith.constant 16 : i32
          %add3A_1314 = arith.addi %mul3A_1312, %add3A_1313 : i32
          %add3A_1315 = arith.addi %mul3A_300, %mul3A_1215 : i32
          %add3A_1316 = arith.constant 0 : i32
          %add3A_1317 = arith.addi %add3A_1315, %add3A_1316 : i32
          %get3A_1318 = arith.index_cast %add3A_1317 : i32 to index
          %get3A_1319 = arith.index_cast %add3A_1314 : i32 to index
          %get3A_1320 = tpu.vector_load %arg10[%get3A_1318, %get3A_1319] {strides = array<i32>} : memref<96x768xf32, #tpu.memory_space<vmem>>, vector<1x16xf32>,
          %get3A_1321 = vector.shape_cast %get3A_1320 : vector<1x16xf32> to vector<16xf32>
          %add3A_1322 = arith.addi %mul3A_319, %mul3A_1215 : i32
          %add3A_1323 = arith.constant 0 : i32
          %add3A_1324 = arith.addi %add3A_1322, %add3A_1323 : i32
          %get3A_1325 = arith.index_cast %add3A_1324 : i32 to index
          %get3A_1326 = arith.index_cast %add3A_1314 : i32 to index
          %get3A_1327 = tpu.vector_load %arg9[%get3A_1325, %get3A_1326] {strides = array<i32>} : memref<64x768xf32, #tpu.memory_space<vmem>>, vector<1x16xf32>,
          %get3A_1328 = vector.shape_cast %get3A_1327 : vector<1x16xf32> to vector<16xf32>
          %add3A_1329 = arith.addf %get3A_1321, %get3A_1328 : vector<16xf32>
          %add3A_1330 = arith.addf %scan3A_1264, %add3A_1329 : vector<16xf32>
          %mul3A_1331 = arith.mulf %add3A_1329, %add3A_1329 : vector<16xf32>
          %add3A_1332 = arith.addf %scan3A_1268, %mul3A_1331 : vector<16xf32>
          %add3A_1333 = arith.addi %mul3A_300, %mul3A_1215 : i32
          %add3A_1334 = arith.constant 1 : i32
          %add3A_1335 = arith.addi %add3A_1333, %add3A_1334 : i32
          %get3A_1336 = arith.index_cast %add3A_1335 : i32 to index
          %get3A_1337 = arith.index_cast %add3A_1314 : i32 to index
          %get3A_1338 = tpu.vector_load %arg10[%get3A_1336, %get3A_1337] {strides = array<i32>} : memref<96x768xf32, #tpu.memory_space<vmem>>, vector<1x16xf32>,
          %get3A_1339 = vector.shape_cast %get3A_1338 : vector<1x16xf32> to vector<16xf32>
          %add3A_1340 = arith.addi %mul3A_319, %mul3A_1215 : i32
          %add3A_1341 = arith.constant 1 : i32
          %add3A_1342 = arith.addi %add3A_1340, %add3A_1341 : i32
          %get3A_1343 = arith.index_cast %add3A_1342 : i32 to index
          %get3A_1344 = arith.index_cast %add3A_1314 : i32 to index
          %get3A_1345 = tpu.vector_load %arg9[%get3A_1343, %get3A_1344] {strides = array<i32>} : memref<64x768xf32, #tpu.memory_space<vmem>>, vector<1x16xf32>,
          %get3A_1346 = vector.shape_cast %get3A_1345 : vector<1x16xf32> to vector<16xf32>
          %add3A_1347 = arith.addf %get3A_1339, %get3A_1346 : vector<16xf32>
          %add3A_1348 = arith.addf %scan3A_1266, %add3A_1347 : vector<16xf32>
          %mul3A_1349 = arith.mulf %add3A_1347, %add3A_1347 : vector<16xf32>
          %add3A_1350 = arith.addf %scan3A_1270, %mul3A_1349 : vector<16xf32>
          %mul3A_1351 = arith.constant 128 : i32
          %mul3A_1352 = arith.muli %scan3A_1262, %mul3A_1351 : i32
          %add3A_1353 = arith.constant 32 : i32
          %add3A_1354 = arith.addi %mul3A_1352, %add3A_1353 : i32
          %add3A_1355 = arith.addi %mul3A_300, %mul3A_1215 : i32
          %add3A_1356 = arith.constant 0 : i32
          %add3A_1357 = arith.addi %add3A_1355, %add3A_1356 : i32
          %get3A_1358 = arith.index_cast %add3A_1357 : i32 to index
          %get3A_1359 = arith.index_cast %add3A_1354 : i32 to index
          %get3A_1360 = tpu.vector_load %arg10[%get3A_1358, %get3A_1359] {strides = array<i32>} : memref<96x768xf32, #tpu.memory_space<vmem>>, vector<1x16xf32>,
          %get3A_1361 = vector.shape_cast %get3A_1360 : vector<1x16xf32> to vector<16xf32>
          %add3A_1362 = arith.addi %mul3A_319, %mul3A_1215 : i32
          %add3A_1363 = arith.constant 0 : i32
          %add3A_1364 = arith.addi %add3A_1362, %add3A_1363 : i32
          %get3A_1365 = arith.index_cast %add3A_1364 : i32 to index
          %get3A_1366 = arith.index_cast %add3A_1354 : i32 to index
          %get3A_1367 = tpu.vector_load %arg9[%get3A_1365, %get3A_1366] {strides = array<i32>} : memref<64x768xf32, #tpu.memory_space<vmem>>, vector<1x16xf32>,
          %get3A_1368 = vector.shape_cast %get3A_1367 : vector<1x16xf32> to vector<16xf32>
          %add3A_1369 = arith.addf %get3A_1361, %get3A_1368 : vector<16xf32>
          %add3A_1370 = arith.addf %add3A_1290, %add3A_1369 : vector<16xf32>
          %mul3A_1371 = arith.mulf %add3A_1369, %add3A_1369 : vector<16xf32>
          %add3A_1372 = arith.addf %add3A_1292, %mul3A_1371 : vector<16xf32>
          %add3A_1373 = arith.addi %mul3A_300, %mul3A_1215 : i32
          %add3A_1374 = arith.constant 1 : i32
          %add3A_1375 = arith.addi %add3A_1373, %add3A_1374 : i32
          %get3A_1376 = arith.index_cast %add3A_1375 : i32 to index
          %get3A_1377 = arith.index_cast %add3A_1354 : i32 to index
          %get3A_1378 = tpu.vector_load %arg10[%get3A_1376, %get3A_1377] {strides = array<i32>} : memref<96x768xf32, #tpu.memory_space<vmem>>, vector<1x16xf32>,
          %get3A_1379 = vector.shape_cast %get3A_1378 : vector<1x16xf32> to vector<16xf32>
          %add3A_1380 = arith.addi %mul3A_319, %mul3A_1215 : i32
          %add3A_1381 = arith.constant 1 : i32
          %add3A_1382 = arith.addi %add3A_1380, %add3A_1381 : i32
          %get3A_1383 = arith.index_cast %add3A_1382 : i32 to index
          %get3A_1384 = arith.index_cast %add3A_1354 : i32 to index
          %get3A_1385 = tpu.vector_load %arg9[%get3A_1383, %get3A_1384] {strides = array<i32>} : memref<64x768xf32, #tpu.memory_space<vmem>>, vector<1x16xf32>,
          %get3A_1386 = vector.shape_cast %get3A_1385 : vector<1x16xf32> to vector<16xf32>
          %add3A_1387 = arith.addf %get3A_1379, %get3A_1386 : vector<16xf32>
          %add3A_1388 = arith.addf %add3A_1308, %add3A_1387 : vector<16xf32>
          %mul3A_1389 = arith.mulf %add3A_1387, %add3A_1387 : vector<16xf32>
          %add3A_1390 = arith.addf %add3A_1310, %mul3A_1389 : vector<16xf32>
          %mul3A_1391 = arith.constant 128 : i32
          %mul3A_1392 = arith.muli %scan3A_1262, %mul3A_1391 : i32
          %add3A_1393 = arith.constant 48 : i32
          %add3A_1394 = arith.addi %mul3A_1392, %add3A_1393 : i32
          %add3A_1395 = arith.addi %mul3A_300, %mul3A_1215 : i32
          %add3A_1396 = arith.constant 0 : i32
          %add3A_1397 = arith.addi %add3A_1395, %add3A_1396 : i32
          %get3A_1398 = arith.index_cast %add3A_1397 : i32 to index
          %get3A_1399 = arith.index_cast %add3A_1394 : i32 to index
          %get3A_1400 = tpu.vector_load %arg10[%get3A_1398, %get3A_1399] {strides = array<i32>} : memref<96x768xf32, #tpu.memory_space<vmem>>, vector<1x16xf32>,
          %get3A_1401 = vector.shape_cast %get3A_1400 : vector<1x16xf32> to vector<16xf32>
          %add3A_1402 = arith.addi %mul3A_319, %mul3A_1215 : i32
          %add3A_1403 = arith.constant 0 : i32
          %add3A_1404 = arith.addi %add3A_1402, %add3A_1403 : i32
          %get3A_1405 = arith.index_cast %add3A_1404 : i32 to index
          %get3A_1406 = arith.index_cast %add3A_1394 : i32 to index
          %get3A_1407 = tpu.vector_load %arg9[%get3A_1405, %get3A_1406] {strides = array<i32>} : memref<64x768xf32, #tpu.memory_space<vmem>>, vector<1x16xf32>,
          %get3A_1408 = vector.shape_cast %get3A_1407 : vector<1x16xf32> to vector<16xf32>
          %add3A_1409 = arith.addf %get3A_1401, %get3A_1408 : vector<16xf32>
          %add3A_1410 = arith.addf %add3A_1330, %add3A_1409 : vector<16xf32>
          %mul3A_1411 = arith.mulf %add3A_1409, %add3A_1409 : vector<16xf32>
          %add3A_1412 = arith.addf %add3A_1332, %mul3A_1411 : vector<16xf32>
          %add3A_1413 = arith.addi %mul3A_300, %mul3A_1215 : i32
          %add3A_1414 = arith.constant 1 : i32
          %add3A_1415 = arith.addi %add3A_1413, %add3A_1414 : i32
          %get3A_1416 = arith.index_cast %add3A_1415 : i32 to index
          %get3A_1417 = arith.index_cast %add3A_1394 : i32 to index
          %get3A_1418 = tpu.vector_load %arg10[%get3A_1416, %get3A_1417] {strides = array<i32>} : memref<96x768xf32, #tpu.memory_space<vmem>>, vector<1x16xf32>,
          %get3A_1419 = vector.shape_cast %get3A_1418 : vector<1x16xf32> to vector<16xf32>
          %add3A_1420 = arith.addi %mul3A_319, %mul3A_1215 : i32
          %add3A_1421 = arith.constant 1 : i32
          %add3A_1422 = arith.addi %add3A_1420, %add3A_1421 : i32
          %get3A_1423 = arith.index_cast %add3A_1422 : i32 to index
          %get3A_1424 = arith.index_cast %add3A_1394 : i32 to index
          %get3A_1425 = tpu.vector_load %arg9[%get3A_1423, %get3A_1424] {strides = array<i32>} : memref<64x768xf32, #tpu.memory_space<vmem>>, vector<1x16xf32>,
          %get3A_1426 = vector.shape_cast %get3A_1425 : vector<1x16xf32> to vector<16xf32>
          %add3A_1427 = arith.addf %get3A_1419, %get3A_1426 : vector<16xf32>
          %add3A_1428 = arith.addf %add3A_1348, %add3A_1427 : vector<16xf32>
          %mul3A_1429 = arith.mulf %add3A_1427, %add3A_1427 : vector<16xf32>
          %add3A_1430 = arith.addf %add3A_1350, %mul3A_1429 : vector<16xf32>
          %mul3A_1431 = arith.constant 128 : i32
          %mul3A_1432 = arith.muli %scan3A_1262, %mul3A_1431 : i32
          %add3A_1433 = arith.constant 64 : i32
          %add3A_1434 = arith.addi %mul3A_1432, %add3A_1433 : i32
          %add3A_1435 = arith.addi %mul3A_300, %mul3A_1215 : i32
          %add3A_1436 = arith.constant 0 : i32
          %add3A_1437 = arith.addi %add3A_1435, %add3A_1436 : i32
          %get3A_1438 = arith.index_cast %add3A_1437 : i32 to index
          %get3A_1439 = arith.index_cast %add3A_1434 : i32 to index
          %get3A_1440 = tpu.vector_load %arg10[%get3A_1438, %get3A_1439] {strides = array<i32>} : memref<96x768xf32, #tpu.memory_space<vmem>>, vector<1x16xf32>,
          %get3A_1441 = vector.shape_cast %get3A_1440 : vector<1x16xf32> to vector<16xf32>
          %add3A_1442 = arith.addi %mul3A_319, %mul3A_1215 : i32
          %add3A_1443 = arith.constant 0 : i32
          %add3A_1444 = arith.addi %add3A_1442, %add3A_1443 : i32
          %get3A_1445 = arith.index_cast %add3A_1444 : i32 to index
          %get3A_1446 = arith.index_cast %add3A_1434 : i32 to index
          %get3A_1447 = tpu.vector_load %arg9[%get3A_1445, %get3A_1446] {strides = array<i32>} : memref<64x768xf32, #tpu.memory_space<vmem>>, vector<1x16xf32>,
          %get3A_1448 = vector.shape_cast %get3A_1447 : vector<1x16xf32> to vector<16xf32>
          %add3A_1449 = arith.addf %get3A_1441, %get3A_1448 : vector<16xf32>
          %add3A_1450 = arith.addf %add3A_1370, %add3A_1449 : vector<16xf32>
          %mul3A_1451 = arith.mulf %add3A_1449, %add3A_1449 : vector<16xf32>
          %add3A_1452 = arith.addf %add3A_1372, %mul3A_1451 : vector<16xf32>
          %add3A_1453 = arith.addi %mul3A_300, %mul3A_1215 : i32
          %add3A_1454 = arith.constant 1 : i32
          %add3A_1455 = arith.addi %add3A_1453, %add3A_1454 : i32
          %get3A_1456 = arith.index_cast %add3A_1455 : i32 to index
          %get3A_1457 = arith.index_cast %add3A_1434 : i32 to index
          %get3A_1458 = tpu.vector_load %arg10[%get3A_1456, %get3A_1457] {strides = array<i32>} : memref<96x768xf32, #tpu.memory_space<vmem>>, vector<1x16xf32>,
          %get3A_1459 = vector.shape_cast %get3A_1458 : vector<1x16xf32> to vector<16xf32>
          %add3A_1460 = arith.addi %mul3A_319, %mul3A_1215 : i32
          %add3A_1461 = arith.constant 1 : i32
          %add3A_1462 = arith.addi %add3A_1460, %add3A_1461 : i32
          %get3A_1463 = arith.index_cast %add3A_1462 : i32 to index
          %get3A_1464 = arith.index_cast %add3A_1434 : i32 to index
          %get3A_1465 = tpu.vector_load %arg9[%get3A_1463, %get3A_1464] {strides = array<i32>} : memref<64x768xf32, #tpu.memory_space<vmem>>, vector<1x16xf32>,
          %get3A_1466 = vector.shape_cast %get3A_1465 : vector<1x16xf32> to vector<16xf32>
          %add3A_1467 = arith.addf %get3A_1459, %get3A_1466 : vector<16xf32>
          %add3A_1468 = arith.addf %add3A_1388, %add3A_1467 : vector<16xf32>
          %mul3A_1469 = arith.mulf %add3A_1467, %add3A_1467 : vector<16xf32>
          %add3A_1470 = arith.addf %add3A_1390, %mul3A_1469 : vector<16xf32>
          %mul3A_1471 = arith.constant 128 : i32
          %mul3A_1472 = arith.muli %scan3A_1262, %mul3A_1471 : i32
          %add3A_1473 = arith.constant 80 : i32
          %add3A_1474 = arith.addi %mul3A_1472, %add3A_1473 : i32
          %add3A_1475 = arith.addi %mul3A_300, %mul3A_1215 : i32
          %add3A_1476 = arith.constant 0 : i32
          %add3A_1477 = arith.addi %add3A_1475, %add3A_1476 : i32
          %get3A_1478 = arith.index_cast %add3A_1477 : i32 to index
          %get3A_1479 = arith.index_cast %add3A_1474 : i32 to index
          %get3A_1480 = tpu.vector_load %arg10[%get3A_1478, %get3A_1479] {strides = array<i32>} : memref<96x768xf32, #tpu.memory_space<vmem>>, vector<1x16xf32>,
          %get3A_1481 = vector.shape_cast %get3A_1480 : vector<1x16xf32> to vector<16xf32>
          %add3A_1482 = arith.addi %mul3A_319, %mul3A_1215 : i32
          %add3A_1483 = arith.constant 0 : i32
          %add3A_1484 = arith.addi %add3A_1482, %add3A_1483 : i32
          %get3A_1485 = arith.index_cast %add3A_1484 : i32 to index
          %get3A_1486 = arith.index_cast %add3A_1474 : i32 to index
          %get3A_1487 = tpu.vector_load %arg9[%get3A_1485, %get3A_1486] {strides = array<i32>} : memref<64x768xf32, #tpu.memory_space<vmem>>, vector<1x16xf32>,
          %get3A_1488 = vector.shape_cast %get3A_1487 : vector<1x16xf32> to vector<16xf32>
          %add3A_1489 = arith.addf %get3A_1481, %get3A_1488 : vector<16xf32>
          %add3A_1490 = arith.addf %add3A_1410, %add3A_1489 : vector<16xf32>
          %mul3A_1491 = arith.mulf %add3A_1489, %add3A_1489 : vector<16xf32>
          %add3A_1492 = arith.addf %add3A_1412, %mul3A_1491 : vector<16xf32>
          %add3A_1493 = arith.addi %mul3A_300, %mul3A_1215 : i32
          %add3A_1494 = arith.constant 1 : i32
          %add3A_1495 = arith.addi %add3A_1493, %add3A_1494 : i32
          %get3A_1496 = arith.index_cast %add3A_1495 : i32 to index
          %get3A_1497 = arith.index_cast %add3A_1474 : i32 to index
          %get3A_1498 = tpu.vector_load %arg10[%get3A_1496, %get3A_1497] {strides = array<i32>} : memref<96x768xf32, #tpu.memory_space<vmem>>, vector<1x16xf32>,
          %get3A_1499 = vector.shape_cast %get3A_1498 : vector<1x16xf32> to vector<16xf32>
          %add3A_1500 = arith.addi %mul3A_319, %mul3A_1215 : i32
          %add3A_1501 = arith.constant 1 : i32
          %add3A_1502 = arith.addi %add3A_1500, %add3A_1501 : i32
          %get3A_1503 = arith.index_cast %add3A_1502 : i32 to index
          %get3A_1504 = arith.index_cast %add3A_1474 : i32 to index
          %get3A_1505 = tpu.vector_load %arg9[%get3A_1503, %get3A_1504] {strides = array<i32>} : memref<64x768xf32, #tpu.memory_space<vmem>>, vector<1x16xf32>,
          %get3A_1506 = vector.shape_cast %get3A_1505 : vector<1x16xf32> to vector<16xf32>
          %add3A_1507 = arith.addf %get3A_1499, %get3A_1506 : vector<16xf32>
          %add3A_1508 = arith.addf %add3A_1428, %add3A_1507 : vector<16xf32>
          %mul3A_1509 = arith.mulf %add3A_1507, %add3A_1507 : vector<16xf32>
          %add3A_1510 = arith.addf %add3A_1430, %mul3A_1509 : vector<16xf32>
          %mul3A_1511 = arith.constant 128 : i32
          %mul3A_1512 = arith.muli %scan3A_1262, %mul3A_1511 : i32
          %add3A_1513 = arith.constant 96 : i32
          %add3A_1514 = arith.addi %mul3A_1512, %add3A_1513 : i32
          %add3A_1515 = arith.addi %mul3A_300, %mul3A_1215 : i32
          %add3A_1516 = arith.constant 0 : i32
          %add3A_1517 = arith.addi %add3A_1515, %add3A_1516 : i32
          %get3A_1518 = arith.index_cast %add3A_1517 : i32 to index
          %get3A_1519 = arith.index_cast %add3A_1514 : i32 to index
          %get3A_1520 = tpu.vector_load %arg10[%get3A_1518, %get3A_1519] {strides = array<i32>} : memref<96x768xf32, #tpu.memory_space<vmem>>, vector<1x16xf32>,
          %get3A_1521 = vector.shape_cast %get3A_1520 : vector<1x16xf32> to vector<16xf32>
          %add3A_1522 = arith.addi %mul3A_319, %mul3A_1215 : i32
          %add3A_1523 = arith.constant 0 : i32
          %add3A_1524 = arith.addi %add3A_1522, %add3A_1523 : i32
          %get3A_1525 = arith.index_cast %add3A_1524 : i32 to index
          %get3A_1526 = arith.index_cast %add3A_1514 : i32 to index
          %get3A_1527 = tpu.vector_load %arg9[%get3A_1525, %get3A_1526] {strides = array<i32>} : memref<64x768xf32, #tpu.memory_space<vmem>>, vector<1x16xf32>,
          %get3A_1528 = vector.shape_cast %get3A_1527 : vector<1x16xf32> to vector<16xf32>
          %add3A_1529 = arith.addf %get3A_1521, %get3A_1528 : vector<16xf32>
          %add3A_1530 = arith.addf %add3A_1450, %add3A_1529 : vector<16xf32>
          %mul3A_1531 = arith.mulf %add3A_1529, %add3A_1529 : vector<16xf32>
          %add3A_1532 = arith.addf %add3A_1452, %mul3A_1531 : vector<16xf32>
          %add3A_1533 = arith.addi %mul3A_300, %mul3A_1215 : i32
          %add3A_1534 = arith.constant 1 : i32
          %add3A_1535 = arith.addi %add3A_1533, %add3A_1534 : i32
          %get3A_1536 = arith.index_cast %add3A_1535 : i32 to index
          %get3A_1537 = arith.index_cast %add3A_1514 : i32 to index
          %get3A_1538 = tpu.vector_load %arg10[%get3A_1536, %get3A_1537] {strides = array<i32>} : memref<96x768xf32, #tpu.memory_space<vmem>>, vector<1x16xf32>,
          %get3A_1539 = vector.shape_cast %get3A_1538 : vector<1x16xf32> to vector<16xf32>
          %add3A_1540 = arith.addi %mul3A_319, %mul3A_1215 : i32
          %add3A_1541 = arith.constant 1 : i32
          %add3A_1542 = arith.addi %add3A_1540, %add3A_1541 : i32
          %get3A_1543 = arith.index_cast %add3A_1542 : i32 to index
          %get3A_1544 = arith.index_cast %add3A_1514 : i32 to index
          %get3A_1545 = tpu.vector_load %arg9[%get3A_1543, %get3A_1544] {strides = array<i32>} : memref<64x768xf32, #tpu.memory_space<vmem>>, vector<1x16xf32>,
          %get3A_1546 = vector.shape_cast %get3A_1545 : vector<1x16xf32> to vector<16xf32>
          %add3A_1547 = arith.addf %get3A_1539, %get3A_1546 : vector<16xf32>
          %add3A_1548 = arith.addf %add3A_1468, %add3A_1547 : vector<16xf32>
          %mul3A_1549 = arith.mulf %add3A_1547, %add3A_1547 : vector<16xf32>
          %add3A_1550 = arith.addf %add3A_1470, %mul3A_1549 : vector<16xf32>
          %mul3A_1551 = arith.constant 128 : i32
          %mul3A_1552 = arith.muli %scan3A_1262, %mul3A_1551 : i32
          %add3A_1553 = arith.constant 112 : i32
          %add3A_1554 = arith.addi %mul3A_1552, %add3A_1553 : i32
          %add3A_1555 = arith.addi %mul3A_300, %mul3A_1215 : i32
          %add3A_1556 = arith.constant 0 : i32
          %add3A_1557 = arith.addi %add3A_1555, %add3A_1556 : i32
          %get3A_1558 = arith.index_cast %add3A_1557 : i32 to index
          %get3A_1559 = arith.index_cast %add3A_1554 : i32 to index
          %get3A_1560 = tpu.vector_load %arg10[%get3A_1558, %get3A_1559] {strides = array<i32>} : memref<96x768xf32, #tpu.memory_space<vmem>>, vector<1x16xf32>,
          %get3A_1561 = vector.shape_cast %get3A_1560 : vector<1x16xf32> to vector<16xf32>
          %add3A_1562 = arith.addi %mul3A_319, %mul3A_1215 : i32
          %add3A_1563 = arith.constant 0 : i32
          %add3A_1564 = arith.addi %add3A_1562, %add3A_1563 : i32
          %get3A_1565 = arith.index_cast %add3A_1564 : i32 to index
          %get3A_1566 = arith.index_cast %add3A_1554 : i32 to index
          %get3A_1567 = tpu.vector_load %arg9[%get3A_1565, %get3A_1566] {strides = array<i32>} : memref<64x768xf32, #tpu.memory_space<vmem>>, vector<1x16xf32>,
          %get3A_1568 = vector.shape_cast %get3A_1567 : vector<1x16xf32> to vector<16xf32>
          %add3A_1569 = arith.addf %get3A_1561, %get3A_1568 : vector<16xf32>
          %add3A_1570 = arith.addf %add3A_1490, %add3A_1569 : vector<16xf32>
          %mul3A_1571 = arith.mulf %add3A_1569, %add3A_1569 : vector<16xf32>
          %add3A_1572 = arith.addf %add3A_1492, %mul3A_1571 : vector<16xf32>
          %add3A_1573 = arith.addi %mul3A_300, %mul3A_1215 : i32
          %add3A_1574 = arith.constant 1 : i32
          %add3A_1575 = arith.addi %add3A_1573, %add3A_1574 : i32
          %get3A_1576 = arith.index_cast %add3A_1575 : i32 to index
          %get3A_1577 = arith.index_cast %add3A_1554 : i32 to index
          %get3A_1578 = tpu.vector_load %arg10[%get3A_1576, %get3A_1577] {strides = array<i32>} : memref<96x768xf32, #tpu.memory_space<vmem>>, vector<1x16xf32>,
          %get3A_1579 = vector.shape_cast %get3A_1578 : vector<1x16xf32> to vector<16xf32>
          %add3A_1580 = arith.addi %mul3A_319, %mul3A_1215 : i32
          %add3A_1581 = arith.constant 1 : i32
          %add3A_1582 = arith.addi %add3A_1580, %add3A_1581 : i32
          %get3A_1583 = arith.index_cast %add3A_1582 : i32 to index
          %get3A_1584 = arith.index_cast %add3A_1554 : i32 to index
          %get3A_1585 = tpu.vector_load %arg9[%get3A_1583, %get3A_1584] {strides = array<i32>} : memref<64x768xf32, #tpu.memory_space<vmem>>, vector<1x16xf32>,
          %get3A_1586 = vector.shape_cast %get3A_1585 : vector<1x16xf32> to vector<16xf32>
          %add3A_1587 = arith.addf %get3A_1579, %get3A_1586 : vector<16xf32>
          %add3A_1588 = arith.addf %add3A_1508, %add3A_1587 : vector<16xf32>
          %mul3A_1589 = arith.mulf %add3A_1587, %add3A_1587 : vector<16xf32>
          %add3A_1590 = arith.addf %add3A_1510, %mul3A_1589 : vector<16xf32>
          scf.yield %add3A_1530, %add3A_1570, %add3A_1548, %add3A_1588, %add3A_1532, %add3A_1572, %add3A_1550, %add3A_1590 : vector<16xf32>, vector<16xf32>, vector<16xf32>, vector<16xf32>, vector<16xf32>, vector<16xf32>, vector<16xf32>, vector<16xf32>
        }
        %scan3A_1221 = arith.constant 6 : i32
        %add3A_1222 = arith.addf %scan3A_1220#0, %scan3A_1220#1 : vector<16xf32>
        %mul3A_1223 = arith.constant 2 : i32
        %mul3A_1224 = arith.muli %mul3A_1223, %scan3A_1213 : i32
        %mul3A_1225 = arith.constant 16 : i32
        %mul3A_1226 = arith.muli %mul3A_1224, %mul3A_1225 : i32
        %swap3A_1227 = arith.index_cast %mul3A_1226 : i32 to index
        %swap3A_1228 = tpu.vector_load %arg13[%swap3A_1227] {strides = array<i32>} : memref<256xf32, #tpu.memory_space<vmem>>, vector<16xf32>,
        %swap3A_1229 = vector.shape_cast %swap3A_1228 : vector<16xf32> to vector<16xf32>
        %swap3A_1230 = vector.shape_cast %add3A_1222 : vector<16xf32> to vector<16xf32>
        tpu.vector_store %arg13[%swap3A_1227], %swap3A_1230 {strides = array<i32>} : memref<256xf32, #tpu.memory_space<vmem>>, vector<16xf32>,
        %add3A_1231 = arith.addf %scan3A_1220#2, %scan3A_1220#3 : vector<16xf32>
        %mul3A_1232 = arith.constant 2 : i32
        %mul3A_1233 = arith.muli %mul3A_1232, %scan3A_1213 : i32
        %add3A_1234 = arith.constant 1 : i32
        %add3A_1235 = arith.addi %mul3A_1233, %add3A_1234 : i32
        %mul3A_1236 = arith.constant 16 : i32
        %mul3A_1237 = arith.muli %add3A_1235, %mul3A_1236 : i32
        %swap3A_1238 = arith.index_cast %mul3A_1237 : i32 to index
        %swap3A_1239 = tpu.vector_load %arg13[%swap3A_1238] {strides = array<i32>} : memref<256xf32, #tpu.memory_space<vmem>>, vector<16xf32>,
        %swap3A_1240 = vector.shape_cast %swap3A_1239 : vector<16xf32> to vector<16xf32>
        %swap3A_1241 = vector.shape_cast %add3A_1231 : vector<16xf32> to vector<16xf32>
        tpu.vector_store %arg13[%swap3A_1238], %swap3A_1241 {strides = array<i32>} : memref<256xf32, #tpu.memory_space<vmem>>, vector<16xf32>,
        %add3A_1242 = arith.addf %scan3A_1220#4, %scan3A_1220#5 : vector<16xf32>
        %mul3A_1243 = arith.constant 2 : i32
        %mul3A_1244 = arith.muli %mul3A_1243, %scan3A_1213 : i32
        %mul3A_1245 = arith.constant 16 : i32
        %mul3A_1246 = arith.muli %mul3A_1244, %mul3A_1245 : i32
        %swap3A_1247 = arith.index_cast %mul3A_1246 : i32 to index
        %swap3A_1248 = tpu.vector_load %arg14[%swap3A_1247] {strides = array<i32>} : memref<256xf32, #tpu.memory_space<vmem>>, vector<16xf32>,
        %swap3A_1249 = vector.shape_cast %swap3A_1248 : vector<16xf32> to vector<16xf32>
        %swap3A_1250 = vector.shape_cast %add3A_1242 : vector<16xf32> to vector<16xf32>
        tpu.vector_store %arg14[%swap3A_1247], %swap3A_1250 {strides = array<i32>} : memref<256xf32, #tpu.memory_space<vmem>>, vector<16xf32>,
        %add3A_1251 = arith.addf %scan3A_1220#6, %scan3A_1220#7 : vector<16xf32>
        %mul3A_1252 = arith.constant 2 : i32
        %mul3A_1253 = arith.muli %mul3A_1252, %scan3A_1213 : i32
        %add3A_1254 = arith.constant 1 : i32
        %add3A_1255 = arith.addi %mul3A_1253, %add3A_1254 : i32
        %mul3A_1256 = arith.constant 16 : i32
        %mul3A_1257 = arith.muli %add3A_1255, %mul3A_1256 : i32
        %swap3A_1258 = arith.index_cast %mul3A_1257 : i32 to index
        %swap3A_1259 = tpu.vector_load %arg14[%swap3A_1258] {strides = array<i32>} : memref<256xf32, #tpu.memory_space<vmem>>, vector<16xf32>,
        %swap3A_1260 = vector.shape_cast %swap3A_1259 : vector<16xf32> to vector<16xf32>
        %swap3A_1261 = vector.shape_cast %add3A_1251 : vector<16xf32> to vector<16xf32>
        tpu.vector_store %arg14[%swap3A_1258], %swap3A_1261 {strides = array<i32>} : memref<256xf32, #tpu.memory_space<vmem>>, vector<16xf32>,
      }
      %scan3A_392 = arith.constant 8 : i32
      %get3A = arith.constant 0 : index
      %get3A_393 = tpu.vector_load %arg13[%get3A] {strides = array<i32>} : memref<256xf32, #tpu.memory_space<vmem>>, vector<16xf32>,
      %get3A_394 = vector.shape_cast %get3A_393 : vector<16xf32> to vector<16xf32>
      %get3A_395 = arith.constant 16 : index
      %get3A_396 = tpu.vector_load %arg13[%get3A_395] {strides = array<i32>} : memref<256xf32, #tpu.memory_space<vmem>>, vector<16xf32>,
      %get3A_397 = vector.shape_cast %get3A_396 : vector<16xf32> to vector<16xf32>
      %get3A_398 = arith.constant 32 : index
      %get3A_399 = tpu.vector_load %arg13[%get3A_398] {strides = array<i32>} : memref<256xf32, #tpu.memory_space<vmem>>, vector<16xf32>,
      %get3A_400 = vector.shape_cast %get3A_399 : vector<16xf32> to vector<16xf32>
      %get3A_401 = arith.constant 48 : index
      %get3A_402 = tpu.vector_load %arg13[%get3A_401] {strides = array<i32>} : memref<256xf32, #tpu.memory_space<vmem>>, vector<16xf32>,
      %get3A_403 = vector.shape_cast %get3A_402 : vector<16xf32> to vector<16xf32>
      %get3A_404 = arith.constant 64 : index
      %get3A_405 = tpu.vector_load %arg13[%get3A_404] {strides = array<i32>} : memref<256xf32, #tpu.memory_space<vmem>>, vector<16xf32>,
      %get3A_406 = vector.shape_cast %get3A_405 : vector<16xf32> to vector<16xf32>
      %get3A_407 = arith.constant 80 : index
      %get3A_408 = tpu.vector_load %arg13[%get3A_407] {strides = array<i32>} : memref<256xf32, #tpu.memory_space<vmem>>, vector<16xf32>,
      %get3A_409 = vector.shape_cast %get3A_408 : vector<16xf32> to vector<16xf32>
      %get3A_410 = arith.constant 96 : index
      %get3A_411 = tpu.vector_load %arg13[%get3A_410] {strides = array<i32>} : memref<256xf32, #tpu.memory_space<vmem>>, vector<16xf32>,
      %get3A_412 = vector.shape_cast %get3A_411 : vector<16xf32> to vector<16xf32>
      %get3A_413 = arith.constant 112 : index
      %get3A_414 = tpu.vector_load %arg13[%get3A_413] {strides = array<i32>} : memref<256xf32, #tpu.memory_space<vmem>>, vector<16xf32>,
      %get3A_415 = vector.shape_cast %get3A_414 : vector<16xf32> to vector<16xf32>
      %get3A_416 = arith.constant 128 : index
      %get3A_417 = tpu.vector_load %arg13[%get3A_416] {strides = array<i32>} : memref<256xf32, #tpu.memory_space<vmem>>, vector<16xf32>,
      %get3A_418 = vector.shape_cast %get3A_417 : vector<16xf32> to vector<16xf32>
      %get3A_419 = arith.constant 144 : index
      %get3A_420 = tpu.vector_load %arg13[%get3A_419] {strides = array<i32>} : memref<256xf32, #tpu.memory_space<vmem>>, vector<16xf32>,
      %get3A_421 = vector.shape_cast %get3A_420 : vector<16xf32> to vector<16xf32>
      %get3A_422 = arith.constant 160 : index
      %get3A_423 = tpu.vector_load %arg13[%get3A_422] {strides = array<i32>} : memref<256xf32, #tpu.memory_space<vmem>>, vector<16xf32>,
      %get3A_424 = vector.shape_cast %get3A_423 : vector<16xf32> to vector<16xf32>
      %get3A_425 = arith.constant 176 : index
      %get3A_426 = tpu.vector_load %arg13[%get3A_425] {strides = array<i32>} : memref<256xf32, #tpu.memory_space<vmem>>, vector<16xf32>,
      %get3A_427 = vector.shape_cast %get3A_426 : vector<16xf32> to vector<16xf32>
      %get3A_428 = arith.constant 192 : index
      %get3A_429 = tpu.vector_load %arg13[%get3A_428] {strides = array<i32>} : memref<256xf32, #tpu.memory_space<vmem>>, vector<16xf32>,
      %get3A_430 = vector.shape_cast %get3A_429 : vector<16xf32> to vector<16xf32>
      %get3A_431 = arith.constant 208 : index
      %get3A_432 = tpu.vector_load %arg13[%get3A_431] {strides = array<i32>} : memref<256xf32, #tpu.memory_space<vmem>>, vector<16xf32>,
      %get3A_433 = vector.shape_cast %get3A_432 : vector<16xf32> to vector<16xf32>
      %get3A_434 = arith.constant 224 : index
      %get3A_435 = tpu.vector_load %arg13[%get3A_434] {strides = array<i32>} : memref<256xf32, #tpu.memory_space<vmem>>, vector<16xf32>,
      %get3A_436 = vector.shape_cast %get3A_435 : vector<16xf32> to vector<16xf32>
      %get3A_437 = arith.constant 240 : index
      %get3A_438 = tpu.vector_load %arg13[%get3A_437] {strides = array<i32>} : memref<256xf32, #tpu.memory_space<vmem>>, vector<16xf32>,
      %get3A_439 = vector.shape_cast %get3A_438 : vector<16xf32> to vector<16xf32>
      %xor3A = arith.constant 1 : i32
      %xor3A_440 = vector.broadcast %xor3A : i32 to vector<16xi32>
      %xor3A_441 = arith.xori %iota3A, %xor3A_440 : vector<16xi32>
      %and3A_442 = arith.constant 1 : i32
      %and3A_443 = vector.broadcast %and3A_442 : i32 to vector<16xi32>
      %and3A_444 = arith.andi %iota3A, %and3A_443 : vector<16xi32>
      %ne3A_445 = arith.constant 0 : i32
      %ne3A_446 = vector.broadcast %ne3A_445 : i32 to vector<16xi32>
      %ne3A_447 = arith.cmpi ne, %and3A_444, %ne3A_446 : vector<16xi32>
      %broadcast_in_dim3A_448 = vector.shape_cast %xor3A_441 : vector<16xi32> to vector<16x1xi32>
      %gather3A = vector.shape_cast %broadcast_in_dim3A_448 : vector<16x1xi32> to vector<16xi32>
      %gather3A_449 = tpu.dynamic_gather %get3A_397[%gather3A] in [0] : vector<16xf32>, vector<16xi32> -> vector<16xf32>
      %select_n3A_450 = arith.select %ne3A_447, %gather3A_449, %get3A_394 : vector<16xi1>, vector<16xf32>
      %broadcast_in_dim3A_451 = vector.shape_cast %xor3A_441 : vector<16xi32> to vector<16x1xi32>
      %gather3A_452 = vector.shape_cast %broadcast_in_dim3A_451 : vector<16x1xi32> to vector<16xi32>
      %gather3A_453 = tpu.dynamic_gather %get3A_394[%gather3A_452] in [0] : vector<16xf32>, vector<16xi32> -> vector<16xf32>
      %select_n3A_454 = arith.select %ne3A_447, %get3A_397, %gather3A_453 : vector<16xi1>, vector<16xf32>
      %add3A_455 = arith.addf %select_n3A_450, %select_n3A_454 : vector<16xf32>
      %broadcast_in_dim3A_456 = vector.shape_cast %xor3A_441 : vector<16xi32> to vector<16x1xi32>
      %gather3A_457 = vector.shape_cast %broadcast_in_dim3A_456 : vector<16x1xi32> to vector<16xi32>
      %gather3A_458 = tpu.dynamic_gather %get3A_403[%gather3A_457] in [0] : vector<16xf32>, vector<16xi32> -> vector<16xf32>
      %select_n3A_459 = arith.select %ne3A_447, %gather3A_458, %get3A_400 : vector<16xi1>, vector<16xf32>
      %broadcast_in_dim3A_460 = vector.shape_cast %xor3A_441 : vector<16xi32> to vector<16x1xi32>
      %gather3A_461 = vector.shape_cast %broadcast_in_dim3A_460 : vector<16x1xi32> to vector<16xi32>
      %gather3A_462 = tpu.dynamic_gather %get3A_400[%gather3A_461] in [0] : vector<16xf32>, vector<16xi32> -> vector<16xf32>
      %select_n3A_463 = arith.select %ne3A_447, %get3A_403, %gather3A_462 : vector<16xi1>, vector<16xf32>
      %add3A_464 = arith.addf %select_n3A_459, %select_n3A_463 : vector<16xf32>
      %broadcast_in_dim3A_465 = vector.shape_cast %xor3A_441 : vector<16xi32> to vector<16x1xi32>
      %gather3A_466 = vector.shape_cast %broadcast_in_dim3A_465 : vector<16x1xi32> to vector<16xi32>
      %gather3A_467 = tpu.dynamic_gather %get3A_409[%gather3A_466] in [0] : vector<16xf32>, vector<16xi32> -> vector<16xf32>
      %select_n3A_468 = arith.select %ne3A_447, %gather3A_467, %get3A_406 : vector<16xi1>, vector<16xf32>
      %broadcast_in_dim3A_469 = vector.shape_cast %xor3A_441 : vector<16xi32> to vector<16x1xi32>
      %gather3A_470 = vector.shape_cast %broadcast_in_dim3A_469 : vector<16x1xi32> to vector<16xi32>
      %gather3A_471 = tpu.dynamic_gather %get3A_406[%gather3A_470] in [0] : vector<16xf32>, vector<16xi32> -> vector<16xf32>
      %select_n3A_472 = arith.select %ne3A_447, %get3A_409, %gather3A_471 : vector<16xi1>, vector<16xf32>
      %add3A_473 = arith.addf %select_n3A_468, %select_n3A_472 : vector<16xf32>
      %broadcast_in_dim3A_474 = vector.shape_cast %xor3A_441 : vector<16xi32> to vector<16x1xi32>
      %gather3A_475 = vector.shape_cast %broadcast_in_dim3A_474 : vector<16x1xi32> to vector<16xi32>
      %gather3A_476 = tpu.dynamic_gather %get3A_415[%gather3A_475] in [0] : vector<16xf32>, vector<16xi32> -> vector<16xf32>
      %select_n3A_477 = arith.select %ne3A_447, %gather3A_476, %get3A_412 : vector<16xi1>, vector<16xf32>
      %broadcast_in_dim3A_478 = vector.shape_cast %xor3A_441 : vector<16xi32> to vector<16x1xi32>
      %gather3A_479 = vector.shape_cast %broadcast_in_dim3A_478 : vector<16x1xi32> to vector<16xi32>
      %gather3A_480 = tpu.dynamic_gather %get3A_412[%gather3A_479] in [0] : vector<16xf32>, vector<16xi32> -> vector<16xf32>
      %select_n3A_481 = arith.select %ne3A_447, %get3A_415, %gather3A_480 : vector<16xi1>, vector<16xf32>
      %add3A_482 = arith.addf %select_n3A_477, %select_n3A_481 : vector<16xf32>
      %broadcast_in_dim3A_483 = vector.shape_cast %xor3A_441 : vector<16xi32> to vector<16x1xi32>
      %gather3A_484 = vector.shape_cast %broadcast_in_dim3A_483 : vector<16x1xi32> to vector<16xi32>
      %gather3A_485 = tpu.dynamic_gather %get3A_421[%gather3A_484] in [0] : vector<16xf32>, vector<16xi32> -> vector<16xf32>
      %select_n3A_486 = arith.select %ne3A_447, %gather3A_485, %get3A_418 : vector<16xi1>, vector<16xf32>
      %broadcast_in_dim3A_487 = vector.shape_cast %xor3A_441 : vector<16xi32> to vector<16x1xi32>
      %gather3A_488 = vector.shape_cast %broadcast_in_dim3A_487 : vector<16x1xi32> to vector<16xi32>
      %gather3A_489 = tpu.dynamic_gather %get3A_418[%gather3A_488] in [0] : vector<16xf32>, vector<16xi32> -> vector<16xf32>
      %select_n3A_490 = arith.select %ne3A_447, %get3A_421, %gather3A_489 : vector<16xi1>, vector<16xf32>
      %add3A_491 = arith.addf %select_n3A_486, %select_n3A_490 : vector<16xf32>
      %broadcast_in_dim3A_492 = vector.shape_cast %xor3A_441 : vector<16xi32> to vector<16x1xi32>
      %gather3A_493 = vector.shape_cast %broadcast_in_dim3A_492 : vector<16x1xi32> to vector<16xi32>
      %gather3A_494 = tpu.dynamic_gather %get3A_427[%gather3A_493] in [0] : vector<16xf32>, vector<16xi32> -> vector<16xf32>
      %select_n3A_495 = arith.select %ne3A_447, %gather3A_494, %get3A_424 : vector<16xi1>, vector<16xf32>
      %broadcast_in_dim3A_496 = vector.shape_cast %xor3A_441 : vector<16xi32> to vector<16x1xi32>
      %gather3A_497 = vector.shape_cast %broadcast_in_dim3A_496 : vector<16x1xi32> to vector<16xi32>
      %gather3A_498 = tpu.dynamic_gather %get3A_424[%gather3A_497] in [0] : vector<16xf32>, vector<16xi32> -> vector<16xf32>
      %select_n3A_499 = arith.select %ne3A_447, %get3A_427, %gather3A_498 : vector<16xi1>, vector<16xf32>
      %add3A_500 = arith.addf %select_n3A_495, %select_n3A_499 : vector<16xf32>
      %broadcast_in_dim3A_501 = vector.shape_cast %xor3A_441 : vector<16xi32> to vector<16x1xi32>
      %gather3A_502 = vector.shape_cast %broadcast_in_dim3A_501 : vector<16x1xi32> to vector<16xi32>
      %gather3A_503 = tpu.dynamic_gather %get3A_433[%gather3A_502] in [0] : vector<16xf32>, vector<16xi32> -> vector<16xf32>
      %select_n3A_504 = arith.select %ne3A_447, %gather3A_503, %get3A_430 : vector<16xi1>, vector<16xf32>
      %broadcast_in_dim3A_505 = vector.shape_cast %xor3A_441 : vector<16xi32> to vector<16x1xi32>
      %gather3A_506 = vector.shape_cast %broadcast_in_dim3A_505 : vector<16x1xi32> to vector<16xi32>
      %gather3A_507 = tpu.dynamic_gather %get3A_430[%gather3A_506] in [0] : vector<16xf32>, vector<16xi32> -> vector<16xf32>
      %select_n3A_508 = arith.select %ne3A_447, %get3A_433, %gather3A_507 : vector<16xi1>, vector<16xf32>
      %add3A_509 = arith.addf %select_n3A_504, %select_n3A_508 : vector<16xf32>
      %broadcast_in_dim3A_510 = vector.shape_cast %xor3A_441 : vector<16xi32> to vector<16x1xi32>
      %gather3A_511 = vector.shape_cast %broadcast_in_dim3A_510 : vector<16x1xi32> to vector<16xi32>
      %gather3A_512 = tpu.dynamic_gather %get3A_439[%gather3A_511] in [0] : vector<16xf32>, vector<16xi32> -> vector<16xf32>
      %select_n3A_513 = arith.select %ne3A_447, %gather3A_512, %get3A_436 : vector<16xi1>, vector<16xf32>
      %broadcast_in_dim3A_514 = vector.shape_cast %xor3A_441 : vector<16xi32> to vector<16x1xi32>
      %gather3A_515 = vector.shape_cast %broadcast_in_dim3A_514 : vector<16x1xi32> to vector<16xi32>
      %gather3A_516 = tpu.dynamic_gather %get3A_436[%gather3A_515] in [0] : vector<16xf32>, vector<16xi32> -> vector<16xf32>
      %select_n3A_517 = arith.select %ne3A_447, %get3A_439, %gather3A_516 : vector<16xi1>, vector<16xf32>
      %add3A_518 = arith.addf %select_n3A_513, %select_n3A_517 : vector<16xf32>
      %xor3A_519 = arith.constant 2 : i32
      %xor3A_520 = vector.broadcast %xor3A_519 : i32 to vector<16xi32>
      %xor3A_521 = arith.xori %iota3A, %xor3A_520 : vector<16xi32>
      %and3A_522 = arith.constant 2 : i32
      %and3A_523 = vector.broadcast %and3A_522 : i32 to vector<16xi32>
      %and3A_524 = arith.andi %iota3A, %and3A_523 : vector<16xi32>
      %ne3A_525 = arith.constant 0 : i32
      %ne3A_526 = vector.broadcast %ne3A_525 : i32 to vector<16xi32>
      %ne3A_527 = arith.cmpi ne, %and3A_524, %ne3A_526 : vector<16xi32>
      %broadcast_in_dim3A_528 = vector.shape_cast %xor3A_521 : vector<16xi32> to vector<16x1xi32>
      %gather3A_529 = vector.shape_cast %broadcast_in_dim3A_528 : vector<16x1xi32> to vector<16xi32>
      %gather3A_530 = tpu.dynamic_gather %add3A_464[%gather3A_529] in [0] : vector<16xf32>, vector<16xi32> -> vector<16xf32>
      %select_n3A_531 = arith.select %ne3A_527, %gather3A_530, %add3A_455 : vector<16xi1>, vector<16xf32>
      %broadcast_in_dim3A_532 = vector.shape_cast %xor3A_521 : vector<16xi32> to vector<16x1xi32>
      %gather3A_533 = vector.shape_cast %broadcast_in_dim3A_532 : vector<16x1xi32> to vector<16xi32>
      %gather3A_534 = tpu.dynamic_gather %add3A_455[%gather3A_533] in [0] : vector<16xf32>, vector<16xi32> -> vector<16xf32>
      %select_n3A_535 = arith.select %ne3A_527, %add3A_464, %gather3A_534 : vector<16xi1>, vector<16xf32>
      %add3A_536 = arith.addf %select_n3A_531, %select_n3A_535 : vector<16xf32>
      %broadcast_in_dim3A_537 = vector.shape_cast %xor3A_521 : vector<16xi32> to vector<16x1xi32>
      %gather3A_538 = vector.shape_cast %broadcast_in_dim3A_537 : vector<16x1xi32> to vector<16xi32>
      %gather3A_539 = tpu.dynamic_gather %add3A_482[%gather3A_538] in [0] : vector<16xf32>, vector<16xi32> -> vector<16xf32>
      %select_n3A_540 = arith.select %ne3A_527, %gather3A_539, %add3A_473 : vector<16xi1>, vector<16xf32>
      %broadcast_in_dim3A_541 = vector.shape_cast %xor3A_521 : vector<16xi32> to vector<16x1xi32>
      %gather3A_542 = vector.shape_cast %broadcast_in_dim3A_541 : vector<16x1xi32> to vector<16xi32>
      %gather3A_543 = tpu.dynamic_gather %add3A_473[%gather3A_542] in [0] : vector<16xf32>, vector<16xi32> -> vector<16xf32>
      %select_n3A_544 = arith.select %ne3A_527, %add3A_482, %gather3A_543 : vector<16xi1>, vector<16xf32>
      %add3A_545 = arith.addf %select_n3A_540, %select_n3A_544 : vector<16xf32>
      %broadcast_in_dim3A_546 = vector.shape_cast %xor3A_521 : vector<16xi32> to vector<16x1xi32>
      %gather3A_547 = vector.shape_cast %broadcast_in_dim3A_546 : vector<16x1xi32> to vector<16xi32>
      %gather3A_548 = tpu.dynamic_gather %add3A_500[%gather3A_547] in [0] : vector<16xf32>, vector<16xi32> -> vector<16xf32>
      %select_n3A_549 = arith.select %ne3A_527, %gather3A_548, %add3A_491 : vector<16xi1>, vector<16xf32>
      %broadcast_in_dim3A_550 = vector.shape_cast %xor3A_521 : vector<16xi32> to vector<16x1xi32>
      %gather3A_551 = vector.shape_cast %broadcast_in_dim3A_550 : vector<16x1xi32> to vector<16xi32>
      %gather3A_552 = tpu.dynamic_gather %add3A_491[%gather3A_551] in [0] : vector<16xf32>, vector<16xi32> -> vector<16xf32>
      %select_n3A_553 = arith.select %ne3A_527, %add3A_500, %gather3A_552 : vector<16xi1>, vector<16xf32>
      %add3A_554 = arith.addf %select_n3A_549, %select_n3A_553 : vector<16xf32>
      %broadcast_in_dim3A_555 = vector.shape_cast %xor3A_521 : vector<16xi32> to vector<16x1xi32>
      %gather3A_556 = vector.shape_cast %broadcast_in_dim3A_555 : vector<16x1xi32> to vector<16xi32>
      %gather3A_557 = tpu.dynamic_gather %add3A_518[%gather3A_556] in [0] : vector<16xf32>, vector<16xi32> -> vector<16xf32>
      %select_n3A_558 = arith.select %ne3A_527, %gather3A_557, %add3A_509 : vector<16xi1>, vector<16xf32>
      %broadcast_in_dim3A_559 = vector.shape_cast %xor3A_521 : vector<16xi32> to vector<16x1xi32>
      %gather3A_560 = vector.shape_cast %broadcast_in_dim3A_559 : vector<16x1xi32> to vector<16xi32>
      %gather3A_561 = tpu.dynamic_gather %add3A_509[%gather3A_560] in [0] : vector<16xf32>, vector<16xi32> -> vector<16xf32>
      %select_n3A_562 = arith.select %ne3A_527, %add3A_518, %gather3A_561 : vector<16xi1>, vector<16xf32>
      %add3A_563 = arith.addf %select_n3A_558, %select_n3A_562 : vector<16xf32>
      %xor3A_564 = arith.constant 4 : i32
      %xor3A_565 = vector.broadcast %xor3A_564 : i32 to vector<16xi32>
      %xor3A_566 = arith.xori %iota3A, %xor3A_565 : vector<16xi32>
      %and3A_567 = arith.constant 4 : i32
      %and3A_568 = vector.broadcast %and3A_567 : i32 to vector<16xi32>
      %and3A_569 = arith.andi %iota3A, %and3A_568 : vector<16xi32>
      %ne3A_570 = arith.constant 0 : i32
      %ne3A_571 = vector.broadcast %ne3A_570 : i32 to vector<16xi32>
      %ne3A_572 = arith.cmpi ne, %and3A_569, %ne3A_571 : vector<16xi32>
      %broadcast_in_dim3A_573 = vector.shape_cast %xor3A_566 : vector<16xi32> to vector<16x1xi32>
      %gather3A_574 = vector.shape_cast %broadcast_in_dim3A_573 : vector<16x1xi32> to vector<16xi32>
      %gather3A_575 = tpu.dynamic_gather %add3A_545[%gather3A_574] in [0] : vector<16xf32>, vector<16xi32> -> vector<16xf32>
      %select_n3A_576 = arith.select %ne3A_572, %gather3A_575, %add3A_536 : vector<16xi1>, vector<16xf32>
      %broadcast_in_dim3A_577 = vector.shape_cast %xor3A_566 : vector<16xi32> to vector<16x1xi32>
      %gather3A_578 = vector.shape_cast %broadcast_in_dim3A_577 : vector<16x1xi32> to vector<16xi32>
      %gather3A_579 = tpu.dynamic_gather %add3A_536[%gather3A_578] in [0] : vector<16xf32>, vector<16xi32> -> vector<16xf32>
      %select_n3A_580 = arith.select %ne3A_572, %add3A_545, %gather3A_579 : vector<16xi1>, vector<16xf32>
      %add3A_581 = arith.addf %select_n3A_576, %select_n3A_580 : vector<16xf32>
      %broadcast_in_dim3A_582 = vector.shape_cast %xor3A_566 : vector<16xi32> to vector<16x1xi32>
      %gather3A_583 = vector.shape_cast %broadcast_in_dim3A_582 : vector<16x1xi32> to vector<16xi32>
      %gather3A_584 = tpu.dynamic_gather %add3A_563[%gather3A_583] in [0] : vector<16xf32>, vector<16xi32> -> vector<16xf32>
      %select_n3A_585 = arith.select %ne3A_572, %gather3A_584, %add3A_554 : vector<16xi1>, vector<16xf32>
      %broadcast_in_dim3A_586 = vector.shape_cast %xor3A_566 : vector<16xi32> to vector<16x1xi32>
      %gather3A_587 = vector.shape_cast %broadcast_in_dim3A_586 : vector<16x1xi32> to vector<16xi32>
      %gather3A_588 = tpu.dynamic_gather %add3A_554[%gather3A_587] in [0] : vector<16xf32>, vector<16xi32> -> vector<16xf32>
      %select_n3A_589 = arith.select %ne3A_572, %add3A_563, %gather3A_588 : vector<16xi1>, vector<16xf32>
      %add3A_590 = arith.addf %select_n3A_585, %select_n3A_589 : vector<16xf32>
      %xor3A_591 = arith.constant 8 : i32
      %xor3A_592 = vector.broadcast %xor3A_591 : i32 to vector<16xi32>
      %xor3A_593 = arith.xori %iota3A, %xor3A_592 : vector<16xi32>
      %and3A_594 = arith.constant 8 : i32
      %and3A_595 = vector.broadcast %and3A_594 : i32 to vector<16xi32>
      %and3A_596 = arith.andi %iota3A, %and3A_595 : vector<16xi32>
      %ne3A_597 = arith.constant 0 : i32
      %ne3A_598 = vector.broadcast %ne3A_597 : i32 to vector<16xi32>
      %ne3A_599 = arith.cmpi ne, %and3A_596, %ne3A_598 : vector<16xi32>
      %broadcast_in_dim3A_600 = vector.shape_cast %xor3A_593 : vector<16xi32> to vector<16x1xi32>
      %gather3A_601 = vector.shape_cast %broadcast_in_dim3A_600 : vector<16x1xi32> to vector<16xi32>
      %gather3A_602 = tpu.dynamic_gather %add3A_590[%gather3A_601] in [0] : vector<16xf32>, vector<16xi32> -> vector<16xf32>
      %select_n3A_603 = arith.select %ne3A_599, %gather3A_602, %add3A_581 : vector<16xi1>, vector<16xf32>
      %broadcast_in_dim3A_604 = vector.shape_cast %xor3A_593 : vector<16xi32> to vector<16x1xi32>
      %gather3A_605 = vector.shape_cast %broadcast_in_dim3A_604 : vector<16x1xi32> to vector<16xi32>
      %gather3A_606 = tpu.dynamic_gather %add3A_581[%gather3A_605] in [0] : vector<16xf32>, vector<16xi32> -> vector<16xf32>
      %select_n3A_607 = arith.select %ne3A_599, %add3A_590, %gather3A_606 : vector<16xi1>, vector<16xf32>
      %add3A_608 = arith.addf %select_n3A_603, %select_n3A_607 : vector<16xf32>
      %get3A_609 = arith.constant 0 : index
      %get3A_610 = tpu.vector_load %arg14[%get3A_609] {strides = array<i32>} : memref<256xf32, #tpu.memory_space<vmem>>, vector<16xf32>,
      %get3A_611 = vector.shape_cast %get3A_610 : vector<16xf32> to vector<16xf32>
      %get3A_612 = arith.constant 16 : index
      %get3A_613 = tpu.vector_load %arg14[%get3A_612] {strides = array<i32>} : memref<256xf32, #tpu.memory_space<vmem>>, vector<16xf32>,
      %get3A_614 = vector.shape_cast %get3A_613 : vector<16xf32> to vector<16xf32>
      %get3A_615 = arith.constant 32 : index
      %get3A_616 = tpu.vector_load %arg14[%get3A_615] {strides = array<i32>} : memref<256xf32, #tpu.memory_space<vmem>>, vector<16xf32>,
      %get3A_617 = vector.shape_cast %get3A_616 : vector<16xf32> to vector<16xf32>
      %get3A_618 = arith.constant 48 : index
      %get3A_619 = tpu.vector_load %arg14[%get3A_618] {strides = array<i32>} : memref<256xf32, #tpu.memory_space<vmem>>, vector<16xf32>,
      %get3A_620 = vector.shape_cast %get3A_619 : vector<16xf32> to vector<16xf32>
      %get3A_621 = arith.constant 64 : index
      %get3A_622 = tpu.vector_load %arg14[%get3A_621] {strides = array<i32>} : memref<256xf32, #tpu.memory_space<vmem>>, vector<16xf32>,
      %get3A_623 = vector.shape_cast %get3A_622 : vector<16xf32> to vector<16xf32>
      %get3A_624 = arith.constant 80 : index
      %get3A_625 = tpu.vector_load %arg14[%get3A_624] {strides = array<i32>} : memref<256xf32, #tpu.memory_space<vmem>>, vector<16xf32>,
      %get3A_626 = vector.shape_cast %get3A_625 : vector<16xf32> to vector<16xf32>
      %get3A_627 = arith.constant 96 : index
      %get3A_628 = tpu.vector_load %arg14[%get3A_627] {strides = array<i32>} : memref<256xf32, #tpu.memory_space<vmem>>, vector<16xf32>,
      %get3A_629 = vector.shape_cast %get3A_628 : vector<16xf32> to vector<16xf32>
      %get3A_630 = arith.constant 112 : index
      %get3A_631 = tpu.vector_load %arg14[%get3A_630] {strides = array<i32>} : memref<256xf32, #tpu.memory_space<vmem>>, vector<16xf32>,
      %get3A_632 = vector.shape_cast %get3A_631 : vector<16xf32> to vector<16xf32>
      %get3A_633 = arith.constant 128 : index
      %get3A_634 = tpu.vector_load %arg14[%get3A_633] {strides = array<i32>} : memref<256xf32, #tpu.memory_space<vmem>>, vector<16xf32>,
      %get3A_635 = vector.shape_cast %get3A_634 : vector<16xf32> to vector<16xf32>
      %get3A_636 = arith.constant 144 : index
      %get3A_637 = tpu.vector_load %arg14[%get3A_636] {strides = array<i32>} : memref<256xf32, #tpu.memory_space<vmem>>, vector<16xf32>,
      %get3A_638 = vector.shape_cast %get3A_637 : vector<16xf32> to vector<16xf32>
      %get3A_639 = arith.constant 160 : index
      %get3A_640 = tpu.vector_load %arg14[%get3A_639] {strides = array<i32>} : memref<256xf32, #tpu.memory_space<vmem>>, vector<16xf32>,
      %get3A_641 = vector.shape_cast %get3A_640 : vector<16xf32> to vector<16xf32>
      %get3A_642 = arith.constant 176 : index
      %get3A_643 = tpu.vector_load %arg14[%get3A_642] {strides = array<i32>} : memref<256xf32, #tpu.memory_space<vmem>>, vector<16xf32>,
      %get3A_644 = vector.shape_cast %get3A_643 : vector<16xf32> to vector<16xf32>
      %get3A_645 = arith.constant 192 : index
      %get3A_646 = tpu.vector_load %arg14[%get3A_645] {strides = array<i32>} : memref<256xf32, #tpu.memory_space<vmem>>, vector<16xf32>,
      %get3A_647 = vector.shape_cast %get3A_646 : vector<16xf32> to vector<16xf32>
      %get3A_648 = arith.constant 208 : index
      %get3A_649 = tpu.vector_load %arg14[%get3A_648] {strides = array<i32>} : memref<256xf32, #tpu.memory_space<vmem>>, vector<16xf32>,
      %get3A_650 = vector.shape_cast %get3A_649 : vector<16xf32> to vector<16xf32>
      %get3A_651 = arith.constant 224 : index
      %get3A_652 = tpu.vector_load %arg14[%get3A_651] {strides = array<i32>} : memref<256xf32, #tpu.memory_space<vmem>>, vector<16xf32>,
      %get3A_653 = vector.shape_cast %get3A_652 : vector<16xf32> to vector<16xf32>
      %get3A_654 = arith.constant 240 : index
      %get3A_655 = tpu.vector_load %arg14[%get3A_654] {strides = array<i32>} : memref<256xf32, #tpu.memory_space<vmem>>, vector<16xf32>,
      %get3A_656 = vector.shape_cast %get3A_655 : vector<16xf32> to vector<16xf32>
      %xor3A_657 = arith.constant 1 : i32
      %xor3A_658 = vector.broadcast %xor3A_657 : i32 to vector<16xi32>
      %xor3A_659 = arith.xori %iota3A, %xor3A_658 : vector<16xi32>
      %and3A_660 = arith.constant 1 : i32
      %and3A_661 = vector.broadcast %and3A_660 : i32 to vector<16xi32>
      %and3A_662 = arith.andi %iota3A, %and3A_661 : vector<16xi32>
      %ne3A_663 = arith.constant 0 : i32
      %ne3A_664 = vector.broadcast %ne3A_663 : i32 to vector<16xi32>
      %ne3A_665 = arith.cmpi ne, %and3A_662, %ne3A_664 : vector<16xi32>
      %broadcast_in_dim3A_666 = vector.shape_cast %xor3A_659 : vector<16xi32> to vector<16x1xi32>
      %gather3A_667 = vector.shape_cast %broadcast_in_dim3A_666 : vector<16x1xi32> to vector<16xi32>
      %gather3A_668 = tpu.dynamic_gather %get3A_614[%gather3A_667] in [0] : vector<16xf32>, vector<16xi32> -> vector<16xf32>
      %select_n3A_669 = arith.select %ne3A_665, %gather3A_668, %get3A_611 : vector<16xi1>, vector<16xf32>
      %broadcast_in_dim3A_670 = vector.shape_cast %xor3A_659 : vector<16xi32> to vector<16x1xi32>
      %gather3A_671 = vector.shape_cast %broadcast_in_dim3A_670 : vector<16x1xi32> to vector<16xi32>
      %gather3A_672 = tpu.dynamic_gather %get3A_611[%gather3A_671] in [0] : vector<16xf32>, vector<16xi32> -> vector<16xf32>
      %select_n3A_673 = arith.select %ne3A_665, %get3A_614, %gather3A_672 : vector<16xi1>, vector<16xf32>
      %add3A_674 = arith.addf %select_n3A_669, %select_n3A_673 : vector<16xf32>
      %broadcast_in_dim3A_675 = vector.shape_cast %xor3A_659 : vector<16xi32> to vector<16x1xi32>
      %gather3A_676 = vector.shape_cast %broadcast_in_dim3A_675 : vector<16x1xi32> to vector<16xi32>
      %gather3A_677 = tpu.dynamic_gather %get3A_620[%gather3A_676] in [0] : vector<16xf32>, vector<16xi32> -> vector<16xf32>
      %select_n3A_678 = arith.select %ne3A_665, %gather3A_677, %get3A_617 : vector<16xi1>, vector<16xf32>
      %broadcast_in_dim3A_679 = vector.shape_cast %xor3A_659 : vector<16xi32> to vector<16x1xi32>
      %gather3A_680 = vector.shape_cast %broadcast_in_dim3A_679 : vector<16x1xi32> to vector<16xi32>
      %gather3A_681 = tpu.dynamic_gather %get3A_617[%gather3A_680] in [0] : vector<16xf32>, vector<16xi32> -> vector<16xf32>
      %select_n3A_682 = arith.select %ne3A_665, %get3A_620, %gather3A_681 : vector<16xi1>, vector<16xf32>
      %add3A_683 = arith.addf %select_n3A_678, %select_n3A_682 : vector<16xf32>
      %broadcast_in_dim3A_684 = vector.shape_cast %xor3A_659 : vector<16xi32> to vector<16x1xi32>
      %gather3A_685 = vector.shape_cast %broadcast_in_dim3A_684 : vector<16x1xi32> to vector<16xi32>
      %gather3A_686 = tpu.dynamic_gather %get3A_626[%gather3A_685] in [0] : vector<16xf32>, vector<16xi32> -> vector<16xf32>
      %select_n3A_687 = arith.select %ne3A_665, %gather3A_686, %get3A_623 : vector<16xi1>, vector<16xf32>
      %broadcast_in_dim3A_688 = vector.shape_cast %xor3A_659 : vector<16xi32> to vector<16x1xi32>
      %gather3A_689 = vector.shape_cast %broadcast_in_dim3A_688 : vector<16x1xi32> to vector<16xi32>
      %gather3A_690 = tpu.dynamic_gather %get3A_623[%gather3A_689] in [0] : vector<16xf32>, vector<16xi32> -> vector<16xf32>
      %select_n3A_691 = arith.select %ne3A_665, %get3A_626, %gather3A_690 : vector<16xi1>, vector<16xf32>
      %add3A_692 = arith.addf %select_n3A_687, %select_n3A_691 : vector<16xf32>
      %broadcast_in_dim3A_693 = vector.shape_cast %xor3A_659 : vector<16xi32> to vector<16x1xi32>
      %gather3A_694 = vector.shape_cast %broadcast_in_dim3A_693 : vector<16x1xi32> to vector<16xi32>
      %gather3A_695 = tpu.dynamic_gather %get3A_632[%gather3A_694] in [0] : vector<16xf32>, vector<16xi32> -> vector<16xf32>
      %select_n3A_696 = arith.select %ne3A_665, %gather3A_695, %get3A_629 : vector<16xi1>, vector<16xf32>
      %broadcast_in_dim3A_697 = vector.shape_cast %xor3A_659 : vector<16xi32> to vector<16x1xi32>
      %gather3A_698 = vector.shape_cast %broadcast_in_dim3A_697 : vector<16x1xi32> to vector<16xi32>
      %gather3A_699 = tpu.dynamic_gather %get3A_629[%gather3A_698] in [0] : vector<16xf32>, vector<16xi32> -> vector<16xf32>
      %select_n3A_700 = arith.select %ne3A_665, %get3A_632, %gather3A_699 : vector<16xi1>, vector<16xf32>
      %add3A_701 = arith.addf %select_n3A_696, %select_n3A_700 : vector<16xf32>
      %broadcast_in_dim3A_702 = vector.shape_cast %xor3A_659 : vector<16xi32> to vector<16x1xi32>
      %gather3A_703 = vector.shape_cast %broadcast_in_dim3A_702 : vector<16x1xi32> to vector<16xi32>
      %gather3A_704 = tpu.dynamic_gather %get3A_638[%gather3A_703] in [0] : vector<16xf32>, vector<16xi32> -> vector<16xf32>
      %select_n3A_705 = arith.select %ne3A_665, %gather3A_704, %get3A_635 : vector<16xi1>, vector<16xf32>
      %broadcast_in_dim3A_706 = vector.shape_cast %xor3A_659 : vector<16xi32> to vector<16x1xi32>
      %gather3A_707 = vector.shape_cast %broadcast_in_dim3A_706 : vector<16x1xi32> to vector<16xi32>
      %gather3A_708 = tpu.dynamic_gather %get3A_635[%gather3A_707] in [0] : vector<16xf32>, vector<16xi32> -> vector<16xf32>
      %select_n3A_709 = arith.select %ne3A_665, %get3A_638, %gather3A_708 : vector<16xi1>, vector<16xf32>
      %add3A_710 = arith.addf %select_n3A_705, %select_n3A_709 : vector<16xf32>
      %broadcast_in_dim3A_711 = vector.shape_cast %xor3A_659 : vector<16xi32> to vector<16x1xi32>
      %gather3A_712 = vector.shape_cast %broadcast_in_dim3A_711 : vector<16x1xi32> to vector<16xi32>
      %gather3A_713 = tpu.dynamic_gather %get3A_644[%gather3A_712] in [0] : vector<16xf32>, vector<16xi32> -> vector<16xf32>
      %select_n3A_714 = arith.select %ne3A_665, %gather3A_713, %get3A_641 : vector<16xi1>, vector<16xf32>
      %broadcast_in_dim3A_715 = vector.shape_cast %xor3A_659 : vector<16xi32> to vector<16x1xi32>
      %gather3A_716 = vector.shape_cast %broadcast_in_dim3A_715 : vector<16x1xi32> to vector<16xi32>
      %gather3A_717 = tpu.dynamic_gather %get3A_641[%gather3A_716] in [0] : vector<16xf32>, vector<16xi32> -> vector<16xf32>
      %select_n3A_718 = arith.select %ne3A_665, %get3A_644, %gather3A_717 : vector<16xi1>, vector<16xf32>
      %add3A_719 = arith.addf %select_n3A_714, %select_n3A_718 : vector<16xf32>
      %broadcast_in_dim3A_720 = vector.shape_cast %xor3A_659 : vector<16xi32> to vector<16x1xi32>
      %gather3A_721 = vector.shape_cast %broadcast_in_dim3A_720 : vector<16x1xi32> to vector<16xi32>
      %gather3A_722 = tpu.dynamic_gather %get3A_650[%gather3A_721] in [0] : vector<16xf32>, vector<16xi32> -> vector<16xf32>
      %select_n3A_723 = arith.select %ne3A_665, %gather3A_722, %get3A_647 : vector<16xi1>, vector<16xf32>
      %broadcast_in_dim3A_724 = vector.shape_cast %xor3A_659 : vector<16xi32> to vector<16x1xi32>
      %gather3A_725 = vector.shape_cast %broadcast_in_dim3A_724 : vector<16x1xi32> to vector<16xi32>
      %gather3A_726 = tpu.dynamic_gather %get3A_647[%gather3A_725] in [0] : vector<16xf32>, vector<16xi32> -> vector<16xf32>
      %select_n3A_727 = arith.select %ne3A_665, %get3A_650, %gather3A_726 : vector<16xi1>, vector<16xf32>
      %add3A_728 = arith.addf %select_n3A_723, %select_n3A_727 : vector<16xf32>
      %broadcast_in_dim3A_729 = vector.shape_cast %xor3A_659 : vector<16xi32> to vector<16x1xi32>
      %gather3A_730 = vector.shape_cast %broadcast_in_dim3A_729 : vector<16x1xi32> to vector<16xi32>
      %gather3A_731 = tpu.dynamic_gather %get3A_656[%gather3A_730] in [0] : vector<16xf32>, vector<16xi32> -> vector<16xf32>
      %select_n3A_732 = arith.select %ne3A_665, %gather3A_731, %get3A_653 : vector<16xi1>, vector<16xf32>
      %broadcast_in_dim3A_733 = vector.shape_cast %xor3A_659 : vector<16xi32> to vector<16x1xi32>
      %gather3A_734 = vector.shape_cast %broadcast_in_dim3A_733 : vector<16x1xi32> to vector<16xi32>
      %gather3A_735 = tpu.dynamic_gather %get3A_653[%gather3A_734] in [0] : vector<16xf32>, vector<16xi32> -> vector<16xf32>
      %select_n3A_736 = arith.select %ne3A_665, %get3A_656, %gather3A_735 : vector<16xi1>, vector<16xf32>
      %add3A_737 = arith.addf %select_n3A_732, %select_n3A_736 : vector<16xf32>
      %xor3A_738 = arith.constant 2 : i32
      %xor3A_739 = vector.broadcast %xor3A_738 : i32 to vector<16xi32>
      %xor3A_740 = arith.xori %iota3A, %xor3A_739 : vector<16xi32>
      %and3A_741 = arith.constant 2 : i32
      %and3A_742 = vector.broadcast %and3A_741 : i32 to vector<16xi32>
      %and3A_743 = arith.andi %iota3A, %and3A_742 : vector<16xi32>
      %ne3A_744 = arith.constant 0 : i32
      %ne3A_745 = vector.broadcast %ne3A_744 : i32 to vector<16xi32>
      %ne3A_746 = arith.cmpi ne, %and3A_743, %ne3A_745 : vector<16xi32>
      %broadcast_in_dim3A_747 = vector.shape_cast %xor3A_740 : vector<16xi32> to vector<16x1xi32>
      %gather3A_748 = vector.shape_cast %broadcast_in_dim3A_747 : vector<16x1xi32> to vector<16xi32>
      %gather3A_749 = tpu.dynamic_gather %add3A_683[%gather3A_748] in [0] : vector<16xf32>, vector<16xi32> -> vector<16xf32>
      %select_n3A_750 = arith.select %ne3A_746, %gather3A_749, %add3A_674 : vector<16xi1>, vector<16xf32>
      %broadcast_in_dim3A_751 = vector.shape_cast %xor3A_740 : vector<16xi32> to vector<16x1xi32>
      %gather3A_752 = vector.shape_cast %broadcast_in_dim3A_751 : vector<16x1xi32> to vector<16xi32>
      %gather3A_753 = tpu.dynamic_gather %add3A_674[%gather3A_752] in [0] : vector<16xf32>, vector<16xi32> -> vector<16xf32>
      %select_n3A_754 = arith.select %ne3A_746, %add3A_683, %gather3A_753 : vector<16xi1>, vector<16xf32>
      %add3A_755 = arith.addf %select_n3A_750, %select_n3A_754 : vector<16xf32>
      %broadcast_in_dim3A_756 = vector.shape_cast %xor3A_740 : vector<16xi32> to vector<16x1xi32>
      %gather3A_757 = vector.shape_cast %broadcast_in_dim3A_756 : vector<16x1xi32> to vector<16xi32>
      %gather3A_758 = tpu.dynamic_gather %add3A_701[%gather3A_757] in [0] : vector<16xf32>, vector<16xi32> -> vector<16xf32>
      %select_n3A_759 = arith.select %ne3A_746, %gather3A_758, %add3A_692 : vector<16xi1>, vector<16xf32>
      %broadcast_in_dim3A_760 = vector.shape_cast %xor3A_740 : vector<16xi32> to vector<16x1xi32>
      %gather3A_761 = vector.shape_cast %broadcast_in_dim3A_760 : vector<16x1xi32> to vector<16xi32>
      %gather3A_762 = tpu.dynamic_gather %add3A_692[%gather3A_761] in [0] : vector<16xf32>, vector<16xi32> -> vector<16xf32>
      %select_n3A_763 = arith.select %ne3A_746, %add3A_701, %gather3A_762 : vector<16xi1>, vector<16xf32>
      %add3A_764 = arith.addf %select_n3A_759, %select_n3A_763 : vector<16xf32>
      %broadcast_in_dim3A_765 = vector.shape_cast %xor3A_740 : vector<16xi32> to vector<16x1xi32>
      %gather3A_766 = vector.shape_cast %broadcast_in_dim3A_765 : vector<16x1xi32> to vector<16xi32>
      %gather3A_767 = tpu.dynamic_gather %add3A_719[%gather3A_766] in [0] : vector<16xf32>, vector<16xi32> -> vector<16xf32>
      %select_n3A_768 = arith.select %ne3A_746, %gather3A_767, %add3A_710 : vector<16xi1>, vector<16xf32>
      %broadcast_in_dim3A_769 = vector.shape_cast %xor3A_740 : vector<16xi32> to vector<16x1xi32>
      %gather3A_770 = vector.shape_cast %broadcast_in_dim3A_769 : vector<16x1xi32> to vector<16xi32>
      %gather3A_771 = tpu.dynamic_gather %add3A_710[%gather3A_770] in [0] : vector<16xf32>, vector<16xi32> -> vector<16xf32>
      %select_n3A_772 = arith.select %ne3A_746, %add3A_719, %gather3A_771 : vector<16xi1>, vector<16xf32>
      %add3A_773 = arith.addf %select_n3A_768, %select_n3A_772 : vector<16xf32>
      %broadcast_in_dim3A_774 = vector.shape_cast %xor3A_740 : vector<16xi32> to vector<16x1xi32>
      %gather3A_775 = vector.shape_cast %broadcast_in_dim3A_774 : vector<16x1xi32> to vector<16xi32>
      %gather3A_776 = tpu.dynamic_gather %add3A_737[%gather3A_775] in [0] : vector<16xf32>, vector<16xi32> -> vector<16xf32>
      %select_n3A_777 = arith.select %ne3A_746, %gather3A_776, %add3A_728 : vector<16xi1>, vector<16xf32>
      %broadcast_in_dim3A_778 = vector.shape_cast %xor3A_740 : vector<16xi32> to vector<16x1xi32>
      %gather3A_779 = vector.shape_cast %broadcast_in_dim3A_778 : vector<16x1xi32> to vector<16xi32>
      %gather3A_780 = tpu.dynamic_gather %add3A_728[%gather3A_779] in [0] : vector<16xf32>, vector<16xi32> -> vector<16xf32>
      %select_n3A_781 = arith.select %ne3A_746, %add3A_737, %gather3A_780 : vector<16xi1>, vector<16xf32>
      %add3A_782 = arith.addf %select_n3A_777, %select_n3A_781 : vector<16xf32>
      %xor3A_783 = arith.constant 4 : i32
      %xor3A_784 = vector.broadcast %xor3A_783 : i32 to vector<16xi32>
      %xor3A_785 = arith.xori %iota3A, %xor3A_784 : vector<16xi32>
      %and3A_786 = arith.constant 4 : i32
      %and3A_787 = vector.broadcast %and3A_786 : i32 to vector<16xi32>
      %and3A_788 = arith.andi %iota3A, %and3A_787 : vector<16xi32>
      %ne3A_789 = arith.constant 0 : i32
      %ne3A_790 = vector.broadcast %ne3A_789 : i32 to vector<16xi32>
      %ne3A_791 = arith.cmpi ne, %and3A_788, %ne3A_790 : vector<16xi32>
      %broadcast_in_dim3A_792 = vector.shape_cast %xor3A_785 : vector<16xi32> to vector<16x1xi32>
      %gather3A_793 = vector.shape_cast %broadcast_in_dim3A_792 : vector<16x1xi32> to vector<16xi32>
      %gather3A_794 = tpu.dynamic_gather %add3A_764[%gather3A_793] in [0] : vector<16xf32>, vector<16xi32> -> vector<16xf32>
      %select_n3A_795 = arith.select %ne3A_791, %gather3A_794, %add3A_755 : vector<16xi1>, vector<16xf32>
      %broadcast_in_dim3A_796 = vector.shape_cast %xor3A_785 : vector<16xi32> to vector<16x1xi32>
      %gather3A_797 = vector.shape_cast %broadcast_in_dim3A_796 : vector<16x1xi32> to vector<16xi32>
      %gather3A_798 = tpu.dynamic_gather %add3A_755[%gather3A_797] in [0] : vector<16xf32>, vector<16xi32> -> vector<16xf32>
      %select_n3A_799 = arith.select %ne3A_791, %add3A_764, %gather3A_798 : vector<16xi1>, vector<16xf32>
      %add3A_800 = arith.addf %select_n3A_795, %select_n3A_799 : vector<16xf32>
      %broadcast_in_dim3A_801 = vector.shape_cast %xor3A_785 : vector<16xi32> to vector<16x1xi32>
      %gather3A_802 = vector.shape_cast %broadcast_in_dim3A_801 : vector<16x1xi32> to vector<16xi32>
      %gather3A_803 = tpu.dynamic_gather %add3A_782[%gather3A_802] in [0] : vector<16xf32>, vector<16xi32> -> vector<16xf32>
      %select_n3A_804 = arith.select %ne3A_791, %gather3A_803, %add3A_773 : vector<16xi1>, vector<16xf32>
      %broadcast_in_dim3A_805 = vector.shape_cast %xor3A_785 : vector<16xi32> to vector<16x1xi32>
      %gather3A_806 = vector.shape_cast %broadcast_in_dim3A_805 : vector<16x1xi32> to vector<16xi32>
      %gather3A_807 = tpu.dynamic_gather %add3A_773[%gather3A_806] in [0] : vector<16xf32>, vector<16xi32> -> vector<16xf32>
      %select_n3A_808 = arith.select %ne3A_791, %add3A_782, %gather3A_807 : vector<16xi1>, vector<16xf32>
      %add3A_809 = arith.addf %select_n3A_804, %select_n3A_808 : vector<16xf32>
      %xor3A_810 = arith.constant 8 : i32
      %xor3A_811 = vector.broadcast %xor3A_810 : i32 to vector<16xi32>
      %xor3A_812 = arith.xori %iota3A, %xor3A_811 : vector<16xi32>
      %and3A_813 = arith.constant 8 : i32
      %and3A_814 = vector.broadcast %and3A_813 : i32 to vector<16xi32>
      %and3A_815 = arith.andi %iota3A, %and3A_814 : vector<16xi32>
      %ne3A_816 = arith.constant 0 : i32
      %ne3A_817 = vector.broadcast %ne3A_816 : i32 to vector<16xi32>
      %ne3A_818 = arith.cmpi ne, %and3A_815, %ne3A_817 : vector<16xi32>
      %broadcast_in_dim3A_819 = vector.shape_cast %xor3A_812 : vector<16xi32> to vector<16x1xi32>
      %gather3A_820 = vector.shape_cast %broadcast_in_dim3A_819 : vector<16x1xi32> to vector<16xi32>
      %gather3A_821 = tpu.dynamic_gather %add3A_809[%gather3A_820] in [0] : vector<16xf32>, vector<16xi32> -> vector<16xf32>
      %select_n3A_822 = arith.select %ne3A_818, %gather3A_821, %add3A_800 : vector<16xi1>, vector<16xf32>
      %broadcast_in_dim3A_823 = vector.shape_cast %xor3A_812 : vector<16xi32> to vector<16x1xi32>
      %gather3A_824 = vector.shape_cast %broadcast_in_dim3A_823 : vector<16x1xi32> to vector<16xi32>
      %gather3A_825 = tpu.dynamic_gather %add3A_800[%gather3A_824] in [0] : vector<16xf32>, vector<16xi32> -> vector<16xf32>
      %select_n3A_826 = arith.select %ne3A_818, %add3A_809, %gather3A_825 : vector<16xi1>, vector<16xf32>
      %add3A_827 = arith.addf %select_n3A_822, %select_n3A_826 : vector<16xf32>
      %mul3A_828 = arith.constant 0.00130208337 : f32
      %mul3A_829 = vector.broadcast %mul3A_828 : f32 to vector<16xf32>
      %mul3A_830 = arith.mulf %add3A_608, %mul3A_829 : vector<16xf32>
      %mul3A_831 = arith.constant 0.00130208337 : f32
      %mul3A_832 = vector.broadcast %mul3A_831 : f32 to vector<16xf32>
      %mul3A_833 = arith.mulf %add3A_827, %mul3A_832 : vector<16xf32>
      %mul3A_834 = arith.mulf %mul3A_830, %mul3A_830 : vector<16xf32>
      %sub3A_835 = arith.subf %mul3A_833, %mul3A_834 : vector<16xf32>
      %add3A_836 = arith.constant 9.99999974E-6 : f32
      %add3A_837 = vector.broadcast %add3A_836 : f32 to vector<16xf32>
      %add3A_838 = arith.addf %sub3A_835, %add3A_837 : vector<16xf32>
      %bitcast_convert_type3A = tpu.bitcast %add3A_838 : vector<16xf32> -> vector<16xi32>
      %shift_right_logical3A = arith.constant 1 : i32
      %shift_right_logical3A_839 = vector.broadcast %shift_right_logical3A : i32 to vector<16xi32>
      %shift_right_logical3A_840 = arith.shrui %bitcast_convert_type3A, %shift_right_logical3A_839 : vector<16xi32>
      %sub3A_841 = arith.constant 1597463007 : i32
      %sub3A_842 = vector.broadcast %sub3A_841 : i32 to vector<16xi32>
      %sub3A_843 = arith.subi %sub3A_842, %shift_right_logical3A_840 : vector<16xi32>
      %bitcast_convert_type3A_844 = tpu.bitcast %sub3A_843 : vector<16xi32> -> vector<16xf32>
      %mul3A_845 = arith.constant 5.000000e-01 : f32
      %mul3A_846 = vector.broadcast %mul3A_845 : f32 to vector<16xf32>
      %mul3A_847 = arith.mulf %mul3A_846, %add3A_838 : vector<16xf32>
      %mul3A_848 = arith.mulf %mul3A_847, %bitcast_convert_type3A_844 : vector<16xf32>
      %mul3A_849 = arith.mulf %mul3A_848, %bitcast_convert_type3A_844 : vector<16xf32>
      %sub3A_850 = arith.constant 1.500000e+00 : f32
      %sub3A_851 = vector.broadcast %sub3A_850 : f32 to vector<16xf32>
      %sub3A_852 = arith.subf %sub3A_851, %mul3A_849 : vector<16xf32>
      %mul3A_853 = arith.mulf %bitcast_convert_type3A_844, %sub3A_852 : vector<16xf32>
      %mul3A_854 = arith.constant 5.000000e-01 : f32
      %mul3A_855 = vector.broadcast %mul3A_854 : f32 to vector<16xf32>
      %mul3A_856 = arith.mulf %mul3A_855, %add3A_838 : vector<16xf32>
      %mul3A_857 = arith.mulf %mul3A_856, %mul3A_853 : vector<16xf32>
      %mul3A_858 = arith.mulf %mul3A_857, %mul3A_853 : vector<16xf32>
      %sub3A_859 = arith.constant 1.500000e+00 : f32
      %sub3A_860 = vector.broadcast %sub3A_859 : f32 to vector<16xf32>
      %sub3A_861 = arith.subf %sub3A_860, %mul3A_858 : vector<16xf32>
      %mul3A_862 = arith.mulf %mul3A_853, %sub3A_861 : vector<16xf32>
      %mul3A_863 = arith.constant 5.000000e-01 : f32
      %mul3A_864 = vector.broadcast %mul3A_863 : f32 to vector<16xf32>
      %mul3A_865 = arith.mulf %mul3A_864, %add3A_838 : vector<16xf32>
      %mul3A_866 = arith.mulf %mul3A_865, %mul3A_862 : vector<16xf32>
      %mul3A_867 = arith.mulf %mul3A_866, %mul3A_862 : vector<16xf32>
      %sub3A_868 = arith.constant 1.500000e+00 : f32
      %sub3A_869 = vector.broadcast %sub3A_868 : f32 to vector<16xf32>
      %sub3A_870 = arith.subf %sub3A_869, %mul3A_867 : vector<16xf32>
      %mul3A_871 = arith.mulf %mul3A_862, %sub3A_870 : vector<16xf32>
      %broadcast_in_dim3A_872 = arith.constant 0 : i32
      %broadcast_in_dim3A_873 = vector.broadcast %broadcast_in_dim3A_872 : i32 to vector<16xi32>
      %broadcast_in_dim3A_874 = vector.shape_cast %broadcast_in_dim3A_873 : vector<16xi32> to vector<16x1xi32>
      %gather3A_875 = vector.shape_cast %broadcast_in_dim3A_874 : vector<16x1xi32> to vector<16xi32>
      %gather3A_876 = tpu.dynamic_gather %mul3A_830[%gather3A_875] in [0] : vector<16xf32>, vector<16xi32> -> vector<16xf32>
      %swap3A = arith.constant 0 : index
      %swap3A_877 = tpu.vector_load %arg15[%swap3A] {strides = array<i32>} : memref<256xf32, #tpu.memory_space<vmem>>, vector<16xf32>,
      %swap3A_878 = vector.shape_cast %swap3A_877 : vector<16xf32> to vector<16xf32>
      %swap3A_879 = vector.shape_cast %gather3A_876 : vector<16xf32> to vector<16xf32>
      tpu.vector_store %arg15[%swap3A], %swap3A_879 {strides = array<i32>} : memref<256xf32, #tpu.memory_space<vmem>>, vector<16xf32>,
      %broadcast_in_dim3A_880 = vector.shape_cast %broadcast_in_dim3A_873 : vector<16xi32> to vector<16x1xi32>
      %gather3A_881 = vector.shape_cast %broadcast_in_dim3A_880 : vector<16x1xi32> to vector<16xi32>
      %gather3A_882 = tpu.dynamic_gather %mul3A_871[%gather3A_881] in [0] : vector<16xf32>, vector<16xi32> -> vector<16xf32>
      %swap3A_883 = arith.constant 0 : index
      %swap3A_884 = tpu.vector_load %arg16[%swap3A_883] {strides = array<i32>} : memref<256xf32, #tpu.memory_space<vmem>>, vector<16xf32>,
      %swap3A_885 = vector.shape_cast %swap3A_884 : vector<16xf32> to vector<16xf32>
      %swap3A_886 = vector.shape_cast %gather3A_882 : vector<16xf32> to vector<16xf32>
      tpu.vector_store %arg16[%swap3A_883], %swap3A_886 {strides = array<i32>} : memref<256xf32, #tpu.memory_space<vmem>>, vector<16xf32>,
      %broadcast_in_dim3A_887 = arith.constant 1 : i32
      %broadcast_in_dim3A_888 = vector.broadcast %broadcast_in_dim3A_887 : i32 to vector<16xi32>
      %broadcast_in_dim3A_889 = vector.shape_cast %broadcast_in_dim3A_888 : vector<16xi32> to vector<16x1xi32>
      %gather3A_890 = vector.shape_cast %broadcast_in_dim3A_889 : vector<16x1xi32> to vector<16xi32>
      %gather3A_891 = tpu.dynamic_gather %mul3A_830[%gather3A_890] in [0] : vector<16xf32>, vector<16xi32> -> vector<16xf32>
      %swap3A_892 = arith.constant 16 : index
      %swap3A_893 = tpu.vector_load %arg15[%swap3A_892] {strides = array<i32>} : memref<256xf32, #tpu.memory_space<vmem>>, vector<16xf32>,
      %swap3A_894 = vector.shape_cast %swap3A_893 : vector<16xf32> to vector<16xf32>
      %swap3A_895 = vector.shape_cast %gather3A_891 : vector<16xf32> to vector<16xf32>
      tpu.vector_store %arg15[%swap3A_892], %swap3A_895 {strides = array<i32>} : memref<256xf32, #tpu.memory_space<vmem>>, vector<16xf32>,
      %broadcast_in_dim3A_896 = vector.shape_cast %broadcast_in_dim3A_888 : vector<16xi32> to vector<16x1xi32>
      %gather3A_897 = vector.shape_cast %broadcast_in_dim3A_896 : vector<16x1xi32> to vector<16xi32>
      %gather3A_898 = tpu.dynamic_gather %mul3A_871[%gather3A_897] in [0] : vector<16xf32>, vector<16xi32> -> vector<16xf32>
      %swap3A_899 = arith.constant 16 : index
      %swap3A_900 = tpu.vector_load %arg16[%swap3A_899] {strides = array<i32>} : memref<256xf32, #tpu.memory_space<vmem>>, vector<16xf32>,
      %swap3A_901 = vector.shape_cast %swap3A_900 : vector<16xf32> to vector<16xf32>
      %swap3A_902 = vector.shape_cast %gather3A_898 : vector<16xf32> to vector<16xf32>
      tpu.vector_store %arg16[%swap3A_899], %swap3A_902 {strides = array<i32>} : memref<256xf32, #tpu.memory_space<vmem>>, vector<16xf32>,
      %broadcast_in_dim3A_903 = arith.constant 2 : i32
      %broadcast_in_dim3A_904 = vector.broadcast %broadcast_in_dim3A_903 : i32 to vector<16xi32>
      %broadcast_in_dim3A_905 = vector.shape_cast %broadcast_in_dim3A_904 : vector<16xi32> to vector<16x1xi32>
      %gather3A_906 = vector.shape_cast %broadcast_in_dim3A_905 : vector<16x1xi32> to vector<16xi32>
      %gather3A_907 = tpu.dynamic_gather %mul3A_830[%gather3A_906] in [0] : vector<16xf32>, vector<16xi32> -> vector<16xf32>
      %swap3A_908 = arith.constant 32 : index
      %swap3A_909 = tpu.vector_load %arg15[%swap3A_908] {strides = array<i32>} : memref<256xf32, #tpu.memory_space<vmem>>, vector<16xf32>,
      %swap3A_910 = vector.shape_cast %swap3A_909 : vector<16xf32> to vector<16xf32>
      %swap3A_911 = vector.shape_cast %gather3A_907 : vector<16xf32> to vector<16xf32>
      tpu.vector_store %arg15[%swap3A_908], %swap3A_911 {strides = array<i32>} : memref<256xf32, #tpu.memory_space<vmem>>, vector<16xf32>,
      %broadcast_in_dim3A_912 = vector.shape_cast %broadcast_in_dim3A_904 : vector<16xi32> to vector<16x1xi32>
      %gather3A_913 = vector.shape_cast %broadcast_in_dim3A_912 : vector<16x1xi32> to vector<16xi32>
      %gather3A_914 = tpu.dynamic_gather %mul3A_871[%gather3A_913] in [0] : vector<16xf32>, vector<16xi32> -> vector<16xf32>
      %swap3A_915 = arith.constant 32 : index
      %swap3A_916 = tpu.vector_load %arg16[%swap3A_915] {strides = array<i32>} : memref<256xf32, #tpu.memory_space<vmem>>, vector<16xf32>,
      %swap3A_917 = vector.shape_cast %swap3A_916 : vector<16xf32> to vector<16xf32>
      %swap3A_918 = vector.shape_cast %gather3A_914 : vector<16xf32> to vector<16xf32>
      tpu.vector_store %arg16[%swap3A_915], %swap3A_918 {strides = array<i32>} : memref<256xf32, #tpu.memory_space<vmem>>, vector<16xf32>,
      %broadcast_in_dim3A_919 = arith.constant 3 : i32
      %broadcast_in_dim3A_920 = vector.broadcast %broadcast_in_dim3A_919 : i32 to vector<16xi32>
      %broadcast_in_dim3A_921 = vector.shape_cast %broadcast_in_dim3A_920 : vector<16xi32> to vector<16x1xi32>
      %gather3A_922 = vector.shape_cast %broadcast_in_dim3A_921 : vector<16x1xi32> to vector<16xi32>
      %gather3A_923 = tpu.dynamic_gather %mul3A_830[%gather3A_922] in [0] : vector<16xf32>, vector<16xi32> -> vector<16xf32>
      %swap3A_924 = arith.constant 48 : index
      %swap3A_925 = tpu.vector_load %arg15[%swap3A_924] {strides = array<i32>} : memref<256xf32, #tpu.memory_space<vmem>>, vector<16xf32>,
      %swap3A_926 = vector.shape_cast %swap3A_925 : vector<16xf32> to vector<16xf32>
      %swap3A_927 = vector.shape_cast %gather3A_923 : vector<16xf32> to vector<16xf32>
      tpu.vector_store %arg15[%swap3A_924], %swap3A_927 {strides = array<i32>} : memref<256xf32, #tpu.memory_space<vmem>>, vector<16xf32>,
      %broadcast_in_dim3A_928 = vector.shape_cast %broadcast_in_dim3A_920 : vector<16xi32> to vector<16x1xi32>
      %gather3A_929 = vector.shape_cast %broadcast_in_dim3A_928 : vector<16x1xi32> to vector<16xi32>
      %gather3A_930 = tpu.dynamic_gather %mul3A_871[%gather3A_929] in [0] : vector<16xf32>, vector<16xi32> -> vector<16xf32>
      %swap3A_931 = arith.constant 48 : index
      %swap3A_932 = tpu.vector_load %arg16[%swap3A_931] {strides = array<i32>} : memref<256xf32, #tpu.memory_space<vmem>>, vector<16xf32>,
      %swap3A_933 = vector.shape_cast %swap3A_932 : vector<16xf32> to vector<16xf32>
      %swap3A_934 = vector.shape_cast %gather3A_930 : vector<16xf32> to vector<16xf32>
      tpu.vector_store %arg16[%swap3A_931], %swap3A_934 {strides = array<i32>} : memref<256xf32, #tpu.memory_space<vmem>>, vector<16xf32>,
      %broadcast_in_dim3A_935 = arith.constant 4 : i32
      %broadcast_in_dim3A_936 = vector.broadcast %broadcast_in_dim3A_935 : i32 to vector<16xi32>
      %broadcast_in_dim3A_937 = vector.shape_cast %broadcast_in_dim3A_936 : vector<16xi32> to vector<16x1xi32>
      %gather3A_938 = vector.shape_cast %broadcast_in_dim3A_937 : vector<16x1xi32> to vector<16xi32>
      %gather3A_939 = tpu.dynamic_gather %mul3A_830[%gather3A_938] in [0] : vector<16xf32>, vector<16xi32> -> vector<16xf32>
      %swap3A_940 = arith.constant 64 : index
      %swap3A_941 = tpu.vector_load %arg15[%swap3A_940] {strides = array<i32>} : memref<256xf32, #tpu.memory_space<vmem>>, vector<16xf32>,
      %swap3A_942 = vector.shape_cast %swap3A_941 : vector<16xf32> to vector<16xf32>
      %swap3A_943 = vector.shape_cast %gather3A_939 : vector<16xf32> to vector<16xf32>
      tpu.vector_store %arg15[%swap3A_940], %swap3A_943 {strides = array<i32>} : memref<256xf32, #tpu.memory_space<vmem>>, vector<16xf32>,
      %broadcast_in_dim3A_944 = vector.shape_cast %broadcast_in_dim3A_936 : vector<16xi32> to vector<16x1xi32>
      %gather3A_945 = vector.shape_cast %broadcast_in_dim3A_944 : vector<16x1xi32> to vector<16xi32>
      %gather3A_946 = tpu.dynamic_gather %mul3A_871[%gather3A_945] in [0] : vector<16xf32>, vector<16xi32> -> vector<16xf32>
      %swap3A_947 = arith.constant 64 : index
      %swap3A_948 = tpu.vector_load %arg16[%swap3A_947] {strides = array<i32>} : memref<256xf32, #tpu.memory_space<vmem>>, vector<16xf32>,
      %swap3A_949 = vector.shape_cast %swap3A_948 : vector<16xf32> to vector<16xf32>
      %swap3A_950 = vector.shape_cast %gather3A_946 : vector<16xf32> to vector<16xf32>
      tpu.vector_store %arg16[%swap3A_947], %swap3A_950 {strides = array<i32>} : memref<256xf32, #tpu.memory_space<vmem>>, vector<16xf32>,
      %broadcast_in_dim3A_951 = arith.constant 5 : i32
      %broadcast_in_dim3A_952 = vector.broadcast %broadcast_in_dim3A_951 : i32 to vector<16xi32>
      %broadcast_in_dim3A_953 = vector.shape_cast %broadcast_in_dim3A_952 : vector<16xi32> to vector<16x1xi32>
      %gather3A_954 = vector.shape_cast %broadcast_in_dim3A_953 : vector<16x1xi32> to vector<16xi32>
      %gather3A_955 = tpu.dynamic_gather %mul3A_830[%gather3A_954] in [0] : vector<16xf32>, vector<16xi32> -> vector<16xf32>
      %swap3A_956 = arith.constant 80 : index
      %swap3A_957 = tpu.vector_load %arg15[%swap3A_956] {strides = array<i32>} : memref<256xf32, #tpu.memory_space<vmem>>, vector<16xf32>,
      %swap3A_958 = vector.shape_cast %swap3A_957 : vector<16xf32> to vector<16xf32>
      %swap3A_959 = vector.shape_cast %gather3A_955 : vector<16xf32> to vector<16xf32>
      tpu.vector_store %arg15[%swap3A_956], %swap3A_959 {strides = array<i32>} : memref<256xf32, #tpu.memory_space<vmem>>, vector<16xf32>,
      %broadcast_in_dim3A_960 = vector.shape_cast %broadcast_in_dim3A_952 : vector<16xi32> to vector<16x1xi32>
      %gather3A_961 = vector.shape_cast %broadcast_in_dim3A_960 : vector<16x1xi32> to vector<16xi32>
      %gather3A_962 = tpu.dynamic_gather %mul3A_871[%gather3A_961] in [0] : vector<16xf32>, vector<16xi32> -> vector<16xf32>
      %swap3A_963 = arith.constant 80 : index
      %swap3A_964 = tpu.vector_load %arg16[%swap3A_963] {strides = array<i32>} : memref<256xf32, #tpu.memory_space<vmem>>, vector<16xf32>,
      %swap3A_965 = vector.shape_cast %swap3A_964 : vector<16xf32> to vector<16xf32>
      %swap3A_966 = vector.shape_cast %gather3A_962 : vector<16xf32> to vector<16xf32>
      tpu.vector_store %arg16[%swap3A_963], %swap3A_966 {strides = array<i32>} : memref<256xf32, #tpu.memory_space<vmem>>, vector<16xf32>,
      %broadcast_in_dim3A_967 = arith.constant 6 : i32
      %broadcast_in_dim3A_968 = vector.broadcast %broadcast_in_dim3A_967 : i32 to vector<16xi32>
      %broadcast_in_dim3A_969 = vector.shape_cast %broadcast_in_dim3A_968 : vector<16xi32> to vector<16x1xi32>
      %gather3A_970 = vector.shape_cast %broadcast_in_dim3A_969 : vector<16x1xi32> to vector<16xi32>
      %gather3A_971 = tpu.dynamic_gather %mul3A_830[%gather3A_970] in [0] : vector<16xf32>, vector<16xi32> -> vector<16xf32>
      %swap3A_972 = arith.constant 96 : index
      %swap3A_973 = tpu.vector_load %arg15[%swap3A_972] {strides = array<i32>} : memref<256xf32, #tpu.memory_space<vmem>>, vector<16xf32>,
      %swap3A_974 = vector.shape_cast %swap3A_973 : vector<16xf32> to vector<16xf32>
      %swap3A_975 = vector.shape_cast %gather3A_971 : vector<16xf32> to vector<16xf32>
      tpu.vector_store %arg15[%swap3A_972], %swap3A_975 {strides = array<i32>} : memref<256xf32, #tpu.memory_space<vmem>>, vector<16xf32>,
      %broadcast_in_dim3A_976 = vector.shape_cast %broadcast_in_dim3A_968 : vector<16xi32> to vector<16x1xi32>
      %gather3A_977 = vector.shape_cast %broadcast_in_dim3A_976 : vector<16x1xi32> to vector<16xi32>
      %gather3A_978 = tpu.dynamic_gather %mul3A_871[%gather3A_977] in [0] : vector<16xf32>, vector<16xi32> -> vector<16xf32>
      %swap3A_979 = arith.constant 96 : index
      %swap3A_980 = tpu.vector_load %arg16[%swap3A_979] {strides = array<i32>} : memref<256xf32, #tpu.memory_space<vmem>>, vector<16xf32>,
      %swap3A_981 = vector.shape_cast %swap3A_980 : vector<16xf32> to vector<16xf32>
      %swap3A_982 = vector.shape_cast %gather3A_978 : vector<16xf32> to vector<16xf32>
      tpu.vector_store %arg16[%swap3A_979], %swap3A_982 {strides = array<i32>} : memref<256xf32, #tpu.memory_space<vmem>>, vector<16xf32>,
      %broadcast_in_dim3A_983 = arith.constant 7 : i32
      %broadcast_in_dim3A_984 = vector.broadcast %broadcast_in_dim3A_983 : i32 to vector<16xi32>
      %broadcast_in_dim3A_985 = vector.shape_cast %broadcast_in_dim3A_984 : vector<16xi32> to vector<16x1xi32>
      %gather3A_986 = vector.shape_cast %broadcast_in_dim3A_985 : vector<16x1xi32> to vector<16xi32>
      %gather3A_987 = tpu.dynamic_gather %mul3A_830[%gather3A_986] in [0] : vector<16xf32>, vector<16xi32> -> vector<16xf32>
      %swap3A_988 = arith.constant 112 : index
      %swap3A_989 = tpu.vector_load %arg15[%swap3A_988] {strides = array<i32>} : memref<256xf32, #tpu.memory_space<vmem>>, vector<16xf32>,
      %swap3A_990 = vector.shape_cast %swap3A_989 : vector<16xf32> to vector<16xf32>
      %swap3A_991 = vector.shape_cast %gather3A_987 : vector<16xf32> to vector<16xf32>
      tpu.vector_store %arg15[%swap3A_988], %swap3A_991 {strides = array<i32>} : memref<256xf32, #tpu.memory_space<vmem>>, vector<16xf32>,
      %broadcast_in_dim3A_992 = vector.shape_cast %broadcast_in_dim3A_984 : vector<16xi32> to vector<16x1xi32>
      %gather3A_993 = vector.shape_cast %broadcast_in_dim3A_992 : vector<16x1xi32> to vector<16xi32>
      %gather3A_994 = tpu.dynamic_gather %mul3A_871[%gather3A_993] in [0] : vector<16xf32>, vector<16xi32> -> vector<16xf32>
      %swap3A_995 = arith.constant 112 : index
      %swap3A_996 = tpu.vector_load %arg16[%swap3A_995] {strides = array<i32>} : memref<256xf32, #tpu.memory_space<vmem>>, vector<16xf32>,
      %swap3A_997 = vector.shape_cast %swap3A_996 : vector<16xf32> to vector<16xf32>
      %swap3A_998 = vector.shape_cast %gather3A_994 : vector<16xf32> to vector<16xf32>
      tpu.vector_store %arg16[%swap3A_995], %swap3A_998 {strides = array<i32>} : memref<256xf32, #tpu.memory_space<vmem>>, vector<16xf32>,
      %broadcast_in_dim3A_999 = arith.constant 8 : i32
      %broadcast_in_dim3A_1000 = vector.broadcast %broadcast_in_dim3A_999 : i32 to vector<16xi32>
      %broadcast_in_dim3A_1001 = vector.shape_cast %broadcast_in_dim3A_1000 : vector<16xi32> to vector<16x1xi32>
      %gather3A_1002 = vector.shape_cast %broadcast_in_dim3A_1001 : vector<16x1xi32> to vector<16xi32>
      %gather3A_1003 = tpu.dynamic_gather %mul3A_830[%gather3A_1002] in [0] : vector<16xf32>, vector<16xi32> -> vector<16xf32>
      %swap3A_1004 = arith.constant 128 : index
      %swap3A_1005 = tpu.vector_load %arg15[%swap3A_1004] {strides = array<i32>} : memref<256xf32, #tpu.memory_space<vmem>>, vector<16xf32>,
      %swap3A_1006 = vector.shape_cast %swap3A_1005 : vector<16xf32> to vector<16xf32>
      %swap3A_1007 = vector.shape_cast %gather3A_1003 : vector<16xf32> to vector<16xf32>
      tpu.vector_store %arg15[%swap3A_1004], %swap3A_1007 {strides = array<i32>} : memref<256xf32, #tpu.memory_space<vmem>>, vector<16xf32>,
      %broadcast_in_dim3A_1008 = vector.shape_cast %broadcast_in_dim3A_1000 : vector<16xi32> to vector<16x1xi32>
      %gather3A_1009 = vector.shape_cast %broadcast_in_dim3A_1008 : vector<16x1xi32> to vector<16xi32>
      %gather3A_1010 = tpu.dynamic_gather %mul3A_871[%gather3A_1009] in [0] : vector<16xf32>, vector<16xi32> -> vector<16xf32>
      %swap3A_1011 = arith.constant 128 : index
      %swap3A_1012 = tpu.vector_load %arg16[%swap3A_1011] {strides = array<i32>} : memref<256xf32, #tpu.memory_space<vmem>>, vector<16xf32>,
      %swap3A_1013 = vector.shape_cast %swap3A_1012 : vector<16xf32> to vector<16xf32>
      %swap3A_1014 = vector.shape_cast %gather3A_1010 : vector<16xf32> to vector<16xf32>
      tpu.vector_store %arg16[%swap3A_1011], %swap3A_1014 {strides = array<i32>} : memref<256xf32, #tpu.memory_space<vmem>>, vector<16xf32>,
      %broadcast_in_dim3A_1015 = arith.constant 9 : i32
      %broadcast_in_dim3A_1016 = vector.broadcast %broadcast_in_dim3A_1015 : i32 to vector<16xi32>
      %broadcast_in_dim3A_1017 = vector.shape_cast %broadcast_in_dim3A_1016 : vector<16xi32> to vector<16x1xi32>
      %gather3A_1018 = vector.shape_cast %broadcast_in_dim3A_1017 : vector<16x1xi32> to vector<16xi32>
      %gather3A_1019 = tpu.dynamic_gather %mul3A_830[%gather3A_1018] in [0] : vector<16xf32>, vector<16xi32> -> vector<16xf32>
      %swap3A_1020 = arith.constant 144 : index
      %swap3A_1021 = tpu.vector_load %arg15[%swap3A_1020] {strides = array<i32>} : memref<256xf32, #tpu.memory_space<vmem>>, vector<16xf32>,
      %swap3A_1022 = vector.shape_cast %swap3A_1021 : vector<16xf32> to vector<16xf32>
      %swap3A_1023 = vector.shape_cast %gather3A_1019 : vector<16xf32> to vector<16xf32>
      tpu.vector_store %arg15[%swap3A_1020], %swap3A_1023 {strides = array<i32>} : memref<256xf32, #tpu.memory_space<vmem>>, vector<16xf32>,
      %broadcast_in_dim3A_1024 = vector.shape_cast %broadcast_in_dim3A_1016 : vector<16xi32> to vector<16x1xi32>
      %gather3A_1025 = vector.shape_cast %broadcast_in_dim3A_1024 : vector<16x1xi32> to vector<16xi32>
      %gather3A_1026 = tpu.dynamic_gather %mul3A_871[%gather3A_1025] in [0] : vector<16xf32>, vector<16xi32> -> vector<16xf32>
      %swap3A_1027 = arith.constant 144 : index
      %swap3A_1028 = tpu.vector_load %arg16[%swap3A_1027] {strides = array<i32>} : memref<256xf32, #tpu.memory_space<vmem>>, vector<16xf32>,
      %swap3A_1029 = vector.shape_cast %swap3A_1028 : vector<16xf32> to vector<16xf32>
      %swap3A_1030 = vector.shape_cast %gather3A_1026 : vector<16xf32> to vector<16xf32>
      tpu.vector_store %arg16[%swap3A_1027], %swap3A_1030 {strides = array<i32>} : memref<256xf32, #tpu.memory_space<vmem>>, vector<16xf32>,
      %broadcast_in_dim3A_1031 = arith.constant 10 : i32
      %broadcast_in_dim3A_1032 = vector.broadcast %broadcast_in_dim3A_1031 : i32 to vector<16xi32>
      %broadcast_in_dim3A_1033 = vector.shape_cast %broadcast_in_dim3A_1032 : vector<16xi32> to vector<16x1xi32>
      %gather3A_1034 = vector.shape_cast %broadcast_in_dim3A_1033 : vector<16x1xi32> to vector<16xi32>
      %gather3A_1035 = tpu.dynamic_gather %mul3A_830[%gather3A_1034] in [0] : vector<16xf32>, vector<16xi32> -> vector<16xf32>
      %swap3A_1036 = arith.constant 160 : index
      %swap3A_1037 = tpu.vector_load %arg15[%swap3A_1036] {strides = array<i32>} : memref<256xf32, #tpu.memory_space<vmem>>, vector<16xf32>,
      %swap3A_1038 = vector.shape_cast %swap3A_1037 : vector<16xf32> to vector<16xf32>
      %swap3A_1039 = vector.shape_cast %gather3A_1035 : vector<16xf32> to vector<16xf32>
      tpu.vector_store %arg15[%swap3A_1036], %swap3A_1039 {strides = array<i32>} : memref<256xf32, #tpu.memory_space<vmem>>, vector<16xf32>,
      %broadcast_in_dim3A_1040 = vector.shape_cast %broadcast_in_dim3A_1032 : vector<16xi32> to vector<16x1xi32>
      %gather3A_1041 = vector.shape_cast %broadcast_in_dim3A_1040 : vector<16x1xi32> to vector<16xi32>
      %gather3A_1042 = tpu.dynamic_gather %mul3A_871[%gather3A_1041] in [0] : vector<16xf32>, vector<16xi32> -> vector<16xf32>
      %swap3A_1043 = arith.constant 160 : index
      %swap3A_1044 = tpu.vector_load %arg16[%swap3A_1043] {strides = array<i32>} : memref<256xf32, #tpu.memory_space<vmem>>, vector<16xf32>,
      %swap3A_1045 = vector.shape_cast %swap3A_1044 : vector<16xf32> to vector<16xf32>
      %swap3A_1046 = vector.shape_cast %gather3A_1042 : vector<16xf32> to vector<16xf32>
      tpu.vector_store %arg16[%swap3A_1043], %swap3A_1046 {strides = array<i32>} : memref<256xf32, #tpu.memory_space<vmem>>, vector<16xf32>,
      %broadcast_in_dim3A_1047 = arith.constant 11 : i32
      %broadcast_in_dim3A_1048 = vector.broadcast %broadcast_in_dim3A_1047 : i32 to vector<16xi32>
      %broadcast_in_dim3A_1049 = vector.shape_cast %broadcast_in_dim3A_1048 : vector<16xi32> to vector<16x1xi32>
      %gather3A_1050 = vector.shape_cast %broadcast_in_dim3A_1049 : vector<16x1xi32> to vector<16xi32>
      %gather3A_1051 = tpu.dynamic_gather %mul3A_830[%gather3A_1050] in [0] : vector<16xf32>, vector<16xi32> -> vector<16xf32>
      %swap3A_1052 = arith.constant 176 : index
      %swap3A_1053 = tpu.vector_load %arg15[%swap3A_1052] {strides = array<i32>} : memref<256xf32, #tpu.memory_space<vmem>>, vector<16xf32>,
      %swap3A_1054 = vector.shape_cast %swap3A_1053 : vector<16xf32> to vector<16xf32>
      %swap3A_1055 = vector.shape_cast %gather3A_1051 : vector<16xf32> to vector<16xf32>
      tpu.vector_store %arg15[%swap3A_1052], %swap3A_1055 {strides = array<i32>} : memref<256xf32, #tpu.memory_space<vmem>>, vector<16xf32>,
      %broadcast_in_dim3A_1056 = vector.shape_cast %broadcast_in_dim3A_1048 : vector<16xi32> to vector<16x1xi32>
      %gather3A_1057 = vector.shape_cast %broadcast_in_dim3A_1056 : vector<16x1xi32> to vector<16xi32>
      %gather3A_1058 = tpu.dynamic_gather %mul3A_871[%gather3A_1057] in [0] : vector<16xf32>, vector<16xi32> -> vector<16xf32>
      %swap3A_1059 = arith.constant 176 : index
      %swap3A_1060 = tpu.vector_load %arg16[%swap3A_1059] {strides = array<i32>} : memref<256xf32, #tpu.memory_space<vmem>>, vector<16xf32>,
      %swap3A_1061 = vector.shape_cast %swap3A_1060 : vector<16xf32> to vector<16xf32>
      %swap3A_1062 = vector.shape_cast %gather3A_1058 : vector<16xf32> to vector<16xf32>
      tpu.vector_store %arg16[%swap3A_1059], %swap3A_1062 {strides = array<i32>} : memref<256xf32, #tpu.memory_space<vmem>>, vector<16xf32>,
      %broadcast_in_dim3A_1063 = arith.constant 12 : i32
      %broadcast_in_dim3A_1064 = vector.broadcast %broadcast_in_dim3A_1063 : i32 to vector<16xi32>
      %broadcast_in_dim3A_1065 = vector.shape_cast %broadcast_in_dim3A_1064 : vector<16xi32> to vector<16x1xi32>
      %gather3A_1066 = vector.shape_cast %broadcast_in_dim3A_1065 : vector<16x1xi32> to vector<16xi32>
      %gather3A_1067 = tpu.dynamic_gather %mul3A_830[%gather3A_1066] in [0] : vector<16xf32>, vector<16xi32> -> vector<16xf32>
      %swap3A_1068 = arith.constant 192 : index
      %swap3A_1069 = tpu.vector_load %arg15[%swap3A_1068] {strides = array<i32>} : memref<256xf32, #tpu.memory_space<vmem>>, vector<16xf32>,
      %swap3A_1070 = vector.shape_cast %swap3A_1069 : vector<16xf32> to vector<16xf32>
      %swap3A_1071 = vector.shape_cast %gather3A_1067 : vector<16xf32> to vector<16xf32>
      tpu.vector_store %arg15[%swap3A_1068], %swap3A_1071 {strides = array<i32>} : memref<256xf32, #tpu.memory_space<vmem>>, vector<16xf32>,
      %broadcast_in_dim3A_1072 = vector.shape_cast %broadcast_in_dim3A_1064 : vector<16xi32> to vector<16x1xi32>
      %gather3A_1073 = vector.shape_cast %broadcast_in_dim3A_1072 : vector<16x1xi32> to vector<16xi32>
      %gather3A_1074 = tpu.dynamic_gather %mul3A_871[%gather3A_1073] in [0] : vector<16xf32>, vector<16xi32> -> vector<16xf32>
      %swap3A_1075 = arith.constant 192 : index
      %swap3A_1076 = tpu.vector_load %arg16[%swap3A_1075] {strides = array<i32>} : memref<256xf32, #tpu.memory_space<vmem>>, vector<16xf32>,
      %swap3A_1077 = vector.shape_cast %swap3A_1076 : vector<16xf32> to vector<16xf32>
      %swap3A_1078 = vector.shape_cast %gather3A_1074 : vector<16xf32> to vector<16xf32>
      tpu.vector_store %arg16[%swap3A_1075], %swap3A_1078 {strides = array<i32>} : memref<256xf32, #tpu.memory_space<vmem>>, vector<16xf32>,
      %broadcast_in_dim3A_1079 = arith.constant 13 : i32
      %broadcast_in_dim3A_1080 = vector.broadcast %broadcast_in_dim3A_1079 : i32 to vector<16xi32>
      %broadcast_in_dim3A_1081 = vector.shape_cast %broadcast_in_dim3A_1080 : vector<16xi32> to vector<16x1xi32>
      %gather3A_1082 = vector.shape_cast %broadcast_in_dim3A_1081 : vector<16x1xi32> to vector<16xi32>
      %gather3A_1083 = tpu.dynamic_gather %mul3A_830[%gather3A_1082] in [0] : vector<16xf32>, vector<16xi32> -> vector<16xf32>
      %swap3A_1084 = arith.constant 208 : index
      %swap3A_1085 = tpu.vector_load %arg15[%swap3A_1084] {strides = array<i32>} : memref<256xf32, #tpu.memory_space<vmem>>, vector<16xf32>,
      %swap3A_1086 = vector.shape_cast %swap3A_1085 : vector<16xf32> to vector<16xf32>
      %swap3A_1087 = vector.shape_cast %gather3A_1083 : vector<16xf32> to vector<16xf32>
      tpu.vector_store %arg15[%swap3A_1084], %swap3A_1087 {strides = array<i32>} : memref<256xf32, #tpu.memory_space<vmem>>, vector<16xf32>,
      %broadcast_in_dim3A_1088 = vector.shape_cast %broadcast_in_dim3A_1080 : vector<16xi32> to vector<16x1xi32>
      %gather3A_1089 = vector.shape_cast %broadcast_in_dim3A_1088 : vector<16x1xi32> to vector<16xi32>
      %gather3A_1090 = tpu.dynamic_gather %mul3A_871[%gather3A_1089] in [0] : vector<16xf32>, vector<16xi32> -> vector<16xf32>
      %swap3A_1091 = arith.constant 208 : index
      %swap3A_1092 = tpu.vector_load %arg16[%swap3A_1091] {strides = array<i32>} : memref<256xf32, #tpu.memory_space<vmem>>, vector<16xf32>,
      %swap3A_1093 = vector.shape_cast %swap3A_1092 : vector<16xf32> to vector<16xf32>
      %swap3A_1094 = vector.shape_cast %gather3A_1090 : vector<16xf32> to vector<16xf32>
      tpu.vector_store %arg16[%swap3A_1091], %swap3A_1094 {strides = array<i32>} : memref<256xf32, #tpu.memory_space<vmem>>, vector<16xf32>,
      %broadcast_in_dim3A_1095 = arith.constant 14 : i32
      %broadcast_in_dim3A_1096 = vector.broadcast %broadcast_in_dim3A_1095 : i32 to vector<16xi32>
      %broadcast_in_dim3A_1097 = vector.shape_cast %broadcast_in_dim3A_1096 : vector<16xi32> to vector<16x1xi32>
      %gather3A_1098 = vector.shape_cast %broadcast_in_dim3A_1097 : vector<16x1xi32> to vector<16xi32>
      %gather3A_1099 = tpu.dynamic_gather %mul3A_830[%gather3A_1098] in [0] : vector<16xf32>, vector<16xi32> -> vector<16xf32>
      %swap3A_1100 = arith.constant 224 : index
      %swap3A_1101 = tpu.vector_load %arg15[%swap3A_1100] {strides = array<i32>} : memref<256xf32, #tpu.memory_space<vmem>>, vector<16xf32>,
      %swap3A_1102 = vector.shape_cast %swap3A_1101 : vector<16xf32> to vector<16xf32>
      %swap3A_1103 = vector.shape_cast %gather3A_1099 : vector<16xf32> to vector<16xf32>
      tpu.vector_store %arg15[%swap3A_1100], %swap3A_1103 {strides = array<i32>} : memref<256xf32, #tpu.memory_space<vmem>>, vector<16xf32>,
      %broadcast_in_dim3A_1104 = vector.shape_cast %broadcast_in_dim3A_1096 : vector<16xi32> to vector<16x1xi32>
      %gather3A_1105 = vector.shape_cast %broadcast_in_dim3A_1104 : vector<16x1xi32> to vector<16xi32>
      %gather3A_1106 = tpu.dynamic_gather %mul3A_871[%gather3A_1105] in [0] : vector<16xf32>, vector<16xi32> -> vector<16xf32>
      %swap3A_1107 = arith.constant 224 : index
      %swap3A_1108 = tpu.vector_load %arg16[%swap3A_1107] {strides = array<i32>} : memref<256xf32, #tpu.memory_space<vmem>>, vector<16xf32>,
      %swap3A_1109 = vector.shape_cast %swap3A_1108 : vector<16xf32> to vector<16xf32>
      %swap3A_1110 = vector.shape_cast %gather3A_1106 : vector<16xf32> to vector<16xf32>
      tpu.vector_store %arg16[%swap3A_1107], %swap3A_1110 {strides = array<i32>} : memref<256xf32, #tpu.memory_space<vmem>>, vector<16xf32>,
      %broadcast_in_dim3A_1111 = arith.constant 15 : i32
      %broadcast_in_dim3A_1112 = vector.broadcast %broadcast_in_dim3A_1111 : i32 to vector<16xi32>
      %broadcast_in_dim3A_1113 = vector.shape_cast %broadcast_in_dim3A_1112 : vector<16xi32> to vector<16x1xi32>
      %gather3A_1114 = vector.shape_cast %broadcast_in_dim3A_1113 : vector<16x1xi32> to vector<16xi32>
      %gather3A_1115 = tpu.dynamic_gather %mul3A_830[%gather3A_1114] in [0] : vector<16xf32>, vector<16xi32> -> vector<16xf32>
      %swap3A_1116 = arith.constant 240 : index
      %swap3A_1117 = tpu.vector_load %arg15[%swap3A_1116] {strides = array<i32>} : memref<256xf32, #tpu.memory_space<vmem>>, vector<16xf32>,
      %swap3A_1118 = vector.shape_cast %swap3A_1117 : vector<16xf32> to vector<16xf32>
      %swap3A_1119 = vector.shape_cast %gather3A_1115 : vector<16xf32> to vector<16xf32>
      tpu.vector_store %arg15[%swap3A_1116], %swap3A_1119 {strides = array<i32>} : memref<256xf32, #tpu.memory_space<vmem>>, vector<16xf32>,
      %broadcast_in_dim3A_1120 = vector.shape_cast %broadcast_in_dim3A_1112 : vector<16xi32> to vector<16x1xi32>
      %gather3A_1121 = vector.shape_cast %broadcast_in_dim3A_1120 : vector<16x1xi32> to vector<16xi32>
      %gather3A_1122 = tpu.dynamic_gather %mul3A_871[%gather3A_1121] in [0] : vector<16xf32>, vector<16xi32> -> vector<16xf32>
      %swap3A_1123 = arith.constant 240 : index
      %swap3A_1124 = tpu.vector_load %arg16[%swap3A_1123] {strides = array<i32>} : memref<256xf32, #tpu.memory_space<vmem>>, vector<16xf32>,
      %swap3A_1125 = vector.shape_cast %swap3A_1124 : vector<16xf32> to vector<16xf32>
      %swap3A_1126 = vector.shape_cast %gather3A_1122 : vector<16xf32> to vector<16xf32>
      tpu.vector_store %arg16[%swap3A_1123], %swap3A_1126 {strides = array<i32>} : memref<256xf32, #tpu.memory_space<vmem>>, vector<16xf32>,
      %scan3A_1127 = arith.constant 0 : i32
      %scan3A_1128 = arith.constant 0 : i32
      %scan3A_1129 = arith.constant 6 : i32
      %scan3A_1130 = arith.addi %scan3A_1128, %scan3A_1129 : i32
      %scan3A_1131 = arith.constant 1 : i32
      scf.for %scan3A_1213 = %scan3A_1128 to %scan3A_1130 step %scan3A_1131  : i32 {
        %mul3A_1214 = arith.constant 128 : i32
        %mul3A_1215 = arith.muli %scan3A_1213, %mul3A_1214 : i32
        %add3A_1216 = arith.constant 0 : i32
        %add3A_1217 = arith.addi %mul3A_1215, %add3A_1216 : i32
        %get3A_1218 = arith.index_cast %add3A_1217 : i32 to index
        %get3A_1219 = tpu.vector_load %arg11[%get3A_1218] {strides = array<i32>} : memref<768xf32, #tpu.memory_space<vmem>>, vector<16xf32>,
        %get3A_1220 = vector.shape_cast %get3A_1219 : vector<16xf32> to vector<16xf32>
        %add3A_1221 = arith.constant 16 : i32
        %add3A_1222 = arith.addi %mul3A_1215, %add3A_1221 : i32
        %get3A_1223 = arith.index_cast %add3A_1222 : i32 to index
        %get3A_1224 = tpu.vector_load %arg11[%get3A_1223] {strides = array<i32>} : memref<768xf32, #tpu.memory_space<vmem>>, vector<16xf32>,
        %get3A_1225 = vector.shape_cast %get3A_1224 : vector<16xf32> to vector<16xf32>
        %add3A_1226 = arith.constant 32 : i32
        %add3A_1227 = arith.addi %mul3A_1215, %add3A_1226 : i32
        %get3A_1228 = arith.index_cast %add3A_1227 : i32 to index
        %get3A_1229 = tpu.vector_load %arg11[%get3A_1228] {strides = array<i32>} : memref<768xf32, #tpu.memory_space<vmem>>, vector<16xf32>,
        %get3A_1230 = vector.shape_cast %get3A_1229 : vector<16xf32> to vector<16xf32>
        %add3A_1231 = arith.constant 48 : i32
        %add3A_1232 = arith.addi %mul3A_1215, %add3A_1231 : i32
        %get3A_1233 = arith.index_cast %add3A_1232 : i32 to index
        %get3A_1234 = tpu.vector_load %arg11[%get3A_1233] {strides = array<i32>} : memref<768xf32, #tpu.memory_space<vmem>>, vector<16xf32>,
        %get3A_1235 = vector.shape_cast %get3A_1234 : vector<16xf32> to vector<16xf32>
        %add3A_1236 = arith.constant 64 : i32
        %add3A_1237 = arith.addi %mul3A_1215, %add3A_1236 : i32
        %get3A_1238 = arith.index_cast %add3A_1237 : i32 to index
        %get3A_1239 = tpu.vector_load %arg11[%get3A_1238] {strides = array<i32>} : memref<768xf32, #tpu.memory_space<vmem>>, vector<16xf32>,
        %get3A_1240 = vector.shape_cast %get3A_1239 : vector<16xf32> to vector<16xf32>
        %add3A_1241 = arith.constant 80 : i32
        %add3A_1242 = arith.addi %mul3A_1215, %add3A_1241 : i32
        %get3A_1243 = arith.index_cast %add3A_1242 : i32 to index
        %get3A_1244 = tpu.vector_load %arg11[%get3A_1243] {strides = array<i32>} : memref<768xf32, #tpu.memory_space<vmem>>, vector<16xf32>,
        %get3A_1245 = vector.shape_cast %get3A_1244 : vector<16xf32> to vector<16xf32>
        %add3A_1246 = arith.constant 96 : i32
        %add3A_1247 = arith.addi %mul3A_1215, %add3A_1246 : i32
        %get3A_1248 = arith.index_cast %add3A_1247 : i32 to index
        %get3A_1249 = tpu.vector_load %arg11[%get3A_1248] {strides = array<i32>} : memref<768xf32, #tpu.memory_space<vmem>>, vector<16xf32>,
        %get3A_1250 = vector.shape_cast %get3A_1249 : vector<16xf32> to vector<16xf32>
        %add3A_1251 = arith.constant 112 : i32
        %add3A_1252 = arith.addi %mul3A_1215, %add3A_1251 : i32
        %get3A_1253 = arith.index_cast %add3A_1252 : i32 to index
        %get3A_1254 = tpu.vector_load %arg11[%get3A_1253] {strides = array<i32>} : memref<768xf32, #tpu.memory_space<vmem>>, vector<16xf32>,
        %get3A_1255 = vector.shape_cast %get3A_1254 : vector<16xf32> to vector<16xf32>
        %add3A_1256 = arith.constant 0 : i32
        %add3A_1257 = arith.addi %mul3A_1215, %add3A_1256 : i32
        %get3A_1258 = arith.index_cast %add3A_1257 : i32 to index
        %get3A_1259 = tpu.vector_load %arg12[%get3A_1258] {strides = array<i32>} : memref<768xf32, #tpu.memory_space<vmem>>, vector<16xf32>,
        %get3A_1260 = vector.shape_cast %get3A_1259 : vector<16xf32> to vector<16xf32>
        %add3A_1261 = arith.constant 16 : i32
        %add3A_1262 = arith.addi %mul3A_1215, %add3A_1261 : i32
        %get3A_1263 = arith.index_cast %add3A_1262 : i32 to index
        %get3A_1264 = tpu.vector_load %arg12[%get3A_1263] {strides = array<i32>} : memref<768xf32, #tpu.memory_space<vmem>>, vector<16xf32>,
        %get3A_1265 = vector.shape_cast %get3A_1264 : vector<16xf32> to vector<16xf32>
        %add3A_1266 = arith.constant 32 : i32
        %add3A_1267 = arith.addi %mul3A_1215, %add3A_1266 : i32
        %get3A_1268 = arith.index_cast %add3A_1267 : i32 to index
        %get3A_1269 = tpu.vector_load %arg12[%get3A_1268] {strides = array<i32>} : memref<768xf32, #tpu.memory_space<vmem>>, vector<16xf32>,
        %get3A_1270 = vector.shape_cast %get3A_1269 : vector<16xf32> to vector<16xf32>
        %add3A_1271 = arith.constant 48 : i32
        %add3A_1272 = arith.addi %mul3A_1215, %add3A_1271 : i32
        %get3A_1273 = arith.index_cast %add3A_1272 : i32 to index
        %get3A_1274 = tpu.vector_load %arg12[%get3A_1273] {strides = array<i32>} : memref<768xf32, #tpu.memory_space<vmem>>, vector<16xf32>,
        %get3A_1275 = vector.shape_cast %get3A_1274 : vector<16xf32> to vector<16xf32>
        %add3A_1276 = arith.constant 64 : i32
        %add3A_1277 = arith.addi %mul3A_1215, %add3A_1276 : i32
        %get3A_1278 = arith.index_cast %add3A_1277 : i32 to index
        %get3A_1279 = tpu.vector_load %arg12[%get3A_1278] {strides = array<i32>} : memref<768xf32, #tpu.memory_space<vmem>>, vector<16xf32>,
        %get3A_1280 = vector.shape_cast %get3A_1279 : vector<16xf32> to vector<16xf32>
        %add3A_1281 = arith.constant 80 : i32
        %add3A_1282 = arith.addi %mul3A_1215, %add3A_1281 : i32
        %get3A_1283 = arith.index_cast %add3A_1282 : i32 to index
        %get3A_1284 = tpu.vector_load %arg12[%get3A_1283] {strides = array<i32>} : memref<768xf32, #tpu.memory_space<vmem>>, vector<16xf32>,
        %get3A_1285 = vector.shape_cast %get3A_1284 : vector<16xf32> to vector<16xf32>
        %add3A_1286 = arith.constant 96 : i32
        %add3A_1287 = arith.addi %mul3A_1215, %add3A_1286 : i32
        %get3A_1288 = arith.index_cast %add3A_1287 : i32 to index
        %get3A_1289 = tpu.vector_load %arg12[%get3A_1288] {strides = array<i32>} : memref<768xf32, #tpu.memory_space<vmem>>, vector<16xf32>,
        %get3A_1290 = vector.shape_cast %get3A_1289 : vector<16xf32> to vector<16xf32>
        %add3A_1291 = arith.constant 112 : i32
        %add3A_1292 = arith.addi %mul3A_1215, %add3A_1291 : i32
        %get3A_1293 = arith.index_cast %add3A_1292 : i32 to index
        %get3A_1294 = tpu.vector_load %arg12[%get3A_1293] {strides = array<i32>} : memref<768xf32, #tpu.memory_space<vmem>>, vector<16xf32>,
        %get3A_1295 = vector.shape_cast %get3A_1294 : vector<16xf32> to vector<16xf32>
        %scan3A_1296 = arith.constant 0 : i32
        %scan3A_1297 = arith.constant 0 : i32
        %scan3A_1298 = arith.constant 16 : i32
        %scan3A_1299 = arith.addi %scan3A_1297, %scan3A_1298 : i32
        %scan3A_1300 = arith.constant 1 : i32
        scf.for %scan3A_1302 = %scan3A_1297 to %scan3A_1299 step %scan3A_1300  : i32 {
          %mul3A_1303 = arith.constant 16 : i32
          %mul3A_1304 = arith.muli %scan3A_1302, %mul3A_1303 : i32
          %get3A_1305 = arith.index_cast %mul3A_1304 : i32 to index
          %get3A_1306 = tpu.vector_load %arg15[%get3A_1305] {strides = array<i32>} : memref<256xf32, #tpu.memory_space<vmem>>, vector<16xf32>,
          %get3A_1307 = vector.shape_cast %get3A_1306 : vector<16xf32> to vector<16xf32>
          %mul3A_1308 = arith.constant 16 : i32
          %mul3A_1309 = arith.muli %scan3A_1302, %mul3A_1308 : i32
          %get3A_1310 = arith.index_cast %mul3A_1309 : i32 to index
          %get3A_1311 = tpu.vector_load %arg16[%get3A_1310] {strides = array<i32>} : memref<256xf32, #tpu.memory_space<vmem>>, vector<16xf32>,
          %get3A_1312 = vector.shape_cast %get3A_1311 : vector<16xf32> to vector<16xf32>
          %add3A_1313 = arith.constant 0 : i32
          %add3A_1314 = arith.addi %mul3A_1215, %add3A_1313 : i32
          %add3A_1315 = arith.addi %mul3A_300, %scan3A_1302 : i32
          %get3A_1316 = arith.index_cast %add3A_1315 : i32 to index
          %get3A_1317 = arith.index_cast %add3A_1314 : i32 to index
          %get3A_1318 = tpu.vector_load %arg10[%get3A_1316, %get3A_1317] {strides = array<i32>} : memref<96x768xf32, #tpu.memory_space<vmem>>, vector<1x16xf32>,
          %get3A_1319 = vector.shape_cast %get3A_1318 : vector<1x16xf32> to vector<16xf32>
          %add3A_1320 = arith.addi %mul3A_319, %scan3A_1302 : i32
          %get3A_1321 = arith.index_cast %add3A_1320 : i32 to index
          %get3A_1322 = arith.index_cast %add3A_1314 : i32 to index
          %get3A_1323 = tpu.vector_load %arg9[%get3A_1321, %get3A_1322] {strides = array<i32>} : memref<64x768xf32, #tpu.memory_space<vmem>>, vector<1x16xf32>,
          %get3A_1324 = vector.shape_cast %get3A_1323 : vector<1x16xf32> to vector<16xf32>
          %add3A_1325 = arith.addf %get3A_1319, %get3A_1324 : vector<16xf32>
          %sub3A_1326 = arith.subf %add3A_1325, %get3A_1307 : vector<16xf32>
          %mul3A_1327 = arith.mulf %sub3A_1326, %get3A_1312 : vector<16xf32>
          %mul3A_1328 = arith.mulf %mul3A_1327, %get3A_1220 : vector<16xf32>
          %add3A_1329 = arith.addf %mul3A_1328, %get3A_1260 : vector<16xf32>
          %add3A_1330 = arith.addi %mul3A_300, %scan3A_1302 : i32
          %swap3A_1331 = arith.index_cast %add3A_1330 : i32 to index
          %swap3A_1332 = arith.index_cast %add3A_1314 : i32 to index
          %swap3A_1333 = tpu.vector_load %arg10[%swap3A_1331, %swap3A_1332] {strides = array<i32>} : memref<96x768xf32, #tpu.memory_space<vmem>>, vector<1x16xf32>,
          %swap3A_1334 = vector.shape_cast %swap3A_1333 : vector<1x16xf32> to vector<16xf32>
          %swap3A_1335 = vector.shape_cast %add3A_1329 : vector<16xf32> to vector<1x16xf32>
          tpu.vector_store %arg10[%swap3A_1331, %swap3A_1332], %swap3A_1335 {strides = array<i32>} : memref<96x768xf32, #tpu.memory_space<vmem>>, vector<1x16xf32>,
          %add3A_1336 = arith.constant 16 : i32
          %add3A_1337 = arith.addi %mul3A_1215, %add3A_1336 : i32
          %add3A_1338 = arith.addi %mul3A_300, %scan3A_1302 : i32
          %get3A_1339 = arith.index_cast %add3A_1338 : i32 to index
          %get3A_1340 = arith.index_cast %add3A_1337 : i32 to index
          %get3A_1341 = tpu.vector_load %arg10[%get3A_1339, %get3A_1340] {strides = array<i32>} : memref<96x768xf32, #tpu.memory_space<vmem>>, vector<1x16xf32>,
          %get3A_1342 = vector.shape_cast %get3A_1341 : vector<1x16xf32> to vector<16xf32>
          %add3A_1343 = arith.addi %mul3A_319, %scan3A_1302 : i32
          %get3A_1344 = arith.index_cast %add3A_1343 : i32 to index
          %get3A_1345 = arith.index_cast %add3A_1337 : i32 to index
          %get3A_1346 = tpu.vector_load %arg9[%get3A_1344, %get3A_1345] {strides = array<i32>} : memref<64x768xf32, #tpu.memory_space<vmem>>, vector<1x16xf32>,
          %get3A_1347 = vector.shape_cast %get3A_1346 : vector<1x16xf32> to vector<16xf32>
          %add3A_1348 = arith.addf %get3A_1342, %get3A_1347 : vector<16xf32>
          %sub3A_1349 = arith.subf %add3A_1348, %get3A_1307 : vector<16xf32>
          %mul3A_1350 = arith.mulf %sub3A_1349, %get3A_1312 : vector<16xf32>
          %mul3A_1351 = arith.mulf %mul3A_1350, %get3A_1225 : vector<16xf32>
          %add3A_1352 = arith.addf %mul3A_1351, %get3A_1265 : vector<16xf32>
          %add3A_1353 = arith.addi %mul3A_300, %scan3A_1302 : i32
          %swap3A_1354 = arith.index_cast %add3A_1353 : i32 to index
          %swap3A_1355 = arith.index_cast %add3A_1337 : i32 to index
          %swap3A_1356 = tpu.vector_load %arg10[%swap3A_1354, %swap3A_1355] {strides = array<i32>} : memref<96x768xf32, #tpu.memory_space<vmem>>, vector<1x16xf32>,
          %swap3A_1357 = vector.shape_cast %swap3A_1356 : vector<1x16xf32> to vector<16xf32>
          %swap3A_1358 = vector.shape_cast %add3A_1352 : vector<16xf32> to vector<1x16xf32>
          tpu.vector_store %arg10[%swap3A_1354, %swap3A_1355], %swap3A_1358 {strides = array<i32>} : memref<96x768xf32, #tpu.memory_space<vmem>>, vector<1x16xf32>,
          %add3A_1359 = arith.constant 32 : i32
          %add3A_1360 = arith.addi %mul3A_1215, %add3A_1359 : i32
          %add3A_1361 = arith.addi %mul3A_300, %scan3A_1302 : i32
          %get3A_1362 = arith.index_cast %add3A_1361 : i32 to index
          %get3A_1363 = arith.index_cast %add3A_1360 : i32 to index
          %get3A_1364 = tpu.vector_load %arg10[%get3A_1362, %get3A_1363] {strides = array<i32>} : memref<96x768xf32, #tpu.memory_space<vmem>>, vector<1x16xf32>,
          %get3A_1365 = vector.shape_cast %get3A_1364 : vector<1x16xf32> to vector<16xf32>
          %add3A_1366 = arith.addi %mul3A_319, %scan3A_1302 : i32
          %get3A_1367 = arith.index_cast %add3A_1366 : i32 to index
          %get3A_1368 = arith.index_cast %add3A_1360 : i32 to index
          %get3A_1369 = tpu.vector_load %arg9[%get3A_1367, %get3A_1368] {strides = array<i32>} : memref<64x768xf32, #tpu.memory_space<vmem>>, vector<1x16xf32>,
          %get3A_1370 = vector.shape_cast %get3A_1369 : vector<1x16xf32> to vector<16xf32>
          %add3A_1371 = arith.addf %get3A_1365, %get3A_1370 : vector<16xf32>
          %sub3A_1372 = arith.subf %add3A_1371, %get3A_1307 : vector<16xf32>
          %mul3A_1373 = arith.mulf %sub3A_1372, %get3A_1312 : vector<16xf32>
          %mul3A_1374 = arith.mulf %mul3A_1373, %get3A_1230 : vector<16xf32>
          %add3A_1375 = arith.addf %mul3A_1374, %get3A_1270 : vector<16xf32>
          %add3A_1376 = arith.addi %mul3A_300, %scan3A_1302 : i32
          %swap3A_1377 = arith.index_cast %add3A_1376 : i32 to index
          %swap3A_1378 = arith.index_cast %add3A_1360 : i32 to index
          %swap3A_1379 = tpu.vector_load %arg10[%swap3A_1377, %swap3A_1378] {strides = array<i32>} : memref<96x768xf32, #tpu.memory_space<vmem>>, vector<1x16xf32>,
          %swap3A_1380 = vector.shape_cast %swap3A_1379 : vector<1x16xf32> to vector<16xf32>
          %swap3A_1381 = vector.shape_cast %add3A_1375 : vector<16xf32> to vector<1x16xf32>
          tpu.vector_store %arg10[%swap3A_1377, %swap3A_1378], %swap3A_1381 {strides = array<i32>} : memref<96x768xf32, #tpu.memory_space<vmem>>, vector<1x16xf32>,
          %add3A_1382 = arith.constant 48 : i32
          %add3A_1383 = arith.addi %mul3A_1215, %add3A_1382 : i32
          %add3A_1384 = arith.addi %mul3A_300, %scan3A_1302 : i32
          %get3A_1385 = arith.index_cast %add3A_1384 : i32 to index
          %get3A_1386 = arith.index_cast %add3A_1383 : i32 to index
          %get3A_1387 = tpu.vector_load %arg10[%get3A_1385, %get3A_1386] {strides = array<i32>} : memref<96x768xf32, #tpu.memory_space<vmem>>, vector<1x16xf32>,
          %get3A_1388 = vector.shape_cast %get3A_1387 : vector<1x16xf32> to vector<16xf32>
          %add3A_1389 = arith.addi %mul3A_319, %scan3A_1302 : i32
          %get3A_1390 = arith.index_cast %add3A_1389 : i32 to index
          %get3A_1391 = arith.index_cast %add3A_1383 : i32 to index
          %get3A_1392 = tpu.vector_load %arg9[%get3A_1390, %get3A_1391] {strides = array<i32>} : memref<64x768xf32, #tpu.memory_space<vmem>>, vector<1x16xf32>,
          %get3A_1393 = vector.shape_cast %get3A_1392 : vector<1x16xf32> to vector<16xf32>
          %add3A_1394 = arith.addf %get3A_1388, %get3A_1393 : vector<16xf32>
          %sub3A_1395 = arith.subf %add3A_1394, %get3A_1307 : vector<16xf32>
          %mul3A_1396 = arith.mulf %sub3A_1395, %get3A_1312 : vector<16xf32>
          %mul3A_1397 = arith.mulf %mul3A_1396, %get3A_1235 : vector<16xf32>
          %add3A_1398 = arith.addf %mul3A_1397, %get3A_1275 : vector<16xf32>
          %add3A_1399 = arith.addi %mul3A_300, %scan3A_1302 : i32
          %swap3A_1400 = arith.index_cast %add3A_1399 : i32 to index
          %swap3A_1401 = arith.index_cast %add3A_1383 : i32 to index
          %swap3A_1402 = tpu.vector_load %arg10[%swap3A_1400, %swap3A_1401] {strides = array<i32>} : memref<96x768xf32, #tpu.memory_space<vmem>>, vector<1x16xf32>,
          %swap3A_1403 = vector.shape_cast %swap3A_1402 : vector<1x16xf32> to vector<16xf32>
          %swap3A_1404 = vector.shape_cast %add3A_1398 : vector<16xf32> to vector<1x16xf32>
          tpu.vector_store %arg10[%swap3A_1400, %swap3A_1401], %swap3A_1404 {strides = array<i32>} : memref<96x768xf32, #tpu.memory_space<vmem>>, vector<1x16xf32>,
          %add3A_1405 = arith.constant 64 : i32
          %add3A_1406 = arith.addi %mul3A_1215, %add3A_1405 : i32
          %add3A_1407 = arith.addi %mul3A_300, %scan3A_1302 : i32
          %get3A_1408 = arith.index_cast %add3A_1407 : i32 to index
          %get3A_1409 = arith.index_cast %add3A_1406 : i32 to index
          %get3A_1410 = tpu.vector_load %arg10[%get3A_1408, %get3A_1409] {strides = array<i32>} : memref<96x768xf32, #tpu.memory_space<vmem>>, vector<1x16xf32>,
          %get3A_1411 = vector.shape_cast %get3A_1410 : vector<1x16xf32> to vector<16xf32>
          %add3A_1412 = arith.addi %mul3A_319, %scan3A_1302 : i32
          %get3A_1413 = arith.index_cast %add3A_1412 : i32 to index
          %get3A_1414 = arith.index_cast %add3A_1406 : i32 to index
          %get3A_1415 = tpu.vector_load %arg9[%get3A_1413, %get3A_1414] {strides = array<i32>} : memref<64x768xf32, #tpu.memory_space<vmem>>, vector<1x16xf32>,
          %get3A_1416 = vector.shape_cast %get3A_1415 : vector<1x16xf32> to vector<16xf32>
          %add3A_1417 = arith.addf %get3A_1411, %get3A_1416 : vector<16xf32>
          %sub3A_1418 = arith.subf %add3A_1417, %get3A_1307 : vector<16xf32>
          %mul3A_1419 = arith.mulf %sub3A_1418, %get3A_1312 : vector<16xf32>
          %mul3A_1420 = arith.mulf %mul3A_1419, %get3A_1240 : vector<16xf32>
          %add3A_1421 = arith.addf %mul3A_1420, %get3A_1280 : vector<16xf32>
          %add3A_1422 = arith.addi %mul3A_300, %scan3A_1302 : i32
          %swap3A_1423 = arith.index_cast %add3A_1422 : i32 to index
          %swap3A_1424 = arith.index_cast %add3A_1406 : i32 to index
          %swap3A_1425 = tpu.vector_load %arg10[%swap3A_1423, %swap3A_1424] {strides = array<i32>} : memref<96x768xf32, #tpu.memory_space<vmem>>, vector<1x16xf32>,
          %swap3A_1426 = vector.shape_cast %swap3A_1425 : vector<1x16xf32> to vector<16xf32>
          %swap3A_1427 = vector.shape_cast %add3A_1421 : vector<16xf32> to vector<1x16xf32>
          tpu.vector_store %arg10[%swap3A_1423, %swap3A_1424], %swap3A_1427 {strides = array<i32>} : memref<96x768xf32, #tpu.memory_space<vmem>>, vector<1x16xf32>,
          %add3A_1428 = arith.constant 80 : i32
          %add3A_1429 = arith.addi %mul3A_1215, %add3A_1428 : i32
          %add3A_1430 = arith.addi %mul3A_300, %scan3A_1302 : i32
          %get3A_1431 = arith.index_cast %add3A_1430 : i32 to index
          %get3A_1432 = arith.index_cast %add3A_1429 : i32 to index
          %get3A_1433 = tpu.vector_load %arg10[%get3A_1431, %get3A_1432] {strides = array<i32>} : memref<96x768xf32, #tpu.memory_space<vmem>>, vector<1x16xf32>,
          %get3A_1434 = vector.shape_cast %get3A_1433 : vector<1x16xf32> to vector<16xf32>
          %add3A_1435 = arith.addi %mul3A_319, %scan3A_1302 : i32
          %get3A_1436 = arith.index_cast %add3A_1435 : i32 to index
          %get3A_1437 = arith.index_cast %add3A_1429 : i32 to index
          %get3A_1438 = tpu.vector_load %arg9[%get3A_1436, %get3A_1437] {strides = array<i32>} : memref<64x768xf32, #tpu.memory_space<vmem>>, vector<1x16xf32>,
          %get3A_1439 = vector.shape_cast %get3A_1438 : vector<1x16xf32> to vector<16xf32>
          %add3A_1440 = arith.addf %get3A_1434, %get3A_1439 : vector<16xf32>
          %sub3A_1441 = arith.subf %add3A_1440, %get3A_1307 : vector<16xf32>
          %mul3A_1442 = arith.mulf %sub3A_1441, %get3A_1312 : vector<16xf32>
          %mul3A_1443 = arith.mulf %mul3A_1442, %get3A_1245 : vector<16xf32>
          %add3A_1444 = arith.addf %mul3A_1443, %get3A_1285 : vector<16xf32>
          %add3A_1445 = arith.addi %mul3A_300, %scan3A_1302 : i32
          %swap3A_1446 = arith.index_cast %add3A_1445 : i32 to index
          %swap3A_1447 = arith.index_cast %add3A_1429 : i32 to index
          %swap3A_1448 = tpu.vector_load %arg10[%swap3A_1446, %swap3A_1447] {strides = array<i32>} : memref<96x768xf32, #tpu.memory_space<vmem>>, vector<1x16xf32>,
          %swap3A_1449 = vector.shape_cast %swap3A_1448 : vector<1x16xf32> to vector<16xf32>
          %swap3A_1450 = vector.shape_cast %add3A_1444 : vector<16xf32> to vector<1x16xf32>
          tpu.vector_store %arg10[%swap3A_1446, %swap3A_1447], %swap3A_1450 {strides = array<i32>} : memref<96x768xf32, #tpu.memory_space<vmem>>, vector<1x16xf32>,
          %add3A_1451 = arith.constant 96 : i32
          %add3A_1452 = arith.addi %mul3A_1215, %add3A_1451 : i32
          %add3A_1453 = arith.addi %mul3A_300, %scan3A_1302 : i32
          %get3A_1454 = arith.index_cast %add3A_1453 : i32 to index
          %get3A_1455 = arith.index_cast %add3A_1452 : i32 to index
          %get3A_1456 = tpu.vector_load %arg10[%get3A_1454, %get3A_1455] {strides = array<i32>} : memref<96x768xf32, #tpu.memory_space<vmem>>, vector<1x16xf32>,
          %get3A_1457 = vector.shape_cast %get3A_1456 : vector<1x16xf32> to vector<16xf32>
          %add3A_1458 = arith.addi %mul3A_319, %scan3A_1302 : i32
          %get3A_1459 = arith.index_cast %add3A_1458 : i32 to index
          %get3A_1460 = arith.index_cast %add3A_1452 : i32 to index
          %get3A_1461 = tpu.vector_load %arg9[%get3A_1459, %get3A_1460] {strides = array<i32>} : memref<64x768xf32, #tpu.memory_space<vmem>>, vector<1x16xf32>,
          %get3A_1462 = vector.shape_cast %get3A_1461 : vector<1x16xf32> to vector<16xf32>
          %add3A_1463 = arith.addf %get3A_1457, %get3A_1462 : vector<16xf32>
          %sub3A_1464 = arith.subf %add3A_1463, %get3A_1307 : vector<16xf32>
          %mul3A_1465 = arith.mulf %sub3A_1464, %get3A_1312 : vector<16xf32>
          %mul3A_1466 = arith.mulf %mul3A_1465, %get3A_1250 : vector<16xf32>
          %add3A_1467 = arith.addf %mul3A_1466, %get3A_1290 : vector<16xf32>
          %add3A_1468 = arith.addi %mul3A_300, %scan3A_1302 : i32
          %swap3A_1469 = arith.index_cast %add3A_1468 : i32 to index
          %swap3A_1470 = arith.index_cast %add3A_1452 : i32 to index
          %swap3A_1471 = tpu.vector_load %arg10[%swap3A_1469, %swap3A_1470] {strides = array<i32>} : memref<96x768xf32, #tpu.memory_space<vmem>>, vector<1x16xf32>,
          %swap3A_1472 = vector.shape_cast %swap3A_1471 : vector<1x16xf32> to vector<16xf32>
          %swap3A_1473 = vector.shape_cast %add3A_1467 : vector<16xf32> to vector<1x16xf32>
          tpu.vector_store %arg10[%swap3A_1469, %swap3A_1470], %swap3A_1473 {strides = array<i32>} : memref<96x768xf32, #tpu.memory_space<vmem>>, vector<1x16xf32>,
          %add3A_1474 = arith.constant 112 : i32
          %add3A_1475 = arith.addi %mul3A_1215, %add3A_1474 : i32
          %add3A_1476 = arith.addi %mul3A_300, %scan3A_1302 : i32
          %get3A_1477 = arith.index_cast %add3A_1476 : i32 to index
          %get3A_1478 = arith.index_cast %add3A_1475 : i32 to index
          %get3A_1479 = tpu.vector_load %arg10[%get3A_1477, %get3A_1478] {strides = array<i32>} : memref<96x768xf32, #tpu.memory_space<vmem>>, vector<1x16xf32>,
          %get3A_1480 = vector.shape_cast %get3A_1479 : vector<1x16xf32> to vector<16xf32>
          %add3A_1481 = arith.addi %mul3A_319, %scan3A_1302 : i32
          %get3A_1482 = arith.index_cast %add3A_1481 : i32 to index
          %get3A_1483 = arith.index_cast %add3A_1475 : i32 to index
          %get3A_1484 = tpu.vector_load %arg9[%get3A_1482, %get3A_1483] {strides = array<i32>} : memref<64x768xf32, #tpu.memory_space<vmem>>, vector<1x16xf32>,
          %get3A_1485 = vector.shape_cast %get3A_1484 : vector<1x16xf32> to vector<16xf32>
          %add3A_1486 = arith.addf %get3A_1480, %get3A_1485 : vector<16xf32>
          %sub3A_1487 = arith.subf %add3A_1486, %get3A_1307 : vector<16xf32>
          %mul3A_1488 = arith.mulf %sub3A_1487, %get3A_1312 : vector<16xf32>
          %mul3A_1489 = arith.mulf %mul3A_1488, %get3A_1255 : vector<16xf32>
          %add3A_1490 = arith.addf %mul3A_1489, %get3A_1295 : vector<16xf32>
          %add3A_1491 = arith.addi %mul3A_300, %scan3A_1302 : i32
          %swap3A_1492 = arith.index_cast %add3A_1491 : i32 to index
          %swap3A_1493 = arith.index_cast %add3A_1475 : i32 to index
          %swap3A_1494 = tpu.vector_load %arg10[%swap3A_1492, %swap3A_1493] {strides = array<i32>} : memref<96x768xf32, #tpu.memory_space<vmem>>, vector<1x16xf32>,
          %swap3A_1495 = vector.shape_cast %swap3A_1494 : vector<1x16xf32> to vector<16xf32>
          %swap3A_1496 = vector.shape_cast %add3A_1490 : vector<16xf32> to vector<1x16xf32>
          tpu.vector_store %arg10[%swap3A_1492, %swap3A_1493], %swap3A_1496 {strides = array<i32>} : memref<96x768xf32, #tpu.memory_space<vmem>>, vector<1x16xf32>,
        }
        %scan3A_1301 = arith.constant 16 : i32
      }
      %scan3A_1132 = arith.constant 6 : i32
      %jit3A_1133 = arith.constant 4 : i32
      %div3A_1134 = arith.divsi %scan3A_297, %jit3A_1133 : i32
      %sign3A_1135 = arith.constant 0 : i32
      %sign3A_1136 = arith.cmpi sgt, %scan3A_297, %sign3A_1135 : i32
      %sign3A_1137 = arith.extui %sign3A_1136 : i1 to i32
      %sign3A_1138 = arith.constant 0 : i32
      %sign3A_1139 = arith.cmpi slt, %scan3A_297, %sign3A_1138 : i32
      %sign3A_1140 = arith.extui %sign3A_1139 : i1 to i32
      %sign3A_1141 = arith.subi %sign3A_1137, %sign3A_1140 : i32
      %sign3A_1142 = arith.constant 0 : i32
      %sign3A_1143 = arith.cmpi sgt, %jit3A_1133, %sign3A_1142 : i32
      %sign3A_1144 = arith.extui %sign3A_1143 : i1 to i32
      %sign3A_1145 = arith.constant 0 : i32
      %sign3A_1146 = arith.cmpi slt, %jit3A_1133, %sign3A_1145 : i32
      %sign3A_1147 = arith.extui %sign3A_1146 : i1 to i32
      %sign3A_1148 = arith.subi %sign3A_1144, %sign3A_1147 : i32
      %ne3A_1149 = arith.cmpi ne, %sign3A_1141, %sign3A_1148 : i32
      %rem3A_1150 = arith.remsi %scan3A_297, %jit3A_1133 : i32
      %ne3A_1151 = arith.constant 0 : i32
      %ne3A_1152 = arith.cmpi ne, %rem3A_1150, %ne3A_1151 : i32
      %and3A_1153 = arith.andi %ne3A_1149, %ne3A_1152 : i1
      %sub3A_1154 = arith.constant 1 : i32
      %sub3A_1155 = arith.subi %div3A_1134, %sub3A_1154 : i32
      %select_n3A_1156 = arith.select %and3A_1153, %sub3A_1155, %div3A_1134 : i32
      %jit3A_1157 = arith.constant 4 : i32
      %eq3A_1158 = arith.constant 0 : i32
      %eq3A_1159 = arith.cmpi eq, %jit3A_1157, %eq3A_1158 : i32
      %jit3A_1160 = arith.constant 1 : i32
      %select_n3A_1161 = arith.select %eq3A_1159, %jit3A_1160, %jit3A_1157 : i32
      %rem3A_1162 = arith.remsi %scan3A_297, %select_n3A_1161 : i32
      %ne3A_1163 = arith.constant 0 : i32
      %ne3A_1164 = arith.cmpi ne, %rem3A_1162, %ne3A_1163 : i32
      %lt3A_1165 = arith.constant 0 : i32
      %lt3A_1166 = arith.cmpi slt, %rem3A_1162, %lt3A_1165 : i32
      %lt3A_1167 = arith.constant 0 : i32
      %lt3A_1168 = arith.cmpi slt, %select_n3A_1161, %lt3A_1167 : i32
      %ne3A_1169 = arith.xori %lt3A_1166, %lt3A_1168 : i1
      %and3A_1170 = arith.andi %ne3A_1169, %ne3A_1164 : i1
      %add3A_1171 = arith.addi %rem3A_1162, %select_n3A_1161 : i32
      %select_n3A_1172 = arith.select %and3A_1170, %add3A_1171, %rem3A_1162 : i32
      %jit3A_1173 = arith.constant 6 : i32
      %eq3A_1174 = arith.constant 0 : i32
      %eq3A_1175 = arith.cmpi eq, %jit3A_1173, %eq3A_1174 : i32
      %jit3A_1176 = arith.constant 1 : i32
      %select_n3A_1177 = arith.select %eq3A_1175, %jit3A_1176, %jit3A_1173 : i32
      %rem3A_1178 = arith.remsi %scan3A_297, %select_n3A_1177 : i32
      %ne3A_1179 = arith.constant 0 : i32
      %ne3A_1180 = arith.cmpi ne, %rem3A_1178, %ne3A_1179 : i32
      %lt3A_1181 = arith.constant 0 : i32
      %lt3A_1182 = arith.cmpi slt, %rem3A_1178, %lt3A_1181 : i32
      %lt3A_1183 = arith.constant 0 : i32
      %lt3A_1184 = arith.cmpi slt, %select_n3A_1177, %lt3A_1183 : i32
      %ne3A_1185 = arith.xori %lt3A_1182, %lt3A_1184 : i1
      %and3A_1186 = arith.andi %ne3A_1185, %ne3A_1180 : i1
      %add3A_1187 = arith.addi %rem3A_1178, %select_n3A_1177 : i32
      %select_n3A_1188 = arith.select %and3A_1186, %add3A_1187, %rem3A_1178 : i32
      %mul3A_1189 = arith.constant 16 : i32
      %mul3A_1190 = arith.muli %select_n3A_1188, %mul3A_1189 : i32
      %mul3A_1191 = arith.constant 16 : i32
      %mul3A_1192 = arith.muli %select_n3A_1156, %mul3A_1191 : i32
      %add3A_1193 = arith.addi %mul3A_2, %mul3A_1192 : i32
      %dma_start3A_1194 = arith.constant 0 : i32
      %dma_start3A_1195 = tpu.memref_slice %arg10[%mul3A_1190, %dma_start3A_1194] : memref<96x768xf32, #tpu.memory_space<vmem>> -> memref<16x768xf32, #tpu.memory_space<vmem>>
      %dma_start3A_1196 = arith.constant 0 : i32
      %dma_start3A_1197 = tpu.memref_slice %arg7[%select_n3A_1172, %add3A_1193, %dma_start3A_1196] : memref<4x2048x768xf32, #tpu.memory_space<hbm>> -> memref<1x16x768xf32, #tpu.memory_space<hbm>>
      %dma_start3A_1198 = tpu.memref_squeeze %dma_start3A_1197 : memref<1x16x768xf32, #tpu.memory_space<hbm>> -> memref<16x768xf32, #tpu.memory_space<hbm>>
      %dma_start3A_1199 = tpu.memref_slice %arg18[%select_n3A_1188] : memref<6x!tpu.dma_semaphore, #tpu.memory_space<semaphore_mem>> -> memref<1x!tpu.dma_semaphore, #tpu.memory_space<semaphore_mem>>
      %dma_start3A_1200 = tpu.memref_squeeze %dma_start3A_1199 : memref<1x!tpu.dma_semaphore, #tpu.memory_space<semaphore_mem>> -> memref<!tpu.dma_semaphore, #tpu.memory_space<semaphore_mem>>
      %dma_start3A_1201 = arith.constant 0 : i32
      %dma_start3A_1202 = tpu.memref_slice %arg7[%select_n3A_1172, %add3A_1193, %dma_start3A_1201] : memref<4x2048x768xf32, #tpu.memory_space<hbm>> -> memref<1x16x768xf32, #tpu.memory_space<hbm>>
      %dma_start3A_1203 = tpu.memref_squeeze %dma_start3A_1202 : memref<1x16x768xf32, #tpu.memory_space<hbm>> -> memref<16x768xf32, #tpu.memory_space<hbm>>
      %dma_start3A_1204 = arith.constant 0 : i32
      %dma_start3A_1205 = tpu.memref_slice %arg10[%mul3A_1190, %dma_start3A_1204] : memref<96x768xf32, #tpu.memory_space<vmem>> -> memref<16x768xf32, #tpu.memory_space<vmem>>
      tpu.enqueue_dma source(%dma_start3A_1205 : memref<16x768xf32, #tpu.memory_space<vmem>>) target(%dma_start3A_1203 : memref<16x768xf32, #tpu.memory_space<hbm>>) target_semaphore(%dma_start3A_1200 : memref<!tpu.dma_semaphore, #tpu.memory_space<semaphore_mem>>)
      %add3A_1206 = arith.constant 3 : i32
      %add3A_1207 = arith.addi %scan3A_297, %add3A_1206 : i32
      %ge3A = arith.constant 6 : i32
      %ge3A_1208 = arith.cmpi sge, %add3A_1207, %ge3A : i32
      %lt3A_1209 = arith.constant 16 : i32
      %lt3A_1210 = arith.cmpi slt, %add3A_1207, %lt3A_1209 : i32
      %and3A_1211 = arith.andi %ge3A_1208, %lt3A_1210 : i1
      %convert_element_type3A = arith.extui %and3A_1211 : i1 to i32
      %cond3A = arith.constant 0 : i32
      %cond3A_1212 = arith.cmpi ne, %convert_element_type3A, %cond3A : i32
      scf.if %cond3A_1212 {
        %sub3A_1213 = arith.constant 6 : i32
        %sub3A_1214 = arith.subi %add3A_1207, %sub3A_1213 : i32
        %jit3A_1215 = arith.constant 4 : i32
        %div3A_1216 = arith.divsi %sub3A_1214, %jit3A_1215 : i32
        %sign3A_1217 = arith.constant 0 : i32
        %sign3A_1218 = arith.cmpi sgt, %sub3A_1214, %sign3A_1217 : i32
        %sign3A_1219 = arith.extui %sign3A_1218 : i1 to i32
        %sign3A_1220 = arith.constant 0 : i32
        %sign3A_1221 = arith.cmpi slt, %sub3A_1214, %sign3A_1220 : i32
        %sign3A_1222 = arith.extui %sign3A_1221 : i1 to i32
        %sign3A_1223 = arith.subi %sign3A_1219, %sign3A_1222 : i32
        %sign3A_1224 = arith.constant 0 : i32
        %sign3A_1225 = arith.cmpi sgt, %jit3A_1215, %sign3A_1224 : i32
        %sign3A_1226 = arith.extui %sign3A_1225 : i1 to i32
        %sign3A_1227 = arith.constant 0 : i32
        %sign3A_1228 = arith.cmpi slt, %jit3A_1215, %sign3A_1227 : i32
        %sign3A_1229 = arith.extui %sign3A_1228 : i1 to i32
        %sign3A_1230 = arith.subi %sign3A_1226, %sign3A_1229 : i32
        %ne3A_1231 = arith.cmpi ne, %sign3A_1223, %sign3A_1230 : i32
        %rem3A_1232 = arith.remsi %sub3A_1214, %jit3A_1215 : i32
        %ne3A_1233 = arith.constant 0 : i32
        %ne3A_1234 = arith.cmpi ne, %rem3A_1232, %ne3A_1233 : i32
        %and3A_1235 = arith.andi %ne3A_1231, %ne3A_1234 : i1
        %sub3A_1236 = arith.constant 1 : i32
        %sub3A_1237 = arith.subi %div3A_1216, %sub3A_1236 : i32
        %select_n3A_1238 = arith.select %and3A_1235, %sub3A_1237, %div3A_1216 : i32
        %jit3A_1239 = arith.constant 4 : i32
        %eq3A_1240 = arith.constant 0 : i32
        %eq3A_1241 = arith.cmpi eq, %jit3A_1239, %eq3A_1240 : i32
        %jit3A_1242 = arith.constant 1 : i32
        %select_n3A_1243 = arith.select %eq3A_1241, %jit3A_1242, %jit3A_1239 : i32
        %rem3A_1244 = arith.remsi %sub3A_1214, %select_n3A_1243 : i32
        %ne3A_1245 = arith.constant 0 : i32
        %ne3A_1246 = arith.cmpi ne, %rem3A_1244, %ne3A_1245 : i32
        %lt3A_1247 = arith.constant 0 : i32
        %lt3A_1248 = arith.cmpi slt, %rem3A_1244, %lt3A_1247 : i32
        %lt3A_1249 = arith.constant 0 : i32
        %lt3A_1250 = arith.cmpi slt, %select_n3A_1243, %lt3A_1249 : i32
        %ne3A_1251 = arith.xori %lt3A_1248, %lt3A_1250 : i1
        %and3A_1252 = arith.andi %ne3A_1251, %ne3A_1246 : i1
        %add3A_1253 = arith.addi %rem3A_1244, %select_n3A_1243 : i32
        %select_n3A_1254 = arith.select %and3A_1252, %add3A_1253, %rem3A_1244 : i32
        %jit3A_1255 = arith.constant 6 : i32
        %eq3A_1256 = arith.constant 0 : i32
        %eq3A_1257 = arith.cmpi eq, %jit3A_1255, %eq3A_1256 : i32
        %jit3A_1258 = arith.constant 1 : i32
        %select_n3A_1259 = arith.select %eq3A_1257, %jit3A_1258, %jit3A_1255 : i32
        %rem3A_1260 = arith.remsi %sub3A_1214, %select_n3A_1259 : i32
        %ne3A_1261 = arith.constant 0 : i32
        %ne3A_1262 = arith.cmpi ne, %rem3A_1260, %ne3A_1261 : i32
        %lt3A_1263 = arith.constant 0 : i32
        %lt3A_1264 = arith.cmpi slt, %rem3A_1260, %lt3A_1263 : i32
        %lt3A_1265 = arith.constant 0 : i32
        %lt3A_1266 = arith.cmpi slt, %select_n3A_1259, %lt3A_1265 : i32
        %ne3A_1267 = arith.xori %lt3A_1264, %lt3A_1266 : i1
        %and3A_1268 = arith.andi %ne3A_1267, %ne3A_1262 : i1
        %add3A_1269 = arith.addi %rem3A_1260, %select_n3A_1259 : i32
        %select_n3A_1270 = arith.select %and3A_1268, %add3A_1269, %rem3A_1260 : i32
        %mul3A_1271 = arith.constant 16 : i32
        %mul3A_1272 = arith.muli %select_n3A_1270, %mul3A_1271 : i32
        %mul3A_1273 = arith.constant 16 : i32
        %mul3A_1274 = arith.muli %select_n3A_1238, %mul3A_1273 : i32
        %add3A_1275 = arith.addi %mul3A_2, %mul3A_1274 : i32
        %dma_wait3A_1276 = arith.constant 0 : i32
        %dma_wait3A_1277 = tpu.memref_slice %arg10[%mul3A_1272, %dma_wait3A_1276] : memref<96x768xf32, #tpu.memory_space<vmem>> -> memref<16x768xf32, #tpu.memory_space<vmem>>
        %dma_wait3A_1278 = arith.constant 0 : i32
        %dma_wait3A_1279 = tpu.memref_slice %arg7[%select_n3A_1254, %add3A_1275, %dma_wait3A_1278] : memref<4x2048x768xf32, #tpu.memory_space<hbm>> -> memref<1x16x768xf32, #tpu.memory_space<hbm>>
        %dma_wait3A_1280 = tpu.memref_squeeze %dma_wait3A_1279 : memref<1x16x768xf32, #tpu.memory_space<hbm>> -> memref<16x768xf32, #tpu.memory_space<hbm>>
        %dma_wait3A_1281 = tpu.memref_slice %arg18[%select_n3A_1270] : memref<6x!tpu.dma_semaphore, #tpu.memory_space<semaphore_mem>> -> memref<1x!tpu.dma_semaphore, #tpu.memory_space<semaphore_mem>>
        %dma_wait3A_1282 = tpu.memref_squeeze %dma_wait3A_1281 : memref<1x!tpu.dma_semaphore, #tpu.memory_space<semaphore_mem>> -> memref<!tpu.dma_semaphore, #tpu.memory_space<semaphore_mem>>
        %dma_wait3A_1283 = arith.constant 0 : i32
        %dma_wait3A_1284 = tpu.memref_slice %arg7[%select_n3A_1254, %add3A_1275, %dma_wait3A_1283] : memref<4x2048x768xf32, #tpu.memory_space<hbm>> -> memref<1x16x768xf32, #tpu.memory_space<hbm>>
        %dma_wait3A_1285 = tpu.memref_squeeze %dma_wait3A_1284 : memref<1x16x768xf32, #tpu.memory_space<hbm>> -> memref<16x768xf32, #tpu.memory_space<hbm>>
        %dma_wait3A_1286 = arith.constant 0 : i32
        %dma_wait3A_1287 = tpu.memref_slice %arg10[%mul3A_1272, %dma_wait3A_1286] : memref<96x768xf32, #tpu.memory_space<vmem>> -> memref<16x768xf32, #tpu.memory_space<vmem>>
        tpu.wait_dma2 semaphore(%dma_wait3A_1282 : memref<!tpu.dma_semaphore, #tpu.memory_space<semaphore_mem>>) src(%dma_wait3A_1287 : memref<16x768xf32, #tpu.memory_space<vmem>>) dst(%dma_wait3A_1285 : memref<16x768xf32, #tpu.memory_space<hbm>>)
        %jit3A_1288 = arith.constant 4 : i32
        %div3A_1289 = arith.divsi %add3A_1207, %jit3A_1288 : i32
        %sign3A_1290 = arith.constant 0 : i32
        %sign3A_1291 = arith.cmpi sgt, %add3A_1207, %sign3A_1290 : i32
        %sign3A_1292 = arith.extui %sign3A_1291 : i1 to i32
        %sign3A_1293 = arith.constant 0 : i32
        %sign3A_1294 = arith.cmpi slt, %add3A_1207, %sign3A_1293 : i32
        %sign3A_1295 = arith.extui %sign3A_1294 : i1 to i32
        %sign3A_1296 = arith.subi %sign3A_1292, %sign3A_1295 : i32
        %sign3A_1297 = arith.constant 0 : i32
        %sign3A_1298 = arith.cmpi sgt, %jit3A_1288, %sign3A_1297 : i32
        %sign3A_1299 = arith.extui %sign3A_1298 : i1 to i32
        %sign3A_1300 = arith.constant 0 : i32
        %sign3A_1301 = arith.cmpi slt, %jit3A_1288, %sign3A_1300 : i32
        %sign3A_1302 = arith.extui %sign3A_1301 : i1 to i32
        %sign3A_1303 = arith.subi %sign3A_1299, %sign3A_1302 : i32
        %ne3A_1304 = arith.cmpi ne, %sign3A_1296, %sign3A_1303 : i32
        %rem3A_1305 = arith.remsi %add3A_1207, %jit3A_1288 : i32
        %ne3A_1306 = arith.constant 0 : i32
        %ne3A_1307 = arith.cmpi ne, %rem3A_1305, %ne3A_1306 : i32
        %and3A_1308 = arith.andi %ne3A_1304, %ne3A_1307 : i1
        %sub3A_1309 = arith.constant 1 : i32
        %sub3A_1310 = arith.subi %div3A_1289, %sub3A_1309 : i32
        %select_n3A_1311 = arith.select %and3A_1308, %sub3A_1310, %div3A_1289 : i32
        %jit3A_1312 = arith.constant 4 : i32
        %eq3A_1313 = arith.constant 0 : i32
        %eq3A_1314 = arith.cmpi eq, %jit3A_1312, %eq3A_1313 : i32
        %jit3A_1315 = arith.constant 1 : i32
        %select_n3A_1316 = arith.select %eq3A_1314, %jit3A_1315, %jit3A_1312 : i32
        %rem3A_1317 = arith.remsi %add3A_1207, %select_n3A_1316 : i32
        %ne3A_1318 = arith.constant 0 : i32
        %ne3A_1319 = arith.cmpi ne, %rem3A_1317, %ne3A_1318 : i32
        %lt3A_1320 = arith.constant 0 : i32
        %lt3A_1321 = arith.cmpi slt, %rem3A_1317, %lt3A_1320 : i32
        %lt3A_1322 = arith.constant 0 : i32
        %lt3A_1323 = arith.cmpi slt, %select_n3A_1316, %lt3A_1322 : i32
        %ne3A_1324 = arith.xori %lt3A_1321, %lt3A_1323 : i1
        %and3A_1325 = arith.andi %ne3A_1324, %ne3A_1319 : i1
        %add3A_1326 = arith.addi %rem3A_1317, %select_n3A_1316 : i32
        %select_n3A_1327 = arith.select %and3A_1325, %add3A_1326, %rem3A_1317 : i32
        %jit3A_1328 = arith.constant 6 : i32
        %eq3A_1329 = arith.constant 0 : i32
        %eq3A_1330 = arith.cmpi eq, %jit3A_1328, %eq3A_1329 : i32
        %jit3A_1331 = arith.constant 1 : i32
        %select_n3A_1332 = arith.select %eq3A_1330, %jit3A_1331, %jit3A_1328 : i32
        %rem3A_1333 = arith.remsi %add3A_1207, %select_n3A_1332 : i32
        %ne3A_1334 = arith.constant 0 : i32
        %ne3A_1335 = arith.cmpi ne, %rem3A_1333, %ne3A_1334 : i32
        %lt3A_1336 = arith.constant 0 : i32
        %lt3A_1337 = arith.cmpi slt, %rem3A_1333, %lt3A_1336 : i32
        %lt3A_1338 = arith.constant 0 : i32
        %lt3A_1339 = arith.cmpi slt, %select_n3A_1332, %lt3A_1338 : i32
        %ne3A_1340 = arith.xori %lt3A_1337, %lt3A_1339 : i1
        %and3A_1341 = arith.andi %ne3A_1340, %ne3A_1335 : i1
        %add3A_1342 = arith.addi %rem3A_1333, %select_n3A_1332 : i32
        %select_n3A_1343 = arith.select %and3A_1341, %add3A_1342, %rem3A_1333 : i32
        %mul3A_1344 = arith.constant 16 : i32
        %mul3A_1345 = arith.muli %select_n3A_1311, %mul3A_1344 : i32
        %mul3A_1346 = arith.constant 16 : i32
        %mul3A_1347 = arith.muli %select_n3A_1343, %mul3A_1346 : i32
        %dma_start3A_1348 = arith.constant 0 : i32
        %dma_start3A_1349 = tpu.memref_slice %arg10[%mul3A_1347, %dma_start3A_1348] : memref<96x768xf32, #tpu.memory_space<vmem>> -> memref<16x768xf32, #tpu.memory_space<vmem>>
        %dma_start3A_1350 = tpu.memref_slice %arg8[%select_n3A_1327, %mul3A_1345] : memref<4x64xi32, #tpu.memory_space<vmem>> -> memref<1x16xi32, #tpu.memory_space<vmem>>
        %dma_start3A_1351 = tpu.memref_squeeze %dma_start3A_1350 : memref<1x16xi32, #tpu.memory_space<vmem>> -> memref<16xi32, #tpu.memory_space<vmem>>
        %dma_start3A_1352 = arith.constant 0 : i32
        %dma_start3A_1353 = arith.constant 0 : i32
        %dma_start3A_1354 = tpu.memref_slice %arg3[%dma_start3A_1352, %dma_start3A_1353] : memref<100000x768xf32, #tpu.memory_space<hbm>> -> memref<100000x768xf32, #tpu.memory_space<hbm>>
        %dma_start3A_1355 = tpu.memref_slice %arg17[%select_n3A_1343] : memref<6x!tpu.dma_semaphore, #tpu.memory_space<semaphore_mem>> -> memref<1x!tpu.dma_semaphore, #tpu.memory_space<semaphore_mem>>
        %dma_start3A_1356 = tpu.memref_squeeze %dma_start3A_1355 : memref<1x!tpu.dma_semaphore, #tpu.memory_space<semaphore_mem>> -> memref<!tpu.dma_semaphore, #tpu.memory_space<semaphore_mem>>
        tpu.enqueue_indirect_dma source(%dma_start3A_1354 : memref<100000x768xf32, #tpu.memory_space<hbm>>) target(%dma_start3A_1349 : memref<16x768xf32, #tpu.memory_space<vmem>>) offsets(%dma_start3A_1351 : memref<16xi32, #tpu.memory_space<vmem>>) semaphore(%dma_start3A_1356 : memref<!tpu.dma_semaphore, #tpu.memory_space<semaphore_mem>>)
      } else {
      }
    }
    %scan3A_188 = arith.constant 16 : i32
    %add3A_189 = arith.constant 32 : i32
    %add3A_190 = arith.addi %mul3A_2, %add3A_189 : i32
    %dma_wait3A_191 = arith.constant 2 : i32
    %dma_wait3A_192 = arith.constant 4 : i32
    %dma_wait3A_193 = arith.constant 64 : i32
    %dma_wait3A_194 = arith.constant 0 : i32
    %dma_wait3A_195 = tpu.memref_slice %arg10[%dma_wait3A_193, %dma_wait3A_194] : memref<96x768xf32, #tpu.memory_space<vmem>> -> memref<16x768xf32, #tpu.memory_space<vmem>>
    %dma_wait3A_196 = arith.constant 0 : i32
    %dma_wait3A_197 = tpu.memref_slice %arg7[%dma_wait3A_191, %add3A_190, %dma_wait3A_196] : memref<4x2048x768xf32, #tpu.memory_space<hbm>> -> memref<1x16x768xf32, #tpu.memory_space<hbm>>
    %dma_wait3A_198 = tpu.memref_squeeze %dma_wait3A_197 : memref<1x16x768xf32, #tpu.memory_space<hbm>> -> memref<16x768xf32, #tpu.memory_space<hbm>>
    %dma_wait3A_199 = tpu.memref_slice %arg18[%dma_wait3A_192] : memref<6x!tpu.dma_semaphore, #tpu.memory_space<semaphore_mem>> -> memref<1x!tpu.dma_semaphore, #tpu.memory_space<semaphore_mem>>
    %dma_wait3A_200 = tpu.memref_squeeze %dma_wait3A_199 : memref<1x!tpu.dma_semaphore, #tpu.memory_space<semaphore_mem>> -> memref<!tpu.dma_semaphore, #tpu.memory_space<semaphore_mem>>
    %dma_wait3A_201 = arith.constant 0 : i32
    %dma_wait3A_202 = tpu.memref_slice %arg7[%dma_wait3A_191, %add3A_190, %dma_wait3A_201] : memref<4x2048x768xf32, #tpu.memory_space<hbm>> -> memref<1x16x768xf32, #tpu.memory_space<hbm>>
    %dma_wait3A_203 = tpu.memref_squeeze %dma_wait3A_202 : memref<1x16x768xf32, #tpu.memory_space<hbm>> -> memref<16x768xf32, #tpu.memory_space<hbm>>
    %dma_wait3A_204 = arith.constant 64 : i32
    %dma_wait3A_205 = arith.constant 0 : i32
    %dma_wait3A_206 = tpu.memref_slice %arg10[%dma_wait3A_204, %dma_wait3A_205] : memref<96x768xf32, #tpu.memory_space<vmem>> -> memref<16x768xf32, #tpu.memory_space<vmem>>
    tpu.wait_dma2 semaphore(%dma_wait3A_200 : memref<!tpu.dma_semaphore, #tpu.memory_space<semaphore_mem>>) src(%dma_wait3A_206 : memref<16x768xf32, #tpu.memory_space<vmem>>) dst(%dma_wait3A_203 : memref<16x768xf32, #tpu.memory_space<hbm>>)
    %add3A_207 = arith.constant 32 : i32
    %add3A_208 = arith.addi %mul3A_2, %add3A_207 : i32
    %dma_wait3A_209 = arith.constant 3 : i32
    %dma_wait3A_210 = arith.constant 5 : i32
    %dma_wait3A_211 = arith.constant 80 : i32
    %dma_wait3A_212 = arith.constant 0 : i32
    %dma_wait3A_213 = tpu.memref_slice %arg10[%dma_wait3A_211, %dma_wait3A_212] : memref<96x768xf32, #tpu.memory_space<vmem>> -> memref<16x768xf32, #tpu.memory_space<vmem>>
    %dma_wait3A_214 = arith.constant 0 : i32
    %dma_wait3A_215 = tpu.memref_slice %arg7[%dma_wait3A_209, %add3A_208, %dma_wait3A_214] : memref<4x2048x768xf32, #tpu.memory_space<hbm>> -> memref<1x16x768xf32, #tpu.memory_space<hbm>>
    %dma_wait3A_216 = tpu.memref_squeeze %dma_wait3A_215 : memref<1x16x768xf32, #tpu.memory_space<hbm>> -> memref<16x768xf32, #tpu.memory_space<hbm>>
    %dma_wait3A_217 = tpu.memref_slice %arg18[%dma_wait3A_210] : memref<6x!tpu.dma_semaphore, #tpu.memory_space<semaphore_mem>> -> memref<1x!tpu.dma_semaphore, #tpu.memory_space<semaphore_mem>>
    %dma_wait3A_218 = tpu.memref_squeeze %dma_wait3A_217 : memref<1x!tpu.dma_semaphore, #tpu.memory_space<semaphore_mem>> -> memref<!tpu.dma_semaphore, #tpu.memory_space<semaphore_mem>>
    %dma_wait3A_219 = arith.constant 0 : i32
    %dma_wait3A_220 = tpu.memref_slice %arg7[%dma_wait3A_209, %add3A_208, %dma_wait3A_219] : memref<4x2048x768xf32, #tpu.memory_space<hbm>> -> memref<1x16x768xf32, #tpu.memory_space<hbm>>
    %dma_wait3A_221 = tpu.memref_squeeze %dma_wait3A_220 : memref<1x16x768xf32, #tpu.memory_space<hbm>> -> memref<16x768xf32, #tpu.memory_space<hbm>>
    %dma_wait3A_222 = arith.constant 80 : i32
    %dma_wait3A_223 = arith.constant 0 : i32
    %dma_wait3A_224 = tpu.memref_slice %arg10[%dma_wait3A_222, %dma_wait3A_223] : memref<96x768xf32, #tpu.memory_space<vmem>> -> memref<16x768xf32, #tpu.memory_space<vmem>>
    tpu.wait_dma2 semaphore(%dma_wait3A_218 : memref<!tpu.dma_semaphore, #tpu.memory_space<semaphore_mem>>) src(%dma_wait3A_224 : memref<16x768xf32, #tpu.memory_space<vmem>>) dst(%dma_wait3A_221 : memref<16x768xf32, #tpu.memory_space<hbm>>)
    %add3A_225 = arith.constant 48 : i32
    %add3A_226 = arith.addi %mul3A_2, %add3A_225 : i32
    %dma_wait3A_227 = arith.constant 0 : i32
    %dma_wait3A_228 = arith.constant 0 : i32
    %dma_wait3A_229 = arith.constant 0 : i32
    %dma_wait3A_230 = arith.constant 0 : i32
    %dma_wait3A_231 = tpu.memref_slice %arg10[%dma_wait3A_229, %dma_wait3A_230] : memref<96x768xf32, #tpu.memory_space<vmem>> -> memref<16x768xf32, #tpu.memory_space<vmem>>
    %dma_wait3A_232 = arith.constant 0 : i32
    %dma_wait3A_233 = tpu.memref_slice %arg7[%dma_wait3A_227, %add3A_226, %dma_wait3A_232] : memref<4x2048x768xf32, #tpu.memory_space<hbm>> -> memref<1x16x768xf32, #tpu.memory_space<hbm>>
    %dma_wait3A_234 = tpu.memref_squeeze %dma_wait3A_233 : memref<1x16x768xf32, #tpu.memory_space<hbm>> -> memref<16x768xf32, #tpu.memory_space<hbm>>
    %dma_wait3A_235 = tpu.memref_slice %arg18[%dma_wait3A_228] : memref<6x!tpu.dma_semaphore, #tpu.memory_space<semaphore_mem>> -> memref<1x!tpu.dma_semaphore, #tpu.memory_space<semaphore_mem>>
    %dma_wait3A_236 = tpu.memref_squeeze %dma_wait3A_235 : memref<1x!tpu.dma_semaphore, #tpu.memory_space<semaphore_mem>> -> memref<!tpu.dma_semaphore, #tpu.memory_space<semaphore_mem>>
    %dma_wait3A_237 = arith.constant 0 : i32
    %dma_wait3A_238 = tpu.memref_slice %arg7[%dma_wait3A_227, %add3A_226, %dma_wait3A_237] : memref<4x2048x768xf32, #tpu.memory_space<hbm>> -> memref<1x16x768xf32, #tpu.memory_space<hbm>>
    %dma_wait3A_239 = tpu.memref_squeeze %dma_wait3A_238 : memref<1x16x768xf32, #tpu.memory_space<hbm>> -> memref<16x768xf32, #tpu.memory_space<hbm>>
    %dma_wait3A_240 = arith.constant 0 : i32
    %dma_wait3A_241 = arith.constant 0 : i32
    %dma_wait3A_242 = tpu.memref_slice %arg10[%dma_wait3A_240, %dma_wait3A_241] : memref<96x768xf32, #tpu.memory_space<vmem>> -> memref<16x768xf32, #tpu.memory_space<vmem>>
    tpu.wait_dma2 semaphore(%dma_wait3A_236 : memref<!tpu.dma_semaphore, #tpu.memory_space<semaphore_mem>>) src(%dma_wait3A_242 : memref<16x768xf32, #tpu.memory_space<vmem>>) dst(%dma_wait3A_239 : memref<16x768xf32, #tpu.memory_space<hbm>>)
    %add3A_243 = arith.constant 48 : i32
    %add3A_244 = arith.addi %mul3A_2, %add3A_243 : i32
    %dma_wait3A_245 = arith.constant 1 : i32
    %dma_wait3A_246 = arith.constant 1 : i32
    %dma_wait3A_247 = arith.constant 16 : i32
    %dma_wait3A_248 = arith.constant 0 : i32
    %dma_wait3A_249 = tpu.memref_slice %arg10[%dma_wait3A_247, %dma_wait3A_248] : memref<96x768xf32, #tpu.memory_space<vmem>> -> memref<16x768xf32, #tpu.memory_space<vmem>>
    %dma_wait3A_250 = arith.constant 0 : i32
    %dma_wait3A_251 = tpu.memref_slice %arg7[%dma_wait3A_245, %add3A_244, %dma_wait3A_250] : memref<4x2048x768xf32, #tpu.memory_space<hbm>> -> memref<1x16x768xf32, #tpu.memory_space<hbm>>
    %dma_wait3A_252 = tpu.memref_squeeze %dma_wait3A_251 : memref<1x16x768xf32, #tpu.memory_space<hbm>> -> memref<16x768xf32, #tpu.memory_space<hbm>>
    %dma_wait3A_253 = tpu.memref_slice %arg18[%dma_wait3A_246] : memref<6x!tpu.dma_semaphore, #tpu.memory_space<semaphore_mem>> -> memref<1x!tpu.dma_semaphore, #tpu.memory_space<semaphore_mem>>
    %dma_wait3A_254 = tpu.memref_squeeze %dma_wait3A_253 : memref<1x!tpu.dma_semaphore, #tpu.memory_space<semaphore_mem>> -> memref<!tpu.dma_semaphore, #tpu.memory_space<semaphore_mem>>
    %dma_wait3A_255 = arith.constant 0 : i32
    %dma_wait3A_256 = tpu.memref_slice %arg7[%dma_wait3A_245, %add3A_244, %dma_wait3A_255] : memref<4x2048x768xf32, #tpu.memory_space<hbm>> -> memref<1x16x768xf32, #tpu.memory_space<hbm>>
    %dma_wait3A_257 = tpu.memref_squeeze %dma_wait3A_256 : memref<1x16x768xf32, #tpu.memory_space<hbm>> -> memref<16x768xf32, #tpu.memory_space<hbm>>
    %dma_wait3A_258 = arith.constant 16 : i32
    %dma_wait3A_259 = arith.constant 0 : i32
    %dma_wait3A_260 = tpu.memref_slice %arg10[%dma_wait3A_258, %dma_wait3A_259] : memref<96x768xf32, #tpu.memory_space<vmem>> -> memref<16x768xf32, #tpu.memory_space<vmem>>
    tpu.wait_dma2 semaphore(%dma_wait3A_254 : memref<!tpu.dma_semaphore, #tpu.memory_space<semaphore_mem>>) src(%dma_wait3A_260 : memref<16x768xf32, #tpu.memory_space<vmem>>) dst(%dma_wait3A_257 : memref<16x768xf32, #tpu.memory_space<hbm>>)
    %add3A_261 = arith.constant 48 : i32
    %add3A_262 = arith.addi %mul3A_2, %add3A_261 : i32
    %dma_wait3A_263 = arith.constant 2 : i32
    %dma_wait3A_264 = arith.constant 2 : i32
    %dma_wait3A_265 = arith.constant 32 : i32
    %dma_wait3A_266 = arith.constant 0 : i32
    %dma_wait3A_267 = tpu.memref_slice %arg10[%dma_wait3A_265, %dma_wait3A_266] : memref<96x768xf32, #tpu.memory_space<vmem>> -> memref<16x768xf32, #tpu.memory_space<vmem>>
    %dma_wait3A_268 = arith.constant 0 : i32
    %dma_wait3A_269 = tpu.memref_slice %arg7[%dma_wait3A_263, %add3A_262, %dma_wait3A_268] : memref<4x2048x768xf32, #tpu.memory_space<hbm>> -> memref<1x16x768xf32, #tpu.memory_space<hbm>>
    %dma_wait3A_270 = tpu.memref_squeeze %dma_wait3A_269 : memref<1x16x768xf32, #tpu.memory_space<hbm>> -> memref<16x768xf32, #tpu.memory_space<hbm>>
    %dma_wait3A_271 = tpu.memref_slice %arg18[%dma_wait3A_264] : memref<6x!tpu.dma_semaphore, #tpu.memory_space<semaphore_mem>> -> memref<1x!tpu.dma_semaphore, #tpu.memory_space<semaphore_mem>>
    %dma_wait3A_272 = tpu.memref_squeeze %dma_wait3A_271 : memref<1x!tpu.dma_semaphore, #tpu.memory_space<semaphore_mem>> -> memref<!tpu.dma_semaphore, #tpu.memory_space<semaphore_mem>>
    %dma_wait3A_273 = arith.constant 0 : i32
    %dma_wait3A_274 = tpu.memref_slice %arg7[%dma_wait3A_263, %add3A_262, %dma_wait3A_273] : memref<4x2048x768xf32, #tpu.memory_space<hbm>> -> memref<1x16x768xf32, #tpu.memory_space<hbm>>
    %dma_wait3A_275 = tpu.memref_squeeze %dma_wait3A_274 : memref<1x16x768xf32, #tpu.memory_space<hbm>> -> memref<16x768xf32, #tpu.memory_space<hbm>>
    %dma_wait3A_276 = arith.constant 32 : i32
    %dma_wait3A_277 = arith.constant 0 : i32
    %dma_wait3A_278 = tpu.memref_slice %arg10[%dma_wait3A_276, %dma_wait3A_277] : memref<96x768xf32, #tpu.memory_space<vmem>> -> memref<16x768xf32, #tpu.memory_space<vmem>>
    tpu.wait_dma2 semaphore(%dma_wait3A_272 : memref<!tpu.dma_semaphore, #tpu.memory_space<semaphore_mem>>) src(%dma_wait3A_278 : memref<16x768xf32, #tpu.memory_space<vmem>>) dst(%dma_wait3A_275 : memref<16x768xf32, #tpu.memory_space<hbm>>)
    %add3A_279 = arith.constant 48 : i32
    %add3A_280 = arith.addi %mul3A_2, %add3A_279 : i32
    %dma_wait3A_281 = arith.constant 3 : i32
    %dma_wait3A_282 = arith.constant 3 : i32
    %dma_wait3A_283 = arith.constant 48 : i32
    %dma_wait3A_284 = arith.constant 0 : i32
    %dma_wait3A_285 = tpu.memref_slice %arg10[%dma_wait3A_283, %dma_wait3A_284] : memref<96x768xf32, #tpu.memory_space<vmem>> -> memref<16x768xf32, #tpu.memory_space<vmem>>
    %dma_wait3A_286 = arith.constant 0 : i32
    %dma_wait3A_287 = tpu.memref_slice %arg7[%dma_wait3A_281, %add3A_280, %dma_wait3A_286] : memref<4x2048x768xf32, #tpu.memory_space<hbm>> -> memref<1x16x768xf32, #tpu.memory_space<hbm>>
    %dma_wait3A_288 = tpu.memref_squeeze %dma_wait3A_287 : memref<1x16x768xf32, #tpu.memory_space<hbm>> -> memref<16x768xf32, #tpu.memory_space<hbm>>
    %dma_wait3A_289 = tpu.memref_slice %arg18[%dma_wait3A_282] : memref<6x!tpu.dma_semaphore, #tpu.memory_space<semaphore_mem>> -> memref<1x!tpu.dma_semaphore, #tpu.memory_space<semaphore_mem>>
    %dma_wait3A_290 = tpu.memref_squeeze %dma_wait3A_289 : memref<1x!tpu.dma_semaphore, #tpu.memory_space<semaphore_mem>> -> memref<!tpu.dma_semaphore, #tpu.memory_space<semaphore_mem>>
    %dma_wait3A_291 = arith.constant 0 : i32
    %dma_wait3A_292 = tpu.memref_slice %arg7[%dma_wait3A_281, %add3A_280, %dma_wait3A_291] : memref<4x2048x768xf32, #tpu.memory_space<hbm>> -> memref<1x16x768xf32, #tpu.memory_space<hbm>>
    %dma_wait3A_293 = tpu.memref_squeeze %dma_wait3A_292 : memref<1x16x768xf32, #tpu.memory_space<hbm>> -> memref<16x768xf32, #tpu.memory_space<hbm>>
    %dma_wait3A_294 = arith.constant 48 : i32
    %dma_wait3A_295 = arith.constant 0 : i32
    %dma_wait3A_296 = tpu.memref_slice %arg10[%dma_wait3A_294, %dma_wait3A_295] : memref<96x768xf32, #tpu.memory_space<vmem>> -> memref<16x768xf32, #tpu.memory_space<vmem>>
    tpu.wait_dma2 semaphore(%dma_wait3A_290 : memref<!tpu.dma_semaphore, #tpu.memory_space<semaphore_mem>>) src(%dma_wait3A_296 : memref<16x768xf32, #tpu.memory_space<vmem>>) dst(%dma_wait3A_293 : memref<16x768xf32, #tpu.memory_space<hbm>>)
    return
  }
}

</mosaic_0001>

<sc_bundles>
// kernel: kernel.3.cloned.1.call-start
scs
__scs_entry_jumppad:
0x0: {  	(pc) =	sbr.rel $0x88, $3  }
0x1: {  	(tag) =	ssettag $0x0;
	lr =	simm.s32 $0x1  }
0x2: {  	[smem:$0x3F9C] =	sst lr;
	_ =	strace $0xD0000000  }
0x3: {  	_ = 	snop  }
0x4: {  	_ = 	snop  }
0x5: {  	_ = 	snop  }
0x6: {  	_ = 	snop  }
0x7: {  	_ = 	snop  }
__scs_overlays_trampoline_lowered:
0x8: {  	[smem:$0x3FAB] =	sst s0  }
0x9: {  	[smem:$0x3FAC] =	sst s1  }
0xa: {  	[smem:$0x3FAD] =	sst s2  }
0xb: {  	[smem:$0x3FAE] =	sst s3  }
0xc: {  	[smem:$0x3FAF] =	sst s4  }
0xd: {  	[smem:$0x3FB0] =	sst s5  }
0xe: {  	[smem:$0x3FB1] =	sst s6  }
0xf: {  	[smem:$0x3FB2] =	sst s7  }
0x10: {  	[smem:$0x3FB3] =	sst s8  }
0x11: {  	[smem:$0x3FB4] =	sst s9;
	s0 =	simm.s32 @!p0 $0x0  }
0x12: {  	s1 =	sld [smem:$0x3F9A];
	s0 =	simm.s32 @p0 $0x1  }
0x13: {  	[smem:$0x3FB5] =	sst s0;
	s0 =	simm.s32 @!p1 $0x0  }
0x14: {  	s2 =	sld [smem:$0x3F99];
	s0 =	simm.s32 @p1 $0x1  }
0x15: {  	[smem:$0x3FB6] =	sst s0;
	s0 =	simm.s32 @!p2 $0x0  }
0x16: {  	s3 =	sld [smem:$0x3FDB];
	s0 =	simm.s32 @p2 $0x1  }
0x17: {  	s4 =	simm.s32 $0x1BF5;
	[smem:$0x3FB8] =	sst s0  }
0x18: {  	s0 =	sld [smem:$0x3F9B];
	_ =	swait.ge [sflag:s4], $0x0  }
0x19: {  	s7 =	sld [smem:$0x3F9C]  }
0x1a: {  	s8 =	sadd.s32 $0xFFFFE003, lr  }
0x1b: {  	s9 =	sadd.s32 $0xFFFFFEF7, lr;
	s5 =	simm.s32 $0xFFFFFFFF;
	p2 =	slt.u32 s8, $0xFFFFF086  }
0x1c: {  	p1 =	slt.u32 s9, $0xF7A;
	s5 =	simm.s32 @!p2 $0x0  }
0x1d: {  	s5 =	simm.s32 @p1 $0x1;
	p0 =	seq.s32 s7, s2  }
0x1e: {  	s7 =	smul.u32 @!p0 $0xF7A, s2;
	p2 =	seq.s32 @!p0 s5, $0x0  }
0x1f: {  	s9 =	smul.u32 $0xF7A, s1;
	s8 =	simm.s32 @!p0 $0x1BF5;
	p2 =	por !p2, p0  }
0x20: {  	[sflag:s8] =	ssyncset.s32 @!p0 $0xFFFFF086;
	s6 =	sadd.s32 @!p0 s3, s7;
	s7 =	simm.s32 @!p0 $0x108  }
0x21: {  	s3 =	sadd.s32 s3, s9;
	s6 =	sadd.s32 @!p0 $0x88, s6;
	s7 =	simm.s32 @p2 $0x1082  }
0x22: {  	[simem:s7], [sflag:s8] =	dma.local @!p0 [hbm:s6], $0xF7A  }
0x23: {  	s9 =	sor.u32 $0xD0000000, s2;
	s6 =	simm.s32 $0x108;
	_ =	swait.ge @!p0 [sflag:s8], $0x0  }
0x24: {  	s3 =	sadd.s32 $0x88, s3;
	s6 =	simm.s32 @!p1 $0x1082;
	[sflag:s4] =	ssyncset.s32 $0xFFFFF086  }
0x25: {  	[simem:s6], [sflag:s4] =	dma.local [hbm:s3], $0xF7A  }
0x26: {  	[smem:$0x3F9C] =	sst s1;
	(tag) =	ssettag s2;
	_ =	strace s9  }
0x27: {  	s1 =	sld [smem:$0x3FAC]  }
0x28: {  	s2 =	sld [smem:$0x3FAD]  }
0x29: {  	s4 =	sld [smem:$0x3FAF]  }
0x2a: {  	p0 =	seq.s32 s5, $0x0;
	s5 =	sld [smem:$0x3FB0]  }
0x2b: {  	s6 =	sld [smem:$0x3FB1]  }
0x2c: {  	s7 =	sld [smem:$0x3FB2]  }
0x2d: {  	s3 =	simm.s32 $0x108;
	s8 =	sld [smem:$0x3FB3]  }
0x2e: {  	s3 =	simm.s32 @!p0 $0x1082;
	s9 =	sld [smem:$0x3FB4]  }
0x2f: {  	lr =	sadd.s32 s0, s3;
	s0 =	sld [smem:$0x3FAB]  }
0x30: {  	s3 =	sld [smem:$0x3FAE]  }
0x31: {  	[smem:$0x3FB7] =	sst s10  }
0x32: {  	s10 =	sld [smem:$0x3FB5];
	_ =	sdelay $0x3  }
0x33: {  	p0 =	seq.s32 s10, $0x1;
	s10 =	sld [smem:$0x3FB7];
	_ =	sdelay $0x3  }
0x34: {  	[smem:$0x3FB7] =	sst s10  }
0x35: {  	s10 =	sld [smem:$0x3FB6];
	_ =	sdelay $0x3  }
0x36: {  	p1 =	seq.s32 s10, $0x1;
	s10 =	sld [smem:$0x3FB7];
	_ =	sdelay $0x3  }
0x37: {  	[smem:$0x3FB7] =	sst s10  }
0x38: {  	s10 =	sld [smem:$0x3FB8]  }
0x39: {  	_ = 	snop;
	(pc) =	sbr.ind lr, $3  }
0x3a: {  	_ = 	snop  }
0x3b: {  	_ = 	snop  }
0x3c: {  	p2 =	seq.s32 s10, $0x1;
	s10 =	sld [smem:$0x3FB7]  }
0x3d: {  	_ =	shalt  }
0x3e: {  	_ =	shalt  }
0x3f: {  	_ =	shalt  }
0x40: {  	_ =	shalt  }
0x41: {  	_ =	shalt  }
0x42: {  	_ =	shalt  }
0x43: {  	_ =	shalt  }
0x44: {  	_ =	shalt  }
0x45: {  	_ =	shalt  }
0x46: {  	_ =	shalt  }
0x47: {  	_ =	shalt  }
0x48: {  	_ =	shalt  }
0x49: {  	_ =	shalt  }
0x4a: {  	_ =	shalt  }
0x4b: {  	_ =	shalt  }
0x4c: {  	_ =	shalt  }
0x4d: {  	_ =	shalt  }
0x4e: {  	_ =	shalt  }
0x4f: {  	_ =	shalt  }
0x50: {  	_ =	shalt  }
0x51: {  	_ =	shalt  }
0x52: {  	_ =	shalt  }
0x53: {  	_ =	shalt  }
0x54: {  	_ =	shalt  }
0x55: {  	_ =	shalt  }
0x56: {  	_ =	shalt  }
0x57: {  	_ =	shalt  }
0x58: {  	_ =	shalt  }
0x59: {  	_ =	shalt  }
0x5a: {  	_ =	shalt  }
0x5b: {  	_ =	shalt  }
0x5c: {  	_ =	shalt  }
0x5d: {  	_ =	shalt  }
0x5e: {  	_ =	shalt  }
0x5f: {  	_ =	shalt  }
0x60: {  	_ =	shalt  }
0x61: {  	_ =	shalt  }
0x62: {  	_ =	shalt  }
0x63: {  	_ =	shalt  }
0x64: {  	_ =	shalt  }
0x65: {  	_ =	shalt  }
0x66: {  	_ =	shalt  }
0x67: {  	_ =	shalt  }
0x68: {  	_ =	shalt  }
0x69: {  	_ =	shalt  }
0x6a: {  	_ =	shalt  }
0x6b: {  	_ =	shalt  }
0x6c: {  	_ =	shalt  }
0x6d: {  	_ =	shalt  }
0x6e: {  	_ =	shalt  }
0x6f: {  	_ =	shalt  }
0x70: {  	_ =	shalt  }
0x71: {  	_ =	shalt  }
0x72: {  	_ =	shalt  }
0x73: {  	_ =	shalt  }
0x74: {  	_ =	shalt  }
0x75: {  	_ =	shalt  }
0x76: {  	_ =	shalt  }
0x77: {  	_ =	shalt  }
0x78: {  	_ =	shalt  }
0x79: {  	_ =	shalt  }
0x7a: {  	_ =	shalt  }
0x7b: {  	_ =	shalt  }
0x7c: {  	_ =	shalt  }
0x7d: {  	_ =	shalt  }
0x7e: {  	_ =	shalt  }
0x7f: {  	_ =	shalt  }
0x80: {  	_ =	shalt  }
0x81: {  	_ =	shalt  }
0x82: {  	_ =	shalt  }
0x83: {  	_ =	shalt  }
0x84: {  	_ =	shalt  }
0x85: {  	_ =	shalt  }
0x86: {  	_ =	shalt  }
0x87: {  	_ =	shalt  }
.Lfunc_end0:
.L_simem_size_0:
called_computation_lowered:
.L_overlay_start_0:
0x88: {  	s2 =	sld [smem:$0x3FD9]  }
0x89: {  	s3 =	sld [smem:$0x3FFE];
	_ =	sdelay $0x1  }
0x8a: {  	s1 =	srdreg.scid  }
0x8b: {  	s0 =	sand.u32 $0x1, s1  }
0x8c: {  	s18 =	sshll.u32 s0, $0xA;
	s2 =	sadd.s32 s3, s2  }
0x8d: {  	s2 =	sadd.s32 s2, s18  }
0x8e: {  	[smem:$0x3FC3] =	sst s2  }
0x8f: {  	_ = 	snop  }
0x90: {  	s2 =	sld [smem:$0x3FC9]  }
0x91: {  	s19 =	sld [smem:$0x3FC8]  }
0x92: {  	s4 =	sld [smem:$0x3FC7]  }
0x93: {  	s5 =	sld [smem:$0x3FC6]  }
0x94: {  	s6 =	sld [smem:$0x3FC5]  }
0x95: {  	s7 =	sld [smem:$0x3FD0];
	(tm) =	ssettm $0x1  }
0x96: {  	s8 =	sld [smem:$0x3FFB];
	_ =	sdelay $0x3  }
0x97: {  	_ =	strace s8  }
0x98: {  	s8 =	sld [smem:$0x3FFC];
	_ =	sdelay $0x3  }
0x99: {  	_ =	strace s8  }
0x9a: {  	s8 =	sld [smem:$0x3FFD];
	_ =	sdelay $0x3  }
0x9b: {  	_ =	strace s8  }
0x9c: {  	_ =	strace $0x8FFFFFFF  }
0x9d: {  	s20 =	sld [smem:$0x3FDB];
	_ =	sdelay $0x1  }
0x9e: {  	s9 =	simm.s32 $_scs_section_size  }
0x9f: {  	s10 =	simm.s32 $_size__tile_overlayer_lowered;
	s11 =	simm.s32 $_tile_overlayer_lowered  }
0xa0: {  	s23 =	simm.s32 $0x1BFF;
	s22 =	sshll.u32 s11, $0x1;
	s8 =	sadd.s32 s9, s20  }
0xa1: {  	s12 =	simm.s32 $0x0;
	s21 =	sshll.u32 s10, $0x1;
	s10 =	sadd.s32 s22, s8  }
0xa2: {  	[timem:s12], [sflag:s23] =	dma.local [hbm:s10], s21  }
0xa3: {  	_ =	swait.ge [sflag:s23], s21  }
0xa4: {  	s9 =	ssub.s32 $0x0, s21;
	[sflag:s23] =	ssyncset.done $0x0  }
0xa5: {  	[sflag:s23] =	ssyncadd.s32 s9;
	_ =	sdelay $0x1  }
0xa6: {  	s24 =	simm.s32 $0x1B8B  }
0xa7: {  	_ =	swait.ge [sflag:s24], $0x1  }
0xa8: {  	[sflag:s24] =	ssyncset.done $0x0  }
0xa9: {  	s25 =	simm.s32 $0x1B8E;
	[sflag:s24] =	ssyncadd.s32 $0xFFFFFFFF  }
0xaa: {  	s26 =	simm.s32 $execute0_lowered;
	[smem:$0x3FD2] =	sst s25  }
0xab: {  	s9 =	sshll.u32 s26, $0x1;
	_ =	strace $0x80000046;
	[dreg:$0x1] =	wrdreg $0xFFFFFFFF  }
0xac: {  	s28 =	simm.s32 $_size_execute0_lowered;
	s8 =	sadd.s32 s8, s9;
	[dreg:$0x0] =	wrdreg $0x0  }
0xad: {  	s9 =	sshll.u32 s28, $0x1;
	[dreg:$0x2] =	wrdreg s8  }
0xae: {  	[dreg:$0x3] =	wrdreg s9  }
0xaf: {  	[dreg:$0x4] =	wrdreg $0xC0  }
0xb0: {  	_ =	task [dreg:s12], $0x5FFFF  }
0xb1: {  	[dreg:$0x1] =	wrdreg $0xFFFFFFFF  }
0xb2: {  	[dreg:$0x0] =	wrdreg $0x60  }
0xb3: {  	[dreg:$0x2] =	wrdreg s2  }
0xb4: {  	[dreg:$0x3] =	wrdreg s19  }
0xb5: {  	[dreg:$0x4] =	wrdreg s4  }
0xb6: {  	[dreg:$0x5] =	wrdreg s5  }
0xb7: {  	[dreg:$0x6] =	wrdreg s6  }
0xb8: {  	[dreg:$0x7] =	wrdreg s7  }
0xb9: {  	[dreg:$0x8] =	wrdreg $0x9  }
0xba: {  	_ =	task.clear_ibuf [dreg:s12], $0x9FFFF;
	_ =	strace $0x90000046  }
0xbb: {  	s29 =	simm.s32 $0x9;
	_ =	strace $0x80000048  }
0xbc: {  	_ =	swait.ge [sflag:s29], $0x1  }
0xbd: {  	[sflag:s29] =	ssyncadd.s32 $0xFFFFFFFF  }
0xbe: {  	_ =	strace $0x90000048  }
0xbf: {  	_ =	sfence  }
0xc0: {  	s30 =	sld [smem:$0x0];
	_ =	sdelay $0x2  }
0xc1: {  	s31 =	sshll.u32 s1, $0xD;
	s1 =	sshrl.u32 s1, $0x2  }
0xc2: {  	s3 =	sand.u32 $0x4000, s31;
	s1 =	sadd.s32 s1, s30  }
0xc3: {  	s0 =	sor.u32 s3, s0;
	s1 =	sshll.u32 s1, $0x11  }
0xc4: {  	s0 =	sor.u32 s1, s0  }
0xc5: {  	s0 =	sadd.s32 $0x8F2B, s0  }
0xc6: {  	[sflag:s0] =	ssyncadd.remote.s32 $0x1  }
0xc7: {  	_ =	sfence.sel $0xFFFF  }
0xc8: {  	[dreg:$0x0] =	wrdreg $0xFFFFFFFF;
	(pc) =	sbr.abs _section_cstart, $3  }
0xc9: {  	[dreg:$0x1] =	wrdreg $0xFFFFFFFF  }
0xca: {  	_ =	task.clear_ibuf [dreg:s12], $0x2FFFF;
	_ =	strace $0x9FFFFFFF  }
0xcb: {  	(tm) =	ssettm $0x7FFFFFFF  }
tec
execute0_lowered:
.L_overlay_start_1:
0x0: {  	(tag) =	ssettag $0x1  }
0x1: {  	v2 =	vlaneseq.u32;
	v3 =	vimm.s32 $0xEFCDAB89  }
0x2: {  	vm0 =	vcmask $0xB08;
	vm1 =	vcmask $0x300;
	v4 =	vimm.s32 $0x67452301  }
0x3: {  	v5 =	vimm.s32 $0xDCFE98BA;
	v6 =	vimm.s32 $0x54761032;
	vm2 =	vcmask $0x3330  }
0x4: {  	vm3 =	vcmask $0x700;
	v7 =	vimm.s32 $0xFEDCBA98;
	v8 =	vimm.s32 $0x76543210  }
0x5: {  	vm4 =	vcmask $0xF00;
	v9 =	vimm.s32 $0x2;
	v10 =	vimm.s32 $0x3  }
0x6: {  	v11 =	vimm.s32 $0x4;
	v12 =	vimm.s32 $0x5;
	v13 =	vimm.s32 $0x6  }
0x7: {  	v14 =	vimm.s32 $0x7;
	v15 =	vimm.s32 $0x8;
	v16 =	vimm.s32 $0x9  }
0x8: {  	v17 =	vimm.s32 $0xA;
	v18 =	vimm.s32 $0xB;
	v19 =	vimm.s32 $0xC  }
0x9: {  	v20 =	vimm.s32 $0xD;
	v21 =	vimm.s32 $0xE;
	v22 =	vimm.s32 $0xF  }
0xa: {  	v1 =	vshrl.u32 v2, $0x3;
	v0 =	vand.u32 $0x7, v2;
	v3 =	vunpack.c.l.s4.s8 v3  }
0xb: {  	s0 =	rddreg [dreg:$0x0];
	vm0 =	vmor vm1, vm0;
	vm1 =	vcmask $0x1310;
	v4 =	vunpack.c.l.s4.s8 v4  }
0xc: {  	s1 =	rddreg [dreg:$0x1];
	v5 =	vunpack.c.l.s4.s8 v5;
	v6 =	vunpack.c.l.s4.s8 v6;
	v2 =	vor.u32 $0x8, v2  }
0xd: {  	s2 =	rddreg [dreg:$0x2];
	v7 =	vunpack.c.l.s4.s8 v7;
	vm0 =	vmor vm0, vm1;
	vm1 =	vcmask $0x1B18  }
0xe: {  	s3 =	srdreg.scid;
	s4 =	stileid.u32;
	v3 =	vunpack.c.0.s8.s32 v3;
	vm0 =	vmor vm0, vm1;
	vm1 =	vcmask $0x2320  }
0xf: {  	s5 =	rddreg [dreg:$0x5];
	s7 =	simm.s32 $0x0;
	s3 =	sand.u32 $0x1, s3;
	v4 =	vunpack.c.0.s8.s32 v4;
	vm0 =	vmor vm0, vm1;
	vm1 =	vcmask $0x2B28  }
0x10: {  	s22 =	simm.s32 $0xE;
	s4 =	sshll.u32 s4, $0x7;
	v8 =	vunpack.c.l.s4.s8 v8;
	s8 =	sshll.u32 s3, $0x6;
	v1 =	vmul.u32 $0x8, v1;
	vm1 =	vmor vm0, vm1  }
0x11: {  	[smem:$0x7FF] =	sst s7;
	s3 =	ssub.s32 $0x2, s3;
	s6 =	sor.u32 s8, s4;
	v3 =	vcombine.low v4, v3;
	v4 =	vunpack.c.0.s8.s32 v5;
	v5 =	vunpack.c.0.s8.s32 v6  }
0x12: {  	_ =	strace $0x80000047;
	s10 =	sshrl.u32 s3, $0x1;
	s4 =	sshll.u32 s6, $0x2;
	v6 =	vimm.s32 $0x32107654;
	vm1 =	vmor vm1, vm2;
	vm2 =	vcmask $0x3B38  }
0x13: {  	s3 =	ssub.s32 s3, s10;
	s26 =	sshrl.u32 s6, $0x3;
	s9 =	sand.u32 $0x1E00, s4;
	v6 =	vunpack.c.l.s4.s8 v6;
	v4 =	vcombine.low v5, v4;
	v5 =	vimm.s32 $0xBA98FEDC  }
0x14: {  	s4 =	sor.u32 s8, s4;
	s30 =	smax.u32 s3, $0x1;
	s9 =	sor.u32 s8, s9;
	vm1 =	vmor vm1, vm2;
	vm2 =	vcmask $0x1710;
	v5 =	vunpack.c.l.s4.s8 v5  }
0x15: {  	s4 =	sshrl.u32 s4, $0x3;
	s8 =	smul.u32 $0x300, s26;
	s9 =	sshrl.u32 s9, $0x3;
	vm2 =	vmor vm3, vm2;
	vm3 =	vcmask $0x2720;
	v6 =	vunpack.c.0.s8.s32 v6  }
0x16: {  	[dreg:$0xc] =	wrdreg s30;
	s28 =	sor.u32 $0x20, s4;
	s25 =	sadd.s32 s0, s9;
	vm2 =	vmor vm2, vm3;
	vm3 =	vcmask $0x3730;
	v5 =	vunpack.c.0.s8.s32 v5  }
0x17: {  	vm0 =	vmmov $0xffff;
	s4 =	sor.u32 $0x30, s4;
	v3 =	vand.u32 $0xF, v3;
	s9 =	sadd.s32 s0, s28;
	[dreg:$0x7] =	wrdreg s25;
	vm2 =	vmor vm2, vm3  }
0x18: {  	s31 =	simm.s32 $0x9;
	s0 =	sadd.s32 s0, s4;
	[dreg:$0x9] =	wrdreg s9;
	vm3 =	vcmask $0x2F20;
	v5 =	vcombine.low v6, v5;
	v6 =	vunpack.c.0.s8.s32 v7  }
0x19: {  	s13 =	sadd.s32 $0x100, s1;
	s29 =	sadd.s32 s2, s8;
	[dreg:$0xa] =	wrdreg s0;
	v4 =	vand.u32 $0xF, v4;
	vm3 =	vmor vm4, vm3;
	v7 =	vunpack.c.0.s8.s32 v8  }
0x1a: {  	s14 =	sadd.s32 $0x200, s1;
	s10 =	sadd.s32 $0x10, s25;
	[dreg:$0xb] =	wrdreg s29;
	vm4 =	vmmov $0xff;
	v8 =	vimm.s32 $0x0;
	v6 =	vand.u32 $0xF, v6  }
0x1b: {  	s4 =	simm.s32 $0xA;
	s0 =	simm.s32 $0x0;
	[dreg:$0x8] =	wrdreg s10;
	v5 =	vand.u32 $0xF, v5;
	v6 =	vcombine.low v6, v7;
	v7 =	vimm.s32 $0x1  }
.LBB2_1:
0x1c: {  	s2 =	rddreg [dreg:$0x7]  }
0x1d: {  	[tilespmem:s7], [sflag:$0xE] =	stream.linear.gather [hbm4b:s2+s7], $0x40, $0x38;
	[tilespmem:$0x1EC00] =	vst v63  }
0x1e: {  	s18 =	rddreg [dreg:$0x8];
	s3 =	simm.s32 $0x80  }
0x1f: {  	[tilespmem:s3], [sflag:$0xE] =	stream.linear.gather [hbm4b:s18+s7], $0x40, $0x38;
	[tilespmem:$0x1EC00] =	vst v63  }
0x20: {  	s19 =	rddreg [dreg:$0x9];
	s20 =	simm.s32 $0x100  }
0x21: {  	[tilespmem:s20], [sflag:$0xE] =	stream.linear.gather [hbm4b:s19+s7], $0x40, $0x38;
	[tilespmem:$0x1EC00] =	vst v63  }
0x22: {  	s21 =	rddreg [dreg:$0xa];
	s23 =	simm.s32 $0x180  }
0x23: {  	[tilespmem:s23], [sflag:$0xE] =	stream.linear.gather [hbm4b:s21+s7], $0x40, $0x38;
	[tilespmem:$0x1EC00] =	vst v63  }
0x24: {  	s24 =	rddreg [dreg:$0xb];
	s25 =	simm.s32 $0x200  }
0x25: {  	[tilespmem:s25], [sflag:$0xD] =	stream.linear.gather [hbm4b:s24+s7], $0xC000, $0x38;
	[tilespmem:$0x1EC00] =	vst v63  }
0x26: {  	s26 =	rddreg [dreg:$0x3];
	s28 =	simm.s32 $0x1E200  }
0x27: {  	[tilespmem:s28], [sflag:$0xF] =	stream.linear.gather [hbm4b:s26+s7], $0x300, $0x38;
	[tilespmem:$0x1EC00] =	vst v63  }
0x28: {  	s29 =	rddreg [dreg:$0x4];
	s30 =	simm.s32 $0x1E500  }
0x29: {  	[tilespmem:s30], [sflag:$0x10] =	stream.linear.gather [hbm4b:s29+s7], $0x300, $0x38;
	[tilespmem:$0x1EC00] =	vst v63  }
0x2a: {  	_ =	swait.ge [sflag:s22], $0x40  }
0x2b: {  	[sflag:s22] =	ssyncset.done $0x0  }
0x2c: {  	[sflag:s22] =	ssyncadd.s32 $0xFFFFFFC0  }
0x2d: {  	_ =	swait.ge [sflag:s22], $0x40  }
0x2e: {  	[sflag:s22] =	ssyncset.done $0x0  }
0x2f: {  	[sflag:s22] =	ssyncadd.s32 $0xFFFFFFC0  }
0x30: {  	_ =	swait.ge [sflag:s22], $0x40  }
0x31: {  	[sflag:s22] =	ssyncset.done $0x0  }
0x32: {  	[sflag:s22] =	ssyncadd.s32 $0xFFFFFFC0  }
0x33: {  	_ =	swait.ge [sflag:s22], $0x40  }
0x34: {  	[sflag:s22] =	ssyncset.done $0x0  }
0x35: {  	[sflag:s22] =	ssyncadd.s32 $0xFFFFFFC0  }
0x36: {  	v23 =	vld [tilespmem:$0x0];
	_ =	sdelay $0x4  }
0x37: {  	v24 =	vshrl.u32 v23, $0x3  }
0x38: {  	v24 =	vmul.u32 $0x30, v24  }
0x39: {  	v23 =	vand.u32 $0x7, v23  }
0x3a: {  	v23 =	vor.u32 v23, v24  }
0x3b: {  	v24 =	vperm.xlane v23, v0;
	_ =	sdelay $0x1  }
0x3c: {  	v24 =	vadd.s32 v1, v24;
	_ =	sdelay $0x3  }
0x3d: {  	s8 =	simm.s32 $0xC200;
	v23 =	vperm.xlane v23, v2  }
0x3e: {  	[tilespmem:s8], [sflag:$0x1] =	stream.indirect_vreg.gather [hbm4b:s1+s7], $0x80, v24, vm0, $0xb8;
	[tilespmem:$0x1EC00] =	vst v63  }
0x3f: {  	s9 =	simm.s32 $0xCA00;
	v23 =	vadd.s32 v1, v23  }
0x40: {  	[tilespmem:s9], [sflag:$0x1] =	stream.indirect_vreg.gather [hbm4b:s13+s7], $0x80, v24, vm0, $0xb8;
	[tilespmem:$0x1EC00] =	vst v63  }
0x41: {  	s10 =	simm.s32 $0xD200  }
0x42: {  	[tilespmem:s10], [sflag:$0x1] =	stream.indirect_vreg.gather [hbm4b:s14+s7], $0x80, v24, vm0, $0xb8;
	[tilespmem:$0x1EC00] =	vst v63  }
0x43: {  	s11 =	simm.s32 $0xDA00  }
0x44: {  	[tilespmem:s11], [sflag:$0x1] =	stream.indirect_vreg.gather [hbm4b:s1+s7], $0x80, v23, vm0, $0xb8;
	[tilespmem:$0x1EC00] =	vst v63  }
0x45: {  	s12 =	simm.s32 $0xE200  }
0x46: {  	[tilespmem:s12], [sflag:$0x1] =	stream.indirect_vreg.gather [hbm4b:s13+s7], $0x80, v23, vm0, $0xb8;
	[tilespmem:$0x1EC00] =	vst v63  }
0x47: {  	s15 =	simm.s32 $0xEA00  }
0x48: {  	[tilespmem:s15], [sflag:$0x1] =	stream.indirect_vreg.gather [hbm4b:s14+s7], $0x80, v23, vm0, $0xb8;
	[tilespmem:$0x1EC00] =	vst v63  }
0x49: {  	v23 =	vld [tilespmem:$0x80];
	_ =	sdelay $0x4  }
0x4a: {  	v59 =	vshrl.u32 v23, $0x3  }
0x4b: {  	v24 =	vmul.u32 $0x30, v59  }
0x4c: {  	v23 =	vand.u32 $0x7, v23  }
0x4d: {  	v23 =	vor.u32 v23, v24  }
0x4e: {  	v24 =	vperm.xlane v23, v0;
	_ =	sdelay $0x1  }
0x4f: {  	v24 =	vadd.s32 v1, v24;
	_ =	sdelay $0x3  }
0x50: {  	s16 =	simm.s32 $0xF200;
	v23 =	vperm.xlane v23, v2  }
0x51: {  	[tilespmem:s16], [sflag:$0x2] =	stream.indirect_vreg.gather [hbm4b:s1+s7], $0x80, v24, vm0, $0xb8;
	[tilespmem:$0x1EC00] =	vst v63  }
0x52: {  	s17 =	simm.s32 $0xFA00;
	v23 =	vadd.s32 v1, v23  }
0x53: {  	[tilespmem:s17], [sflag:$0x2] =	stream.indirect_vreg.gather [hbm4b:s13+s7], $0x80, v24, vm0, $0xb8;
	[tilespmem:$0x1EC00] =	vst v63  }
0x54: {  	s18 =	simm.s32 $0x10200  }
0x55: {  	[tilespmem:s18], [sflag:$0x2] =	stream.indirect_vreg.gather [hbm4b:s14+s7], $0x80, v24, vm0, $0xb8;
	[tilespmem:$0x1EC00] =	vst v63  }
0x56: {  	s19 =	simm.s32 $0x10A00  }
0x57: {  	[tilespmem:s19], [sflag:$0x2] =	stream.indirect_vreg.gather [hbm4b:s1+s7], $0x80, v23, vm0, $0xb8;
	[tilespmem:$0x1EC00] =	vst v63  }
0x58: {  	s20 =	simm.s32 $0x11200  }
0x59: {  	[tilespmem:s20], [sflag:$0x2] =	stream.indirect_vreg.gather [hbm4b:s13+s7], $0x80, v23, vm0, $0xb8;
	[tilespmem:$0x1EC00] =	vst v63  }
0x5a: {  	s21 =	simm.s32 $0x11A00  }
0x5b: {  	[tilespmem:s21], [sflag:$0x2] =	stream.indirect_vreg.gather [hbm4b:s14+s7], $0x80, v23, vm0, $0xb8;
	[tilespmem:$0x1EC00] =	vst v63  }
0x5c: {  	v23 =	vld [tilespmem:$0x100];
	_ =	sdelay $0x4  }
0x5d: {  	v60 =	vshrl.u32 v23, $0x3  }
0x5e: {  	v24 =	vmul.u32 $0x30, v60  }
0x5f: {  	v23 =	vand.u32 $0x7, v23  }
0x60: {  	v23 =	vor.u32 v23, v24  }
0x61: {  	v24 =	vperm.xlane v23, v0;
	_ =	sdelay $0x1  }
0x62: {  	v24 =	vadd.s32 v1, v24;
	_ =	sdelay $0x3  }
0x63: {  	s23 =	simm.s32 $0x12200;
	v23 =	vperm.xlane v23, v2  }
0x64: {  	[tilespmem:s23], [sflag:$0x3] =	stream.indirect_vreg.gather [hbm4b:s1+s7], $0x80, v24, vm0, $0xb8;
	[tilespmem:$0x1EC00] =	vst v63  }
0x65: {  	s24 =	simm.s32 $0x12A00;
	v23 =	vadd.s32 v1, v23  }
0x66: {  	[tilespmem:s24], [sflag:$0x3] =	stream.indirect_vreg.gather [hbm4b:s13+s7], $0x80, v24, vm0, $0xb8;
	[tilespmem:$0x1EC00] =	vst v63  }
0x67: {  	s25 =	simm.s32 $0x13200  }
0x68: {  	[tilespmem:s25], [sflag:$0x3] =	stream.indirect_vreg.gather [hbm4b:s14+s7], $0x80, v24, vm0, $0xb8;
	[tilespmem:$0x1EC00] =	vst v63  }
0x69: {  	s26 =	simm.s32 $0x13A00  }
0x6a: {  	[tilespmem:s26], [sflag:$0x3] =	stream.indirect_vreg.gather [hbm4b:s1+s7], $0x80, v23, vm0, $0xb8;
	[tilespmem:$0x1EC00] =	vst v63  }
0x6b: {  	s28 =	simm.s32 $0x14200  }
0x6c: {  	[tilespmem:s28], [sflag:$0x3] =	stream.indirect_vreg.gather [hbm4b:s13+s7], $0x80, v23, vm0, $0xb8;
	[tilespmem:$0x1EC00] =	vst v63  }
0x6d: {  	s29 =	simm.s32 $0x14A00  }
0x6e: {  	[tilespmem:s29], [sflag:$0x3] =	stream.indirect_vreg.gather [hbm4b:s14+s7], $0x80, v23, vm0, $0xb8;
	[tilespmem:$0x1EC00] =	vst v63  }
0x6f: {  	v23 =	vld [tilespmem:$0x180];
	_ =	sdelay $0x4  }
0x70: {  	v61 =	vshrl.u32 v23, $0x3  }
0x71: {  	v24 =	vmul.u32 $0x30, v61  }
0x72: {  	v23 =	vand.u32 $0x7, v23  }
0x73: {  	v23 =	vor.u32 v23, v24  }
0x74: {  	v24 =	vperm.xlane v23, v0;
	_ =	sdelay $0x1  }
0x75: {  	v24 =	vadd.s32 v1, v24;
	_ =	sdelay $0x3  }
0x76: {  	s30 =	simm.s32 $0x15200;
	v23 =	vperm.xlane v23, v2  }
0x77: {  	[tilespmem:s30], [sflag:$0x4] =	stream.indirect_vreg.gather [hbm4b:s1+s7], $0x80, v24, vm0, $0xb8;
	[tilespmem:$0x1EC00] =	vst v63  }
0x78: {  	s3 =	simm.s32 $0x15A00;
	v23 =	vadd.s32 v1, v23  }
0x79: {  	[tilespmem:s3], [sflag:$0x4] =	stream.indirect_vreg.gather [hbm4b:s13+s7], $0x80, v24, vm0, $0xb8;
	[tilespmem:$0x1EC00] =	vst v63  }
0x7a: {  	s8 =	simm.s32 $0x16200  }
0x7b: {  	[tilespmem:s8], [sflag:$0x4] =	stream.indirect_vreg.gather [hbm4b:s14+s7], $0x80, v24, vm0, $0xb8;
	[tilespmem:$0x1EC00] =	vst v63  }
0x7c: {  	s9 =	simm.s32 $0x16A00  }
0x7d: {  	[tilespmem:s9], [sflag:$0x4] =	stream.indirect_vreg.gather [hbm4b:s1+s7], $0x80, v23, vm0, $0xb8;
	[tilespmem:$0x1EC00] =	vst v63  }
0x7e: {  	s10 =	simm.s32 $0x17200  }
0x7f: {  	[tilespmem:s10], [sflag:$0x4] =	stream.indirect_vreg.gather [hbm4b:s13+s7], $0x80, v23, vm0, $0xb8;
	[tilespmem:$0x1EC00] =	vst v63  }
0x80: {  	s11 =	simm.s32 $0x17A00  }
0x81: {  	[tilespmem:s11], [sflag:$0x4] =	stream.indirect_vreg.gather [hbm4b:s14+s7], $0x80, v23, vm0, $0xb8;
	[tilespmem:$0x1EC00] =	vst v63  }
0x82: {  	v23 =	vld [tilespmem:$0x10];
	_ =	sdelay $0x4  }
0x83: {  	v62 =	vshrl.u32 v23, $0x3  }
0x84: {  	v24 =	vmul.u32 $0x30, v62  }
0x85: {  	v23 =	vand.u32 $0x7, v23  }
0x86: {  	v23 =	vor.u32 v23, v24  }
0x87: {  	v24 =	vperm.xlane v23, v0;
	_ =	sdelay $0x1  }
0x88: {  	v24 =	vadd.s32 v1, v24;
	_ =	sdelay $0x3  }
0x89: {  	s12 =	simm.s32 $0x18200;
	v23 =	vperm.xlane v23, v2  }
0x8a: {  	[tilespmem:s12], [sflag:$0x5] =	stream.indirect_vreg.gather [hbm4b:s1+s7], $0x80, v24, vm0, $0xb8;
	[tilespmem:$0x1EC00] =	vst v63  }
0x8b: {  	s15 =	simm.s32 $0x18A00;
	v23 =	vadd.s32 v1, v23  }
0x8c: {  	[tilespmem:s15], [sflag:$0x5] =	stream.indirect_vreg.gather [hbm4b:s13+s7], $0x80, v24, vm0, $0xb8;
	[tilespmem:$0x1EC00] =	vst v63  }
0x8d: {  	s16 =	simm.s32 $0x19200  }
0x8e: {  	[tilespmem:s16], [sflag:$0x5] =	stream.indirect_vreg.gather [hbm4b:s14+s7], $0x80, v24, vm0, $0xb8;
	[tilespmem:$0x1EC00] =	vst v63  }
0x8f: {  	s17 =	simm.s32 $0x19A00  }
0x90: {  	[tilespmem:s17], [sflag:$0x5] =	stream.indirect_vreg.gather [hbm4b:s1+s7], $0x80, v23, vm0, $0xb8;
	[tilespmem:$0x1EC00] =	vst v63  }
0x91: {  	s18 =	simm.s32 $0x1A200  }
0x92: {  	[tilespmem:s18], [sflag:$0x5] =	stream.indirect_vreg.gather [hbm4b:s13+s7], $0x80, v23, vm0, $0xb8;
	[tilespmem:$0x1EC00] =	vst v63  }
0x93: {  	s19 =	simm.s32 $0x1AA00  }
0x94: {  	[tilespmem:s19], [sflag:$0x5] =	stream.indirect_vreg.gather [hbm4b:s14+s7], $0x80, v23, vm0, $0xb8;
	[tilespmem:$0x1EC00] =	vst v63  }
0x95: {  	v23 =	vld [tilespmem:$0x90];
	_ =	sdelay $0x4  }
0x96: {  	v63 =	vshrl.u32 v23, $0x3  }
0x97: {  	v24 =	vmul.u32 $0x30, v63  }
0x98: {  	v23 =	vand.u32 $0x7, v23  }
0x99: {  	v23 =	vor.u32 v23, v24  }
0x9a: {  	v24 =	vperm.xlane v23, v0;
	_ =	sdelay $0x1  }
0x9b: {  	v24 =	vadd.s32 v1, v24;
	_ =	sdelay $0x3  }
0x9c: {  	s20 =	simm.s32 $0x1B200;
	v23 =	vperm.xlane v23, v2  }
0x9d: {  	[tilespmem:s20], [sflag:$0x6] =	stream.indirect_vreg.gather [hbm4b:s1+s7], $0x80, v24, vm0, $0xb8;
	[tilespmem:$0x1EC00] =	vst v63  }
0x9e: {  	s21 =	simm.s32 $0x1BA00;
	v23 =	vadd.s32 v1, v23  }
0x9f: {  	[tilespmem:s21], [sflag:$0x6] =	stream.indirect_vreg.gather [hbm4b:s13+s7], $0x80, v24, vm0, $0xb8;
	[tilespmem:$0x1EC00] =	vst v63  }
0xa0: {  	s23 =	simm.s32 $0x1C200  }
0xa1: {  	[tilespmem:s23], [sflag:$0x6] =	stream.indirect_vreg.gather [hbm4b:s14+s7], $0x80, v24, vm0, $0xb8;
	[tilespmem:$0x1EC00] =	vst v63  }
0xa2: {  	s24 =	simm.s32 $0x1CA00  }
0xa3: {  	[tilespmem:s24], [sflag:$0x6] =	stream.indirect_vreg.gather [hbm4b:s1+s7], $0x80, v23, vm0, $0xb8;
	[tilespmem:$0x1EC00] =	vst v63  }
0xa4: {  	s25 =	simm.s32 $0x1D200  }
0xa5: {  	[tilespmem:s25], [sflag:$0x6] =	stream.indirect_vreg.gather [hbm4b:s13+s7], $0x80, v23, vm0, $0xb8;
	[tilespmem:$0x1EC00] =	vst v63  }
0xa6: {  	s26 =	simm.s32 $0x1DA00;
	s28 =	simm.s32 $0xD  }
0xa7: {  	[tilespmem:s26], [sflag:$0x6] =	stream.indirect_vreg.gather [hbm4b:s14+s7], $0x80, v23, vm0, $0xb8;
	[tilespmem:$0x1EC00] =	vst v63  }
0xa8: {  	_ =	swait.ge [sflag:s28], $0xC000  }
0xa9: {  	[sflag:s28] =	ssyncset.done $0x0  }
0xaa: {  	s29 =	simm.s32 $0xF;
	[sflag:s28] =	ssyncadd.s32 $0xFFFF4000  }
0xab: {  	_ =	swait.ge [sflag:s29], $0x300  }
0xac: {  	[sflag:s29] =	ssyncset.done $0x0  }
0xad: {  	s30 =	simm.s32 $0x10;
	[sflag:s29] =	ssyncadd.s32 $0xFFFFFD00  }
0xae: {  	_ =	swait.ge [sflag:s30], $0x300  }
0xaf: {  	s2 =	simm.s32 $0x0;
	[sflag:s30] =	ssyncset.done $0x0  }
0xb0: {  	s3 =	simm.s32 $0x0;
	s16 =	simm.s32 $0x0;
	[sflag:s30] =	ssyncadd.s32 $0xFFFFFD00  }
.LBB2_2:
0xb1: {  	s8 =	smul.u32 $0xAB, s16;
	_ =	sdelay $0x1  }
0xb2: {  	s8 =	sshrl.u32 s8, $0xA  }
0xb3: {  	s8 =	sand.u32 $0x3F, s8  }
0xb4: {  	s8 =	smul.u32 $0x6, s8  }
0xb5: {  	s9 =	smulhi.u32 $0xAAAAAAAB, s16  }
0xb6: {  	s8 =	ssub.s32 s16, s8  }
0xb7: {  	s30 =	sshll.u32 s16, $0x2;
	s9 =	sshrl.u32 s9, $0x2;
	s17 =	sand.u32 $0xFF, s8  }
0xb8: {  	s20 =	sand.u32 $0xFFFFFFF0, s2;
	s9 =	smul.u32 $0x60, s9;
	s8 =	sadd.s32 $0x1, s17  }
0xb9: {  	s11 =	simm.s32 $0x0;
	s19 =	sand.u32 $0x30, s30;
	_ =	swait.ge [sflag:s8], $0x3000  }
0xba: {  	s18 =	ssub.s32 s3, s9;
	s9 =	smov.u32 s20;
	[sflag:s8] =	ssyncset.done $0x0  }
0xbb: {  	s10 =	smov.u32 s18;
	[sflag:s8] =	ssyncadd.s32 $0xFFFFD000;
	s8 =	simm.s32 $0x0  }
.LBB2_3:
0xbc: {  	s12 =	sshrl.u32 s9, $0x3  }
0xbd: {  	s15 =	sshll.u32 s8, $0xA;
	s12 =	smul.u32 $0x6000, s12  }
0xbe: {  	s15 =	sand.u32 $0xC00, s15  }
0xbf: {  	s12 =	sor.u32 s15, s12  }
0xc0: {  	s21 =	sshrl.u32 s10, $0x3;
	s12 =	sshra.s32 s12, $0x2  }
0xc1: {  	s21 =	smul.u32 $0x6000, s21;
	s12 =	sadd.s32 $0x280, s12  }
0xc2: {  	v23 =	vmov s12  }
0xc3: {  	s15 =	sor.u32 s15, s21  }
0xc4: {  	s30 =	sshra.s32 s15, $0x2  }
0xc5: {  	s12 =	sadd.s32 $0xC2F0, s30  }
0xc6: {  	v24 =	vmov s12;
	s12 =	simm.s32 $0x0  }
0xc7: {  	v28 =	vld.idx.msk [tilespmem:v23+s12+$0x70 ss:$0x1], $0xffff  }
0xc8: {  	v29 =	vld.idx.msk [tilespmem:v23+s12+$0x50 ss:$0x1], $0xffff  }
0xc9: {  	v26 =	vld.idx.msk [tilespmem:v23+s12+$0x30 ss:$0x1], $0xffff  }
0xca: {  	v31 =	vld.idx.msk [tilespmem:v23+s12+$0xFFFFFFB0 ss:$0x1], $0xffff  }
0xcb: {  	v25 =	vld.idx.msk [tilespmem:v23+s12+$0x20 ss:$0x1], $0xffff  }
0xcc: {  	v33 =	vld.idx.msk [tilespmem:v23+s12+$0x40 ss:$0x1], $0xffff  }
0xcd: {  	v36 =	vld.idx.msk [tilespmem:v23+s12+$0x10 ss:$0x1], $0xffff  }
0xce: {  	v38 =	vld.idx.msk [tilespmem:v23+s12+$0xFFFFFF90 ss:$0x1], $0xffff  }
0xcf: {  	v40 =	vld.idx.msk [tilespmem:v23+s12+$0x0 ss:$0x1], $0xffff  }
0xd0: {  	v57 =	vld.idx.msk [tilespmem:v23+s12+$0xFFFFFF80 ss:$0x1], $0xffff  }
0xd1: {  	v50 =	vld.idx.msk [tilespmem:v23+s12+$0xFFFFFFC0 ss:$0x1], $0xffff  }
0xd2: {  	v30 =	vld.idx.msk [tilespmem:v24+s12+$0xFFFFFFC0 ss:$0x1], $0xffff  }
0xd3: {  	v32 =	vld.idx.msk [tilespmem:v24+s12+$0xFFFFFF40 ss:$0x1], $0xffff  }
0xd4: {  	v27 =	vld.idx.msk [tilespmem:v24+s12+$0xFFFFFFB0 ss:$0x1], $0xffff  }
0xd5: {  	v34 =	vld.idx.msk [tilespmem:v24+s12+$0xFFFFFFD0 ss:$0x1], $0xffff  }
0xd6: {  	v37 =	vld.idx.msk [tilespmem:v24+s12+$0xFFFFFFA0 ss:$0x1], $0xffff  }
0xd7: {  	v39 =	vld.idx.msk [tilespmem:v24+s12+$0xFFFFFF20 ss:$0x1], $0xffff  }
0xd8: {  	v41 =	vld.idx.msk [tilespmem:v24+s12+$0xFFFFFF90 ss:$0x1], $0xffff  }
0xd9: {  	v42 =	vld.idx.msk [tilespmem:v24+s12+$0xFFFFFF10 ss:$0x1], $0xffff  }
0xda: {  	v43 =	vld.idx.msk [tilespmem:v24+s12+$0xFFFFFFE0 ss:$0x1], $0xffff  }
0xdb: {  	v46 =	vld.idx.msk [tilespmem:v24+s12+$0x0 ss:$0x1], $0xffff  }
0xdc: {  	v49 =	vld.idx.msk [tilespmem:v24+s12+$0xFFFFFF50 ss:$0x1], $0xffff;
	v25 =	vadd.f32 v25, v27  }
0xdd: {  	v36 =	vadd.f32 v36, v37;
	v31 =	vadd.f32 v31, v32  }
0xde: {  	v58 =	vadd.f32 v38, v39;
	v30 =	vadd.f32 v26, v30  }
0xdf: {  	v40 =	vadd.f32 v40, v41;
	v51 =	vadd.f32 v29, v43  }
0xe0: {  	v29 =	vadd.f32 v33, v34;
	v41 =	vadd.f32 v57, v42  }
0xe1: {  	v60 =	vld.idx.msk [tilespmem:v23+s12+$0xFFFFFFA0 ss:$0x1], $0xffff;
	v27 =	vimm.f32 $0.0e+00;
	v46 =	vadd.f32 v28, v46;
	v32 =	vadd.f32 v50, v49  }
0xe2: {  	v35 =	vld.idx.msk [tilespmem:v24+s12+$0xFFFFFF30 ss:$0x1], $0xffff;
	v28 =	vimm.f32 $0.0e+00;
	v44 =	vmul.f32 v25, v25;
	v59 =	vmul.f32 v36, v36  }
0xe3: {  	v38 =	vld.idx.msk [tilespmem:v23+s12+$0xFFFFFFD0 ss:$0x1], $0xffff;
	v36 =	vadd.f32 v36, v27;
	v26 =	vmul.f32 v31, v31;
	v47 =	vadd.f32 v58, v27  }
0xe4: {  	v37 =	vld.idx.msk [tilespmem:v24+s12+$0xFFFFFFF0 ss:$0x1], $0xffff;
	v48 =	vmul.f32 v30, v30;
	v61 =	vmul.f32 v40, v40;
	v33 =	vadd.f32 v40, v27  }
0xe5: {  	v39 =	vld.idx.msk [tilespmem:v24+s12+$0xFFFFFF70 ss:$0x1], $0xffff;
	v43 =	vmul.f32 v51, v51;
	v45 =	vadd.f32 v59, v27;
	v52 =	vadd.f32 v30, v36  }
0xe6: {  	v34 =	vmul.f32 v29, v29;
	v36 =	vld.idx.msk [tilespmem:v24+s12+$0xFFFFFF60 ss:$0x1], $0xffff;
	v63 =	vadd.f32 v61, v27;
	v47 =	vadd.f32 v31, v47  }
0xe7: {  	v42 =	vld.idx.msk [tilespmem:v24+s12+$0xFFFFFF80 ss:$0x1], $0xffff;
	v30 =	vmul.f32 v58, v58;
	v62 =	vadd.f32 v48, v45;
	v45 =	vadd.f32 v60, v35  }
0xe8: {  	v40 =	vld.idx.msk [tilespmem:v23+s12+$0x60 ss:$0x1], $0xffff;
	v31 =	vimm.f32 $0.0e+00;
	v48 =	vmul.f32 v41, v41;
	v50 =	vadd.f32 v51, v52  }
0xe9: {  	s15 =	simm.s32 $0x1000;
	v35 =	vadd.f32 v43, v62;
	v43 =	vadd.f32 v44, v63;
	v44 =	vld.idx.msk [tilespmem:v23+s12+$0xFFFFFFE0 ss:$0x1], $0xffff;
	v49 =	vmul.f32 v45, v45  }
.LBB2_4:
0xea: {  	p0 =	sne.s32 s15, $0x5000;
	v27 =	vadd.f32 v41, v27;
	v31 =	vadd.f32 v48, v31;
	v41 =	vld.idx.msk [tilespmem:v23+s12+$0xFFFFFFF0 ss:$0x1], $0xffff;
	s12 =	sshra.s32 s15, $0x2;
	s15 =	sadd.s32 $0x1000, s15;
	v48 =	vmul.f32 v46, v46  }
0xeb: {  	v36 =	vadd.f32 v38, v36;
	v51 =	vld.idx.msk [tilespmem:v23+s12+$0x70 ss:$0x1], $0xffff;
	v38 =	vadd.f32 v46, v50  }
0xec: {  	v46 =	vld.idx.msk [tilespmem:v23+s12+$0x50 ss:$0x1], $0xffff;
	v27 =	vadd.f32 v45, v27;
	v31 =	vadd.f32 v49, v31;
	v45 =	vmul.f32 v32, v32  }
0xed: {  	v37 =	vadd.f32 v40, v37;
	v47 =	vadd.f32 v36, v47;
	v36 =	vmul.f32 v36, v36;
	v49 =	vld.idx.msk [tilespmem:v23+s12+$0x30 ss:$0x1], $0xffff  }
0xee: {  	v34 =	vadd.f32 v34, v43;
	v39 =	vadd.f32 v44, v39;
	v40 =	vld.idx.msk [tilespmem:v24+s12+$0xFFFFFFC0 ss:$0x1], $0xffff  }
0xef: {  	v25 =	vadd.f32 v25, v33;
	v35 =	vadd.f32 v48, v35;
	v33 =	vmul.f32 v37, v37;
	v43 =	vld.idx.msk [tilespmem:v23+s12+$0xFFFFFFB0 ss:$0x1], $0xffff  }
0xf0: {  	v28 =	vadd.f32 v30, v28;
	v30 =	vadd.f32 v41, v42;
	v44 =	vld.idx.msk [tilespmem:v24+s12+$0xFFFFFF40 ss:$0x1], $0xffff  }
0xf1: {  	v25 =	vadd.f32 v29, v25;
	v31 =	vadd.f32 v45, v31;
	v29 =	vmul.f32 v39, v39;
	v41 =	vld.idx.msk [tilespmem:v23+s12+$0x20 ss:$0x1], $0xffff  }
0xf2: {  	v26 =	vadd.f32 v26, v28;
	v45 =	vadd.f32 v30, v47;
	v28 =	vmul.f32 v30, v30;
	v42 =	vld.idx.msk [tilespmem:v23+s12+$0x40 ss:$0x1], $0xffff  }
0xf3: {  	v27 =	vadd.f32 v32, v27;
	v32 =	vadd.f32 v37, v25;
	v30 =	vld.idx.msk [tilespmem:v24+s12+$0xFFFFFFB0 ss:$0x1], $0xffff  }
0xf4: {  	v25 =	vadd.f32 v36, v26;
	v31 =	vadd.f32 v29, v31;
	v37 =	vld.idx.msk [tilespmem:v24+s12+$0xFFFFFFD0 ss:$0x1], $0xffff  }
0xf5: {  	v27 =	vadd.f32 v39, v27;
	v39 =	vadd.f32 v33, v34;
	v47 =	vld.idx.msk [tilespmem:v24+s12+$0xFFFFFF30 ss:$0x1], $0xffff  }
0xf6: {  	v28 =	vadd.f32 v28, v25;
	v26 =	vld.idx.msk [tilespmem:v23+s12+$0x10 ss:$0x1], $0xffff  }
0xf7: {  	v29 =	vld.idx.msk [tilespmem:v24+s12+$0xFFFFFFA0 ss:$0x1], $0xffff  }
0xf8: {  	v33 =	vld.idx.msk [tilespmem:v23+s12+$0xFFFFFF90 ss:$0x1], $0xffff  }
0xf9: {  	v34 =	vld.idx.msk [tilespmem:v24+s12+$0xFFFFFF20 ss:$0x1], $0xffff  }
0xfa: {  	v36 =	vld.idx.msk [tilespmem:v23+s12+$0x0 ss:$0x1], $0xffff  }
0xfb: {  	v48 =	vld.idx.msk [tilespmem:v24+s12+$0xFFFFFF90 ss:$0x1], $0xffff  }
0xfc: {  	v25 =	vadd.f32 v41, v30;
	v50 =	vld.idx.msk [tilespmem:v24+s12+$0xFFFFFF10 ss:$0x1], $0xffff  }
0xfd: {  	v26 =	vadd.f32 v26, v29;
	v41 =	vld.idx.msk [tilespmem:v24+s12+$0xFFFFFFE0 ss:$0x1], $0xffff  }
0xfe: {  	v54 =	vadd.f32 v43, v44;
	v53 =	vmul.f32 v25, v25;
	v52 =	vld.idx.msk [tilespmem:v23+s12+$0xFFFFFF80 ss:$0x1], $0xffff  }
0xff: {  	v29 =	vadd.f32 v33, v34;
	v33 =	vmul.f32 v26, v26;
	v43 =	vld.idx.msk [tilespmem:v24+s12+$0x0 ss:$0x1], $0xffff  }
0x100: {  	v34 =	vadd.f32 v26, v38;
	v26 =	vmul.f32 v54, v54;
	v38 =	vadd.f32 v49, v40;
	v44 =	vld.idx.msk [tilespmem:v23+s12+$0xFFFFFFA0 ss:$0x1], $0xffff  }
0x101: {  	v55 =	vadd.f32 v29, v45;
	v30 =	vmul.f32 v29, v29;
	v35 =	vadd.f32 v33, v35;
	v49 =	vld.idx.msk [tilespmem:v24+s12+$0xFFFFFF50 ss:$0x1], $0xffff  }
0x102: {  	v33 =	vadd.f32 v36, v48;
	v40 =	vmul.f32 v38, v38;
	v29 =	vadd.f32 v42, v37;
	v56 =	vld.idx.msk [tilespmem:v23+s12+$0xFFFFFFC0 ss:$0x1], $0xffff  }
0x103: {  	v42 =	vadd.f32 v38, v34;
	v57 =	vadd.f32 v46, v41;
	v36 =	vld.idx.msk [tilespmem:v24+s12+$0xFFFFFF60 ss:$0x1], $0xffff  }
0x104: {  	v45 =	vmul.f32 v33, v33;
	v34 =	vmul.f32 v29, v29;
	v41 =	vadd.f32 v52, v50;
	v38 =	vld.idx.msk [tilespmem:v23+s12+$0xFFFFFFD0 ss:$0x1], $0xffff  }
.Ltmp0:
0x105: {  	v33 =	vadd.f32 v33, v32;
	v32 =	vadd.f32 v40, v35;
	v35 =	vmul.f32 v57, v57;
	v37 =	vld.idx.msk [tilespmem:v24+s12+$0xFFFFFFF0 ss:$0x1], $0xffff;
	(pc) =	sbr.rel @p0 .LBB2_4-.Ltmp0, $4  }
0x106: {  	v50 =	vadd.f32 v45, v39;
	v48 =	vmul.f32 v41, v41;
	v45 =	vadd.f32 v44, v47;
	v40 =	vld.idx.msk [tilespmem:v23+s12+$0x60 ss:$0x1], $0xffff  }
0x107: {  	v46 =	vadd.f32 v51, v43;
	v35 =	vadd.f32 v35, v32;
	v39 =	vld.idx.msk [tilespmem:v24+s12+$0xFFFFFF70 ss:$0x1], $0xffff  }
0x108: {  	v43 =	vadd.f32 v53, v50;
	v32 =	vadd.f32 v56, v49;
	v44 =	vld.idx.msk [tilespmem:v23+s12+$0xFFFFFFE0 ss:$0x1], $0xffff  }
0x109: {  	v47 =	vadd.f32 v54, v55;
	v50 =	vadd.f32 v57, v42;
	v49 =	vmul.f32 v45, v45;
	v42 =	vld.idx.msk [tilespmem:v24+s12+$0xFFFFFF80 ss:$0x1], $0xffff  }
0x10a: {  	v24 =	vadd.f32 v41, v27  }
0x10b: {  	v52 =	vadd.f32 v48, v31;
	v53 =	vadd.f32 v38, v36  }
0x10c: {  	v34 =	vadd.f32 v34, v43;
	v25 =	vadd.f32 v25, v33  }
0x10d: {  	v28 =	vadd.f32 v30, v28;
	v54 =	vadd.f32 v46, v50  }
0x10e: {  	v23 =	vld.idx.msk [tilespmem:v23+s12+$0xFFFFFFF0 ss:$0x1], $0xffff;
	v55 =	vmul.f32 v46, v46;
	v37 =	vadd.f32 v40, v37;
	v24 =	vadd.f32 v45, v24  }
0x10f: {  	v27 =	vadd.f32 v49, v52;
	v38 =	vadd.f32 v53, v47  }
0x110: {  	v56 =	vmul.f32 v32, v32;
	v57 =	vadd.f32 v55, v35;
	v26 =	vadd.f32 v26, v28  }
0x111: {  	v58 =	vmul.f32 v53, v53;
	v25 =	vadd.f32 v29, v25;
	v39 =	vadd.f32 v44, v39  }
0x112: {  	v61 =	vmul.f32 v37, v37;
	v27 =	vadd.f32 v56, v27;
	v24 =	vadd.f32 v32, v24  }
0x113: {  	v26 =	vadd.f32 v58, v26;
	v23 =	vadd.f32 v23, v42  }
0x114: {  	v25 =	vadd.f32 v37, v25;
	v59 =	vmul.f32 v39, v39;
	v62 =	vadd.f32 v61, v34  }
0x115: {  	s30 =	sshll.u32 s11, $0x5;
	s11 =	sadd.s32 $0x1, s11;
	v24 =	vadd.f32 v39, v24;
	v60 =	vadd.f32 v23, v38;
	v23 =	vmul.f32 v23, v23  }
0x116: {  	p0 =	sne.s32 s11, $0x8;
	v25 =	vadd.f32 v54, v25;
	v27 =	vadd.f32 v59, v27  }
.Ltmp1:
0x117: {  	v63 =	vadd.f32 v57, v62;
	v23 =	vadd.f32 v23, v26;
	(pc) =	sbr.rel @p0 .LBB2_3-.Ltmp1, $4  }
0x118: {  	[tilespmem:s30+$0x1E810] =	vst v25;
	v24 =	vadd.f32 v60, v24  }
0x119: {  	[tilespmem:s30+$0x1E910] =	vst v63;
	v23 =	vadd.f32 v23, v27  }
0x11a: {  	[tilespmem:s30+$0x1E800] =	vst v24  }
0x11b: {  	s10 =	sadd.s32 $0x2, s10;
	s8 =	sadd.s32 $0x1, s8;
	s9 =	sadd.s32 $0x2, s9;
	[tilespmem:s30+$0x1E900] =	vst v23  }
0x11c: {  	v23 =	vld [tilespmem:$0x1E800]  }
0x11d: {  	v24 =	vld [tilespmem:$0x1E810]  }
0x11e: {  	v25 =	vld [tilespmem:$0x1E820]  }
0x11f: {  	v26 =	vld [tilespmem:$0x1E830]  }
0x120: {  	v27 =	vld [tilespmem:$0x1E840]  }
0x121: {  	v28 =	vld [tilespmem:$0x1E850]  }
0x122: {  	v29 =	vld [tilespmem:$0x1E860]  }
0x123: {  	v30 =	vld [tilespmem:$0x1E870]  }
0x124: {  	v31 =	vld [tilespmem:$0x1E880]  }
0x125: {  	v32 =	vld [tilespmem:$0x1E890]  }
0x126: {  	v35 =	vld [tilespmem:$0x1E8A0]  }
0x127: {  	v38 =	vld [tilespmem:$0x1E8B0];
	v33 =	vperm.xlane v24, v3  }
0x128: {  	v56 =	vld [tilespmem:$0x1E8F0];
	v34 =	vperm.xlane v23, v3;
	v36 =	vperm.xlane v26, v3  }
0x129: {  	v52 =	vld [tilespmem:$0x1E8E0];
	v37 =	vperm.xlane v25, v3;
	v46 =	vperm.xlane v28, v3  }
0x12a: {  	v48 =	vperm.xlane v27, v3;
	v54 =	vperm.xlane v30, v3  }
0x12b: {  	v55 =	vperm.xlane v29, v3;
	v57 =	vperm.xlane v32, v3  }
0x12c: {  	v39 =	vperm.xlane v31, v3;
	v59 =	vperm.xlane v38, v3  }
0x12d: {  	v49 =	vld [tilespmem:$0x1E8D0];
	v61 =	vperm.xlane v35, v3;
	v40 =	vperm.xlane v56, v3  }
0x12e: {  	v47 =	vld [tilespmem:$0x1E8C0];
	v41 =	vperm.xlane v52, v3;
	v23 =	vsel vm1, v23, v33;
	v24 =	vsel vm1, v34, v24  }
0x12f: {  	v25 =	vsel vm1, v25, v36;
	v26 =	vsel vm1, v37, v26;
	v51 =	vsel vm1, v27, v46  }
0x130: {  	v45 =	vld [tilespmem:$0x1E910];
	v53 =	vsel vm1, v48, v28;
	v28 =	vsel vm1, v29, v54;
	v58 =	vsel vm1, v55, v30  }
0x131: {  	v27 =	vsel vm1, v31, v57;
	v60 =	vsel vm1, v39, v32;
	v62 =	vsel vm1, v35, v59  }
0x132: {  	v63 =	vsel vm1, v61, v38;
	v38 =	vperm.xlane v49, v3;
	v23 =	vadd.f32 v24, v23  }
0x133: {  	v39 =	vperm.xlane v47, v3;
	v35 =	vld [tilespmem:$0x1E900];
	v50 =	vadd.f32 v26, v25;
	v25 =	vadd.f32 v53, v51  }
0x134: {  	v43 =	vsel vm1, v41, v56;
	v30 =	vld [tilespmem:$0x1E920];
	v28 =	vadd.f32 v58, v28;
	v27 =	vadd.f32 v60, v27  }
0x135: {  	v48 =	vld [tilespmem:$0x1E930];
	v29 =	vadd.f32 v63, v62;
	v26 =	vsel vm1, v52, v40;
	v60 =	vperm.xlane v45, v3  }
0x136: {  	v56 =	vld [tilespmem:$0x1E960];
	v31 =	vsel vm1, v47, v38;
	v32 =	vsel vm1, v39, v49;
	v42 =	vperm.xlane v50, v4  }
0x137: {  	v41 =	vld [tilespmem:$0x1E9B0];
	v26 =	vadd.f32 v43, v26;
	v44 =	vperm.xlane v23, v4;
	v46 =	vperm.xlane v28, v4  }
0x138: {  	v51 =	vld [tilespmem:$0x1E940];
	v31 =	vadd.f32 v32, v31;
	v47 =	vperm.xlane v25, v4;
	v49 =	vperm.xlane v29, v4  }
0x139: {  	v53 =	vld [tilespmem:$0x1E950];
	v52 =	vperm.xlane v26, v4;
	v23 =	vsel vm2, v23, v42;
	v24 =	vsel vm2, v44, v50  }
0x13a: {  	v63 =	vld [tilespmem:$0x1E990];
	v50 =	vperm.xlane v27, v4;
	v25 =	vsel vm2, v25, v46;
	v55 =	vperm.xlane v31, v4  }
0x13b: {  	v28 =	vsel vm2, v47, v28;
	v61 =	vperm.xlane v35, v3;
	v40 =	vperm.xlane v48, v3  }
0x13c: {  	v58 =	vld [tilespmem:$0x1E970];
	v44 =	vperm.xlane v30, v3;
	v43 =	vperm.xlane v41, v3;
	v23 =	vadd.f32 v24, v23  }
0x13d: {  	v24 =	vsel vm2, v27, v49;
	v25 =	vadd.f32 v28, v25;
	v57 =	vsel vm2, v31, v52  }
0x13e: {  	v31 =	vsel vm1, v35, v60;
	v46 =	vperm.xlane v53, v3;
	v47 =	vperm.xlane v51, v3  }
0x13f: {  	v59 =	vld [tilespmem:$0x1E980];
	v49 =	vperm.xlane v56, v3;
	v52 =	vperm.xlane v63, v3;
	v54 =	vsel vm2, v50, v29  }
0x140: {  	v26 =	vsel vm2, v55, v26;
	v32 =	vsel vm1, v61, v45;
	v30 =	vsel vm1, v30, v40  }
0x141: {  	v42 =	vld [tilespmem:$0x1E9D0];
	v34 =	vsel vm1, v44, v48;
	v48 =	vperm.xlane v58, v3;
	v24 =	vadd.f32 v54, v24  }
0x142: {  	v45 =	vld [tilespmem:$0x1E9A0];
	v26 =	vadd.f32 v26, v57;
	v62 =	vperm.xlane v25, v5;
	v31 =	vadd.f32 v32, v31  }
0x143: {  	v50 =	vld [tilespmem:$0x1E9C0];
	v30 =	vadd.f32 v34, v30;
	v32 =	vsel vm1, v51, v46;
	v33 =	vsel vm1, v47, v53  }
0x144: {  	v55 =	vld [tilespmem:$0x1E9E0];
	v28 =	vsel vm1, v49, v58;
	v54 =	vperm.xlane v59, v3;
	v51 =	vsel vm1, v56, v48  }
0x145: {  	v29 =	vsel vm1, v59, v52;
	v32 =	vadd.f32 v33, v32;
	v28 =	vadd.f32 v28, v51  }
0x146: {  	v53 =	vld [tilespmem:$0x1E9F0];
	v34 =	vsel vm1, v54, v63;
	v57 =	vperm.xlane v42, v3;
	v60 =	vperm.xlane v26, v5  }
0x147: {  	v27 =	vsel vm3, v23, v62;
	v23 =	vperm.xlane v23, v5;
	v44 =	vperm.xlane v30, v4  }
0x148: {  	v29 =	vadd.f32 v34, v29;
	v47 =	vperm.xlane v32, v4;
	v56 =	vperm.xlane v45, v3  }
0x149: {  	v36 =	vsel vm1, v45, v43;
	v59 =	vperm.xlane v50, v3;
	v62 =	vperm.xlane v55, v3  }
0x14a: {  	v37 =	vsel vm1, v50, v57;
	v45 =	vperm.xlane v31, v4;
	v46 =	vperm.xlane v28, v4  }
0x14b: {  	v31 =	vsel vm2, v31, v44;
	v23 =	vsel vm3, v23, v25;
	v61 =	vperm.xlane v53, v3  }
0x14c: {  	v49 =	vperm.xlane v29, v4;
	v35 =	vsel vm1, v56, v41;
	v63 =	vsel vm1, v62, v53  }
0x14d: {  	v58 =	vadd.f32 v35, v36;
	v35 =	vsel vm1, v59, v42;
	v33 =	vsel vm1, v55, v61  }
0x14e: {  	v28 =	vsel vm2, v47, v28;
	v35 =	vadd.f32 v35, v37;
	v33 =	vadd.f32 v63, v33  }
0x14f: {  	v30 =	vsel vm2, v45, v30;
	v32 =	vsel vm2, v32, v46;
	v48 =	vperm.xlane v58, v4  }
0x150: {  	v36 =	vsel vm3, v24, v60;
	v50 =	vperm.xlane v33, v4;
	v51 =	vperm.xlane v35, v4  }
0x151: {  	v30 =	vadd.f32 v30, v31;
	v28 =	vadd.f32 v28, v32;
	v52 =	vsel vm2, v49, v58  }
0x152: {  	v29 =	vsel vm2, v29, v48;
	v53 =	vsel vm2, v35, v50;
	v33 =	vsel vm2, v51, v33  }
0x153: {  	v24 =	vperm.xlane v24, v5;
	v54 =	vadd.f32 v52, v29;
	v55 =	vadd.f32 v33, v53  }
0x154: {  	v23 =	vadd.f32 v23, v27;
	v56 =	vperm.xlane v28, v5;
	v57 =	vperm.xlane v30, v5  }
0x155: {  	v24 =	vsel vm3, v24, v26;
	v59 =	vperm.xlane v54, v5;
	v58 =	vperm.xlane v55, v5  }
0x156: {  	v62 =	vperm.xlane v23, v6;
	v24 =	vadd.f32 v24, v36;
	v30 =	vsel vm3, v30, v56  }
0x157: {  	v28 =	vsel vm3, v57, v28;
	v61 =	vsel vm3, v59, v55;
	v25 =	vsel vm3, v54, v58  }
0x158: {  	v60 =	vperm.xlane v24, v6;
	v28 =	vadd.f32 v28, v30;
	v25 =	vadd.f32 v61, v25  }
0x159: {  	v24 =	vsel vm4, v62, v24  }
0x15a: {  	v23 =	vsel vm4, v23, v60;
	v63 =	vperm.xlane v28, v6;
	v26 =	vperm.xlane v25, v6  }
0x15b: {  	v23 =	vadd.f32 v24, v23  }
0x15c: {  	v25 =	vsel vm4, v63, v25;
	v30 =	vsel vm4, v28, v26  }
0x15d: {  	v23 =	vmul.f32 $1.302083370e-03, v23;
	v24 =	vadd.f32 v25, v30;
	_ =	sdelay $0x1  }
0x15e: {  	v31 =	vmul.f32 v23, v23;
	v24 =	vmul.f32 $1.302083370e-03, v24;
	_ =	sdelay $0x1  }
0x15f: {  	v24 =	vsub.f32 v24, v31;
	_ =	sdelay $0x1  }
0x160: {  	v24 =	vadd.f32 $9.999999740e-06, v24;
	_ =	sdelay $0x1  }
0x161: {  	v32 =	vshrl.u32 v24, $0x1;
	v24 =	vmul.f32 $5.000000000e-01, v24  }
0x162: {  	v25 =	vsub.s32 $0x5F3759DF, v32  }
0x163: {  	v33 =	vmul.f32 v25, v24;
	_ =	sdelay $0x1  }
0x164: {  	v26 =	vmul.f32 v25, v33;
	_ =	sdelay $0x1  }
0x165: {  	v26 =	vsub.f32 $1.500000000e+00, v26;
	_ =	sdelay $0x1  }
0x166: {  	v25 =	vmul.f32 v25, v26;
	_ =	sdelay $0x1  }
0x167: {  	v34 =	vperm.xlane v23, v8;
	v26 =	vmul.f32 v25, v24  }
0x168: {  	v36 =	vperm.xlane v23, v7  }
0x169: {  	v38 =	vperm.xlane v23, v9;
	[tilespmem:$0x1EA00] =	vst v34;
	v26 =	vmul.f32 v26, v25  }
0x16a: {  	v40 =	vperm.xlane v23, v10;
	[tilespmem:$0x1EA10] =	vst v36  }
0x16b: {  	v42 =	vperm.xlane v23, v11;
	[tilespmem:$0x1EA20] =	vst v38;
	v26 =	vsub.f32 $1.500000000e+00, v26  }
0x16c: {  	v44 =	vperm.xlane v23, v12;
	[tilespmem:$0x1EA30] =	vst v40  }
0x16d: {  	v46 =	vperm.xlane v23, v13;
	[tilespmem:$0x1EA40] =	vst v42;
	v25 =	vmul.f32 v26, v25  }
0x16e: {  	v48 =	vperm.xlane v23, v14;
	[tilespmem:$0x1EA50] =	vst v44  }
0x16f: {  	v50 =	vperm.xlane v23, v15;
	[tilespmem:$0x1EA60] =	vst v46;
	v24 =	vmul.f32 v25, v24  }
0x170: {  	v52 =	vperm.xlane v23, v16;
	[tilespmem:$0x1EA70] =	vst v48  }
0x171: {  	v54 =	vperm.xlane v23, v17;
	[tilespmem:$0x1EA80] =	vst v50;
	v24 =	vmul.f32 v24, v25  }
0x172: {  	v56 =	vperm.xlane v23, v18;
	[tilespmem:$0x1EA90] =	vst v52  }
0x173: {  	v58 =	vperm.xlane v23, v19;
	[tilespmem:$0x1EAA0] =	vst v54;
	v24 =	vsub.f32 $1.500000000e+00, v24  }
0x174: {  	v60 =	vperm.xlane v23, v20;
	[tilespmem:$0x1EAB0] =	vst v56  }
0x175: {  	v62 =	vperm.xlane v23, v21;
	[tilespmem:$0x1EAC0] =	vst v58;
	v24 =	vmul.f32 v24, v25  }
0x176: {  	v23 =	vperm.xlane v23, v22;
	[tilespmem:$0x1EAD0] =	vst v60  }
0x177: {  	[tilespmem:$0x1EAE0] =	vst v62;
	v35 =	vperm.xlane v24, v8  }
0x178: {  	[tilespmem:$0x1EAF0] =	vst v23;
	v37 =	vperm.xlane v24, v7  }
0x179: {  	v39 =	vperm.xlane v24, v9;
	[tilespmem:$0x1EB00] =	vst v35  }
0x17a: {  	v41 =	vperm.xlane v24, v10;
	[tilespmem:$0x1EB10] =	vst v37  }
0x17b: {  	v43 =	vperm.xlane v24, v11;
	[tilespmem:$0x1EB20] =	vst v39  }
0x17c: {  	v45 =	vperm.xlane v24, v12;
	[tilespmem:$0x1EB30] =	vst v41  }
0x17d: {  	v47 =	vperm.xlane v24, v13;
	[tilespmem:$0x1EB40] =	vst v43  }
0x17e: {  	v49 =	vperm.xlane v24, v14;
	[tilespmem:$0x1EB50] =	vst v45  }
0x17f: {  	v51 =	vperm.xlane v24, v15;
	[tilespmem:$0x1EB60] =	vst v47  }
0x180: {  	v53 =	vperm.xlane v24, v16;
	[tilespmem:$0x1EB70] =	vst v49  }
0x181: {  	v55 =	vperm.xlane v24, v17;
	[tilespmem:$0x1EB80] =	vst v51  }
0x182: {  	v57 =	vperm.xlane v24, v18;
	[tilespmem:$0x1EB90] =	vst v53  }
0x183: {  	v59 =	vperm.xlane v24, v19;
	[tilespmem:$0x1EBA0] =	vst v55  }
0x184: {  	v61 =	vperm.xlane v24, v20;
	[tilespmem:$0x1EBB0] =	vst v57  }
0x185: {  	v63 =	vperm.xlane v24, v21;
	[tilespmem:$0x1EBC0] =	vst v59  }
0x186: {  	v24 =	vperm.xlane v24, v22;
	[tilespmem:$0x1EBD0] =	vst v61  }
0x187: {  	[tilespmem:$0x1EBE0] =	vst v63  }
0x188: {  	s21 =	simm.s32 $0x0;
	s9 =	simm.s32 $0x0;
	[tilespmem:$0x1EBF0] =	vst v24  }
.LBB2_7:
0x189: {  	s8 =	sshrl.u32 s18, $0x3  }
0x18a: {  	s24 =	sshll.u32 s9, $0x7;
	s10 =	sshrl.u32 s20, $0x3;
	s8 =	smul.u32 $0x6000, s8  }
0x18b: {  	s12 =	sshll.u32 s9, $0xA;
	v34 =	vld [tilespmem:s24+$0x1E200];
	s15 =	smul.u32 $0x6000, s10  }
0x18c: {  	s23 =	sand.u32 $0x380, s21;
	v32 =	vld [tilespmem:s24+$0x1E210];
	s11 =	sadd.s32 $0xC200, s12;
	s8 =	sshra.s32 s8, $0x2  }
0x18d: {  	s10 =	sor.u32 $0x200, s12;
	v30 =	vld [tilespmem:s24+$0x1E220];
	s15 =	sshra.s32 s15, $0x2;
	s8 =	sadd.s32 s8, s11  }
0x18e: {  	v29 =	vld [tilespmem:s24+$0x1E230];
	s30 =	sadd.s32 s15, s10;
	s12 =	sadd.s32 s23, s8  }
0x18f: {  	s23 =	sadd.s32 s23, s30;
	v23 =	vld [tilespmem:s12+$0x0]  }
0x190: {  	v26 =	vld [tilespmem:s23+$0x0]  }
0x191: {  	v27 =	vld [tilespmem:s24+$0x1E240];
	s15 =	simm.s32 $0x1EA00  }
0x192: {  	v39 =	vld [tilespmem:s15+$0x0]  }
0x193: {  	v25 =	vld [tilespmem:s24+$0x1E250];
	s8 =	simm.s32 $0x1EB00  }
0x194: {  	v40 =	vld [tilespmem:s8+$0x0]  }
0x195: {  	v24 =	vld [tilespmem:s24+$0x1E260];
	v26 =	vadd.f32 v26, v23  }
0x196: {  	v38 =	vld [tilespmem:s24+$0x1E500]  }
0x197: {  	v37 =	vld [tilespmem:s24+$0x1E510];
	v26 =	vsub.f32 v26, v39  }
0x198: {  	v36 =	vld [tilespmem:s24+$0x1E520]  }
0x199: {  	v35 =	vld [tilespmem:s24+$0x1E530];
	v26 =	vmul.f32 v26, v40  }
0x19a: {  	v33 =	vld [tilespmem:s24+$0x1E540]  }
0x19b: {  	v31 =	vld [tilespmem:s24+$0x1E550];
	v26 =	vmul.f32 v26, v34  }
0x19c: {  	v28 =	vld [tilespmem:s24+$0x1E560]  }
0x19d: {  	v51 =	vld [tilespmem:s12+$0x10];
	v41 =	vadd.f32 v26, v38  }
0x19e: {  	v23 =	vld [tilespmem:s24+$0x1E270]  }
0x19f: {  	v26 =	vld [tilespmem:s24+$0x1E570];
	[tilespmem:s12+$0x0] =	vst v41  }
0x1a0: {  	v42 =	vld [tilespmem:s23+$0x10];
	_ =	sdelay $0x4  }
0x1a1: {  	v41 =	vadd.f32 v42, v51;
	_ =	sdelay $0x1  }
0x1a2: {  	v41 =	vsub.f32 v41, v39;
	_ =	sdelay $0x1  }
0x1a3: {  	v41 =	vmul.f32 v41, v40;
	_ =	sdelay $0x1  }
0x1a4: {  	v41 =	vmul.f32 v41, v32;
	_ =	sdelay $0x1  }
0x1a5: {  	v41 =	vadd.f32 v41, v37;
	_ =	sdelay $0x1  }
0x1a6: {  	v52 =	vld [tilespmem:s12+$0x20];
	[tilespmem:s12+$0x10] =	vst v41  }
0x1a7: {  	v53 =	vld [tilespmem:s23+$0x20];
	_ =	sdelay $0x4  }
0x1a8: {  	v41 =	vadd.f32 v53, v52;
	_ =	sdelay $0x1  }
0x1a9: {  	v41 =	vsub.f32 v41, v39;
	_ =	sdelay $0x1  }
0x1aa: {  	v41 =	vmul.f32 v41, v40;
	_ =	sdelay $0x1  }
0x1ab: {  	v41 =	vmul.f32 v41, v30;
	_ =	sdelay $0x1  }
0x1ac: {  	v41 =	vadd.f32 v41, v36;
	_ =	sdelay $0x1  }
0x1ad: {  	v54 =	vld [tilespmem:s12+$0x30];
	[tilespmem:s12+$0x20] =	vst v41  }
0x1ae: {  	v55 =	vld [tilespmem:s23+$0x30];
	_ =	sdelay $0x4  }
0x1af: {  	v41 =	vadd.f32 v55, v54;
	_ =	sdelay $0x1  }
0x1b0: {  	v41 =	vsub.f32 v41, v39;
	_ =	sdelay $0x1  }
0x1b1: {  	v41 =	vmul.f32 v41, v40;
	_ =	sdelay $0x1  }
0x1b2: {  	v41 =	vmul.f32 v41, v29;
	_ =	sdelay $0x1  }
0x1b3: {  	v41 =	vadd.f32 v41, v35;
	_ =	sdelay $0x1  }
0x1b4: {  	v56 =	vld [tilespmem:s12+$0x40];
	[tilespmem:s12+$0x30] =	vst v41  }
0x1b5: {  	v57 =	vld [tilespmem:s23+$0x40];
	_ =	sdelay $0x4  }
0x1b6: {  	v41 =	vadd.f32 v57, v56;
	_ =	sdelay $0x1  }
0x1b7: {  	v41 =	vsub.f32 v41, v39;
	_ =	sdelay $0x1  }
0x1b8: {  	v41 =	vmul.f32 v41, v40;
	_ =	sdelay $0x1  }
0x1b9: {  	v41 =	vmul.f32 v41, v27;
	_ =	sdelay $0x1  }
0x1ba: {  	v41 =	vadd.f32 v41, v33;
	_ =	sdelay $0x1  }
0x1bb: {  	v58 =	vld [tilespmem:s12+$0x50];
	[tilespmem:s12+$0x40] =	vst v41  }
0x1bc: {  	v59 =	vld [tilespmem:s23+$0x50];
	_ =	sdelay $0x4  }
0x1bd: {  	v41 =	vadd.f32 v59, v58;
	_ =	sdelay $0x1  }
0x1be: {  	v41 =	vsub.f32 v41, v39;
	_ =	sdelay $0x1  }
0x1bf: {  	v41 =	vmul.f32 v41, v40;
	_ =	sdelay $0x1  }
0x1c0: {  	v41 =	vmul.f32 v41, v25;
	_ =	sdelay $0x1  }
0x1c1: {  	v41 =	vadd.f32 v41, v31;
	_ =	sdelay $0x1  }
0x1c2: {  	v60 =	vld [tilespmem:s12+$0x60];
	[tilespmem:s12+$0x50] =	vst v41  }
0x1c3: {  	v61 =	vld [tilespmem:s23+$0x60];
	_ =	sdelay $0x4  }
0x1c4: {  	v41 =	vadd.f32 v61, v60;
	_ =	sdelay $0x1  }
0x1c5: {  	v41 =	vsub.f32 v41, v39;
	_ =	sdelay $0x1  }
0x1c6: {  	v41 =	vmul.f32 v41, v40;
	_ =	sdelay $0x1  }
0x1c7: {  	v41 =	vmul.f32 v41, v24;
	_ =	sdelay $0x1  }
0x1c8: {  	v41 =	vadd.f32 v41, v28;
	_ =	sdelay $0x1  }
0x1c9: {  	v62 =	vld [tilespmem:s12+$0x70];
	[tilespmem:s12+$0x60] =	vst v41  }
0x1ca: {  	v63 =	vld [tilespmem:s23+$0x70];
	_ =	sdelay $0x4  }
0x1cb: {  	v41 =	vadd.f32 v63, v62;
	_ =	sdelay $0x1  }
0x1cc: {  	v39 =	vsub.f32 v41, v39  }
0x1cd: {  	s23 =	sadd.s32 $0x1, s18  }
0x1ce: {  	s25 =	simm.s32 $0x80;
	s24 =	sadd.s32 $0x1, s20;
	s26 =	sshrl.u32 s23, $0x3;
	v39 =	vmul.f32 v39, v40  }
0x1cf: {  	s29 =	sshrl.u32 s24, $0x3;
	s28 =	smul.u32 $0x6000, s26;
	s26 =	simm.s32 $0x100  }
.LBB2_8:
0x1d0: {  	p0 =	sne.s32 s26, $0x780;
	s29 =	smul.u32 $0x6000, s29;
	v39 =	vmul.f32 v39, v23  }
0x1d1: {  	s28 =	sshra.s32 s28, $0x2  }
0x1d2: {  	s30 =	sand.u32 $0x380, s25;
	s25 =	sadd.s32 s28, s11;
	s28 =	sshra.s32 s29, $0x2;
	v39 =	vadd.f32 v39, v26  }
0x1d3: {  	s29 =	sadd.s32 s30, s25;
	s28 =	sadd.s32 s28, s10;
	s25 =	smov.u32 s26  }
0x1d4: {  	v41 =	vld [tilespmem:s29+$0x0];
	s28 =	sadd.s32 s30, s28;
	[tilespmem:s12+$0x70] =	vst v39;
	s12 =	smov.u32 s29  }
0x1d5: {  	s15 =	sadd.s32 $0x10, s15;
	v42 =	vld [tilespmem:s28+$0x0]  }
0x1d6: {  	s8 =	sadd.s32 $0x10, s8;
	v40 =	vld [tilespmem:s15+$0x0]  }
0x1d7: {  	v39 =	vld [tilespmem:s8+$0x0];
	_ =	sdelay $0x2  }
0x1d8: {  	v41 =	vadd.f32 v42, v41;
	_ =	sdelay $0x1  }
0x1d9: {  	v41 =	vsub.f32 v41, v40;
	_ =	sdelay $0x1  }
0x1da: {  	v41 =	vmul.f32 v41, v39;
	_ =	sdelay $0x1  }
0x1db: {  	v41 =	vmul.f32 v41, v34;
	_ =	sdelay $0x1  }
0x1dc: {  	v41 =	vadd.f32 v41, v38;
	_ =	sdelay $0x1  }
0x1dd: {  	[tilespmem:s12+$0x0] =	vst v41;
	v41 =	vld [tilespmem:s12+$0x10]  }
0x1de: {  	v42 =	vld [tilespmem:s28+$0x10];
	_ =	sdelay $0x4  }
0x1df: {  	v41 =	vadd.f32 v42, v41;
	_ =	sdelay $0x1  }
0x1e0: {  	v41 =	vsub.f32 v41, v40;
	_ =	sdelay $0x1  }
0x1e1: {  	v41 =	vmul.f32 v41, v39;
	_ =	sdelay $0x1  }
0x1e2: {  	v41 =	vmul.f32 v41, v32;
	_ =	sdelay $0x1  }
0x1e3: {  	v41 =	vadd.f32 v41, v37;
	_ =	sdelay $0x1  }
0x1e4: {  	[tilespmem:s12+$0x10] =	vst v41;
	v41 =	vld [tilespmem:s12+$0x20]  }
0x1e5: {  	v42 =	vld [tilespmem:s28+$0x20];
	_ =	sdelay $0x4  }
0x1e6: {  	v41 =	vadd.f32 v42, v41;
	_ =	sdelay $0x1  }
0x1e7: {  	v41 =	vsub.f32 v41, v40;
	_ =	sdelay $0x1  }
0x1e8: {  	v41 =	vmul.f32 v41, v39;
	_ =	sdelay $0x1  }
0x1e9: {  	v41 =	vmul.f32 v41, v30;
	_ =	sdelay $0x1  }
0x1ea: {  	v41 =	vadd.f32 v41, v36;
	_ =	sdelay $0x1  }
0x1eb: {  	[tilespmem:s12+$0x20] =	vst v41;
	v41 =	vld [tilespmem:s12+$0x30]  }
0x1ec: {  	v42 =	vld [tilespmem:s28+$0x30];
	_ =	sdelay $0x4  }
0x1ed: {  	v41 =	vadd.f32 v42, v41;
	_ =	sdelay $0x1  }
0x1ee: {  	v41 =	vsub.f32 v41, v40;
	_ =	sdelay $0x1  }
0x1ef: {  	v41 =	vmul.f32 v41, v39;
	_ =	sdelay $0x1  }
0x1f0: {  	v41 =	vmul.f32 v41, v29;
	_ =	sdelay $0x1  }
0x1f1: {  	v41 =	vadd.f32 v41, v35;
	_ =	sdelay $0x1  }
0x1f2: {  	[tilespmem:s12+$0x30] =	vst v41;
	v41 =	vld [tilespmem:s12+$0x40]  }
0x1f3: {  	v42 =	vld [tilespmem:s28+$0x40];
	_ =	sdelay $0x4  }
0x1f4: {  	v41 =	vadd.f32 v42, v41;
	_ =	sdelay $0x1  }
0x1f5: {  	v41 =	vsub.f32 v41, v40;
	_ =	sdelay $0x1  }
0x1f6: {  	v41 =	vmul.f32 v41, v39;
	_ =	sdelay $0x1  }
0x1f7: {  	v41 =	vmul.f32 v41, v27;
	_ =	sdelay $0x1  }
0x1f8: {  	v41 =	vadd.f32 v41, v33;
	_ =	sdelay $0x1  }
0x1f9: {  	[tilespmem:s12+$0x40] =	vst v41;
	v41 =	vld [tilespmem:s12+$0x50]  }
0x1fa: {  	v42 =	vld [tilespmem:s28+$0x50];
	_ =	sdelay $0x4  }
0x1fb: {  	v41 =	vadd.f32 v42, v41;
	_ =	sdelay $0x1  }
0x1fc: {  	v41 =	vsub.f32 v41, v40;
	_ =	sdelay $0x1  }
0x1fd: {  	v41 =	vmul.f32 v41, v39;
	_ =	sdelay $0x1  }
0x1fe: {  	v41 =	vmul.f32 v41, v25;
	_ =	sdelay $0x1  }
0x1ff: {  	v41 =	vadd.f32 v41, v31;
	_ =	sdelay $0x1  }
0x200: {  	[tilespmem:s12+$0x50] =	vst v41;
	v41 =	vld [tilespmem:s12+$0x60]  }
0x201: {  	v42 =	vld [tilespmem:s28+$0x60];
	_ =	sdelay $0x4  }
0x202: {  	v41 =	vadd.f32 v42, v41;
	_ =	sdelay $0x1  }
0x203: {  	v41 =	vsub.f32 v41, v40;
	_ =	sdelay $0x1  }
0x204: {  	v41 =	vmul.f32 v41, v39;
	_ =	sdelay $0x1  }
0x205: {  	v41 =	vmul.f32 v41, v24;
	_ =	sdelay $0x1  }
0x206: {  	v41 =	vadd.f32 v41, v28;
	_ =	sdelay $0x1  }
0x207: {  	[tilespmem:s12+$0x60] =	vst v41;
	v41 =	vld [tilespmem:s12+$0x70]  }
0x208: {  	v42 =	vld [tilespmem:s28+$0x70];
	_ =	sdelay $0x4  }
0x209: {  	v41 =	vadd.f32 v42, v41  }
.Ltmp2:
0x20a: {  	(pc) =	sbr.rel @p0 .LBB2_8-.Ltmp2, $4  }
0x20b: {  	v40 =	vsub.f32 v41, v40  }
0x20c: {  	s23 =	sadd.s32 $0x1, s23  }
0x20d: {  	s24 =	sadd.s32 $0x1, s24;
	s28 =	sshrl.u32 s23, $0x3;
	v39 =	vmul.f32 v40, v39  }
0x20e: {  	s26 =	sadd.s32 $0x80, s26;
	s29 =	sshrl.u32 s24, $0x3;
	s28 =	smul.u32 $0x6000, s28  }
0x20f: {  	s23 =	smul.u32 $0x6000, s29;
	v39 =	vmul.f32 v39, v23  }
0x210: {  	s24 =	sshra.s32 s28, $0x2  }
0x211: {  	s25 =	sand.u32 $0x380, s25;
	s11 =	sadd.s32 s24, s11;
	s23 =	sshra.s32 s23, $0x2;
	v39 =	vadd.f32 v39, v26  }
0x212: {  	s11 =	sadd.s32 s25, s11;
	s10 =	sadd.s32 s23, s10  }
0x213: {  	v40 =	vld [tilespmem:s11+$0x0];
	s10 =	sadd.s32 s25, s10;
	[tilespmem:s12+$0x70] =	vst v39  }
0x214: {  	v39 =	vld [tilespmem:s10+$0x0]  }
0x215: {  	s30 =	sadd.s32 $0x10, s15  }
0x216: {  	v41 =	vld [tilespmem:s30+$0x0]  }
0x217: {  	s8 =	sadd.s32 $0x10, s8  }
0x218: {  	v42 =	vld [tilespmem:s8+$0x0]  }
0x219: {  	v39 =	vadd.f32 v39, v40;
	_ =	sdelay $0x1  }
0x21a: {  	v39 =	vsub.f32 v39, v41;
	_ =	sdelay $0x1  }
0x21b: {  	v39 =	vmul.f32 v39, v42;
	_ =	sdelay $0x1  }
0x21c: {  	v34 =	vmul.f32 v39, v34;
	_ =	sdelay $0x1  }
0x21d: {  	v34 =	vadd.f32 v34, v38;
	_ =	sdelay $0x1  }
0x21e: {  	v50 =	vld [tilespmem:s11+$0x10];
	[tilespmem:s11+$0x0] =	vst v34  }
0x21f: {  	v51 =	vld [tilespmem:s10+$0x10];
	_ =	sdelay $0x4  }
0x220: {  	v34 =	vadd.f32 v51, v50;
	_ =	sdelay $0x1  }
0x221: {  	v34 =	vsub.f32 v34, v41;
	_ =	sdelay $0x1  }
0x222: {  	v34 =	vmul.f32 v34, v42;
	_ =	sdelay $0x1  }
0x223: {  	v32 =	vmul.f32 v34, v32;
	_ =	sdelay $0x1  }
0x224: {  	v32 =	vadd.f32 v32, v37;
	_ =	sdelay $0x1  }
0x225: {  	v52 =	vld [tilespmem:s11+$0x20];
	[tilespmem:s11+$0x10] =	vst v32  }
0x226: {  	v53 =	vld [tilespmem:s10+$0x20];
	_ =	sdelay $0x4  }
0x227: {  	v32 =	vadd.f32 v53, v52;
	_ =	sdelay $0x1  }
0x228: {  	v32 =	vsub.f32 v32, v41;
	_ =	sdelay $0x1  }
0x229: {  	v32 =	vmul.f32 v32, v42;
	_ =	sdelay $0x1  }
0x22a: {  	v30 =	vmul.f32 v32, v30;
	_ =	sdelay $0x1  }
0x22b: {  	v30 =	vadd.f32 v30, v36;
	_ =	sdelay $0x1  }
0x22c: {  	v54 =	vld [tilespmem:s11+$0x30];
	[tilespmem:s11+$0x20] =	vst v30  }
0x22d: {  	v55 =	vld [tilespmem:s10+$0x30];
	_ =	sdelay $0x4  }
0x22e: {  	v30 =	vadd.f32 v55, v54;
	_ =	sdelay $0x1  }
0x22f: {  	v30 =	vsub.f32 v30, v41;
	_ =	sdelay $0x1  }
0x230: {  	v30 =	vmul.f32 v30, v42;
	_ =	sdelay $0x1  }
0x231: {  	v29 =	vmul.f32 v30, v29;
	_ =	sdelay $0x1  }
0x232: {  	v29 =	vadd.f32 v29, v35;
	_ =	sdelay $0x1  }
0x233: {  	v56 =	vld [tilespmem:s11+$0x40];
	[tilespmem:s11+$0x30] =	vst v29  }
0x234: {  	v57 =	vld [tilespmem:s10+$0x40];
	_ =	sdelay $0x4  }
0x235: {  	v29 =	vadd.f32 v57, v56;
	_ =	sdelay $0x1  }
0x236: {  	v29 =	vsub.f32 v29, v41;
	_ =	sdelay $0x1  }
0x237: {  	v29 =	vmul.f32 v29, v42;
	_ =	sdelay $0x1  }
0x238: {  	v27 =	vmul.f32 v29, v27;
	_ =	sdelay $0x1  }
0x239: {  	v27 =	vadd.f32 v27, v33;
	_ =	sdelay $0x1  }
0x23a: {  	v58 =	vld [tilespmem:s11+$0x50];
	[tilespmem:s11+$0x40] =	vst v27  }
0x23b: {  	v59 =	vld [tilespmem:s10+$0x50];
	_ =	sdelay $0x4  }
0x23c: {  	v27 =	vadd.f32 v59, v58;
	_ =	sdelay $0x1  }
0x23d: {  	v27 =	vsub.f32 v27, v41;
	_ =	sdelay $0x1  }
0x23e: {  	v27 =	vmul.f32 v27, v42;
	_ =	sdelay $0x1  }
0x23f: {  	v25 =	vmul.f32 v27, v25;
	_ =	sdelay $0x1  }
0x240: {  	v25 =	vadd.f32 v25, v31;
	_ =	sdelay $0x1  }
0x241: {  	v60 =	vld [tilespmem:s11+$0x60];
	[tilespmem:s11+$0x50] =	vst v25  }
0x242: {  	v61 =	vld [tilespmem:s10+$0x60];
	_ =	sdelay $0x4  }
0x243: {  	v25 =	vadd.f32 v61, v60;
	_ =	sdelay $0x1  }
0x244: {  	v25 =	vsub.f32 v25, v41;
	_ =	sdelay $0x1  }
0x245: {  	v25 =	vmul.f32 v25, v42;
	_ =	sdelay $0x1  }
0x246: {  	v24 =	vmul.f32 v25, v24;
	_ =	sdelay $0x1  }
0x247: {  	v24 =	vadd.f32 v24, v28;
	_ =	sdelay $0x1  }
0x248: {  	v62 =	vld [tilespmem:s11+$0x70];
	[tilespmem:s11+$0x60] =	vst v24  }
0x249: {  	v63 =	vld [tilespmem:s10+$0x70];
	_ =	sdelay $0x4  }
0x24a: {  	v24 =	vadd.f32 v63, v62;
	_ =	sdelay $0x1  }
0x24b: {  	v24 =	vsub.f32 v24, v41;
	_ =	sdelay $0x1  }
0x24c: {  	s9 =	sadd.s32 $0x1, s9;
	v24 =	vmul.f32 v24, v42  }
0x24d: {  	p0 =	sne.s32 s9, $0x6  }
.Ltmp3:
0x24e: {  	v23 =	vmul.f32 v24, v23;
	(pc) =	sbr.rel @p0 .LBB2_7-.Ltmp3, $3  }
0x24f: {  	_ = 	snop  }
0x250: {  	v23 =	vadd.f32 v23, v26;
	_ =	sdelay $0x1  }
0x251: {  	[tilespmem:s11+$0x70] =	vst v23  }
0x252: {  	s8 =	sand.u32 $0x3, s16;
	s9 =	sor.u32 s6, s19  }
0x253: {  	s8 =	smul.u32 $0x180000, s8;
	s9 =	sshrl.u32 s9, $0x3  }
0x254: {  	s9 =	smul.u32 $0x1800, s9  }
0x255: {  	s10 =	smul.u32 $0xC000, s17  }
0x256: {  	s8 =	sadd.s32 s8, s9  }
0x257: {  	s29 =	sshrl.u32 s10, $0x2;
	s8 =	sshrl.u32 s8, $0x3  }
0x258: {  	s30 =	sadd.s32 $0x7, s17;
	s9 =	sadd.s32 $0xC200, s29;
	s8 =	sadd.s32 s5, s8  }
0x259: {  	[hbm4b:s8+s7] =	stream.linear.scatter [tilespmem:s9], [sflag:s30], $0x3000, $0x38;
	[tilespmem:$0x1EC00] =	vst v63  }
0x25a: {  	s8 =	sadd.s32 $0xFFFFFFFD, s16  }
0x25b: {  	p0 =	sgt.u32 s8, $0x9  }
0x25c: {  	p1 =	slt.u32 @!p0 s16, $0x9  }
0x25d: {  	s9 =	sadd.s32 @!p0 $0xFFFFFFF7, s16;
	p1 =	por !p1, p0  }
0x25e: {  	s8 =	smov.u32 @p1 s9  }
0x25f: {  	p1 =	slt.s32 @!p0 s8, $0x0  }
0x260: {  	s9 =	sadd.s32 @!p0 $0x6, s8;
	p1 =	por !p1, p0  }
0x261: {  	s9 =	smov.u32 @p1 s8  }
0x262: {  	s8 =	sadd.s32 @!p0 $0x3, s16;
	s9 =	sadd.s32 @!p0 $0x7, s9  }
0x263: {  	s10 =	sshll.u32 @!p0 s8, $0x2;
	s11 =	sshll.u32 @!p0 s8, $0x7;
	_ =	swait.ge @!p0 [sflag:s9], $0x3000  }
0x264: {  	s10 =	sand.u32 @!p0 $0x70, s10;
	s11 =	sand.u32 @!p0 $0x180, s11;
	[sflag:s9] =	ssyncset.done @!p0 $0x0  }
0x265: {  	[sflag:s9] =	ssyncadd.s32 @!p0 $0xFFFFD000;
	s9 =	sor.u32 @!p0 s10, s11  }
0x266: {  	v23 =	vld @!p0 [tilespmem:s9+$0x0];
	_ =	sdelay $0x3  }
0x267: {  	s9 =	smul.u32 @!p0 $0xAB, s8  }
0x268: {  	v24 =	vshrl.u32 @!p0 v23, $0x3  }
0x269: {  	s9 =	sshrl.u32 @!p0 s9, $0xA;
	v24 =	vmul.u32 @!p0 $0x30, v24  }
0x26a: {  	v25 =	vlaneseq.u32 @!p0;
	s9 =	sand.u32 @!p0 $0x3F, s9;
	v23 =	vand.u32 @!p0 $0x7, v23  }
0x26b: {  	v26 =	vshrl.u32 @!p0 v25, $0x3;
	s9 =	smul.u32 @!p0 $0x6, s9;
	v23 =	vor.u32 @!p0 v23, v24;
	v24 =	vand.u32 @!p0 $0x7, v25  }
0x26c: {  	v26 =	vmul.u32 @!p0 $0x8, v26;
	v24 =	vperm.xlane @!p0 v23, v24  }
0x26d: {  	s8 =	ssub.s32 @!p0 s8, s9  }
0x26e: {  	s8 =	sand.u32 @!p0 $0xFF, s8;
	v24 =	vadd.s32 @!p0 v26, v24  }
0x26f: {  	s9 =	smul.u32 @!p0 $0xC000, s8;
	_ =	sdelay $0x1  }
0x270: {  	v25 =	vor.u32 @!p0 $0x8, v25;
	s9 =	sshrl.u32 @!p0 s9, $0x2  }
0x271: {  	vm5 =	vmmov @!p0 $0xffff;
	s11 =	simm.s32 @!p0 $0x0;
	s8 =	sadd.s32 @!p0 $0x1, s8;
	v23 =	vperm.xlane @!p0 v23, v25;
	s10 =	sadd.s32 @!p0 $0xC200, s9  }
0x272: {  	[tilespmem:s10], [sflag:s8] =	stream.indirect_vreg.gather @!p0 [hbm4b:s1+s11], $0x80, v24, vm5, $0xb8;
	[tilespmem:$0x1EC00] =	vst v63  }
0x273: {  	v23 =	vadd.s32 @!p0 v26, v23;
	s10 =	sadd.s32 @!p0 $0xCA00, s9  }
0x274: {  	[tilespmem:s10], [sflag:s8] =	stream.indirect_vreg.gather @!p0 [hbm4b:s13+s11], $0x80, v24, vm5, $0xb8;
	[tilespmem:$0x1EC00] =	vst v63  }
0x275: {  	s10 =	sadd.s32 @!p0 $0xD200, s9  }
0x276: {  	[tilespmem:s10], [sflag:s8] =	stream.indirect_vreg.gather @!p0 [hbm4b:s14+s11], $0x80, v24, vm5, $0xb8;
	[tilespmem:$0x1EC00] =	vst v63  }
0x277: {  	s10 =	sadd.s32 @!p0 $0xDA00, s9  }
0x278: {  	[tilespmem:s10], [sflag:s8] =	stream.indirect_vreg.gather @!p0 [hbm4b:s1+s11], $0x80, v23, vm5, $0xb8;
	[tilespmem:$0x1EC00] =	vst v63  }
0x279: {  	s10 =	sadd.s32 @!p0 $0xE200, s9  }
0x27a: {  	[tilespmem:s10], [sflag:s8] =	stream.indirect_vreg.gather @!p0 [hbm4b:s13+s11], $0x80, v23, vm5, $0xb8;
	[tilespmem:$0x1EC00] =	vst v63  }
0x27b: {  	s16 =	sadd.s32 $0x1, s16;
	s9 =	sadd.s32 @!p0 $0xEA00, s9  }
0x27c: {  	[tilespmem:s9], [sflag:s8] =	stream.indirect_vreg.gather @!p0 [hbm4b:s14+s11], $0x80, v23, vm5, $0xb8;
	[tilespmem:$0x1EC00] =	vst v63  }
0x27d: {  	p0 =	sne.s32 s16, $0x10  }
.Ltmp4:
0x27e: {  	_ = 	snop;
	(pc) =	sbr.rel @p0 .LBB2_2-.Ltmp4, $2  }
0x27f: {  	_ =	sdelay $0x2  }
0x280: {  	s3 =	sadd.s32 $0x10, s3;
	s2 =	sadd.s32 $0x4, s2  }
0x281: {  	s2 =	simm.s32 $0xB  }
0x282: {  	_ =	swait.ge [sflag:s2], $0x3000  }
0x283: {  	[sflag:s2] =	ssyncset.done $0x0  }
0x284: {  	s26 =	simm.s32 $0xC;
	[sflag:s2] =	ssyncadd.s32 $0xFFFFD000  }
0x285: {  	_ =	swait.ge [sflag:s26], $0x3000  }
0x286: {  	[sflag:s26] =	ssyncset.done $0x0  }
0x287: {  	s28 =	simm.s32 $0x7;
	[sflag:s26] =	ssyncadd.s32 $0xFFFFD000  }
0x288: {  	_ =	swait.ge [sflag:s28], $0x3000  }
0x289: {  	[sflag:s28] =	ssyncset.done $0x0  }
0x28a: {  	s29 =	simm.s32 $0x8;
	[sflag:s28] =	ssyncadd.s32 $0xFFFFD000  }
0x28b: {  	_ =	swait.ge [sflag:s29], $0x3000  }
0x28c: {  	[sflag:s29] =	ssyncset.done $0x0  }
0x28d: {  	[sflag:s29] =	ssyncadd.s32 $0xFFFFD000  }
0x28e: {  	_ =	swait.ge [sflag:s31], $0x3000  }
0x28f: {  	[sflag:s31] =	ssyncset.done $0x0  }
0x290: {  	[sflag:s31] =	ssyncadd.s32 $0xFFFFD000  }
0x291: {  	_ =	swait.ge [sflag:s4], $0x3000  }
0x292: {  	s0 =	sadd.s32 $0x1, s0;
	s30 =	rddreg [dreg:$0xc]  }
0x293: {  	p0 =	sne.s32 s0, s30  }
.Ltmp5:
0x294: {  	_ = 	snop;
	(pc) =	sbr.rel @p0 .LBB2_1-.Ltmp5, $3  }
0x295: {  	_ =	sdelay $0x1  }
0x296: {  	[sflag:s4] =	ssyncset.done $0x0  }
0x297: {  	[sflag:s4] =	ssyncadd.s32 $0xFFFFD000  }
0x298: {  	_ =	sfence.sel $0x180000  }
0x299: {  	[bflag:$0x0] =	sbarrier.arrive $0xFFFF  }
0x29a: {  	_ =	strace $0x90000047  }
0x29b: {  	s0 =	stileid.u32;
	[bflag:$0x2] =	sbarrier.arrive $0xFFFF  }
0x29c: {  	p0 =	sne.s32 s0, $0x0;
	s0 =	rddreg [dreg:$0x6]  }
0x29d: {  	s0 =	sadd.s32 @!p0 $0x100000, s0  }
0x29e: {  	[sflag:s0] =	ssyncadd.tile.s32 @!p0 $0x1;
	_ =	shalt  }
.Lfunc_end2:
_tile_overlayer_lowered:
.L_overlay_start_2:
0x29f: {  	(tag) =	ssettag $0x2  }
0x2a0: {  	s0 =	rddreg [dreg:$0x0];
	s2 =	stileid.u32  }
0x2a1: {  	s1 =	rddreg [dreg:$0x1];
	p0 =	sne.s32 s2, $0x0  }
0x2a2: {  	s3 =	rddreg [dreg:$0x2];
	[bflag:$0x3] =	sbarrier.arrive $0xFFFF;
	s2 =	simm.s32 @!p0 $0x1C11  }
0x2a3: {  	[timem:s3], [sflag:s2] =	dma.local @!p0 [hbm:s0], s1  }
0x2a4: {  	s0 =	simm.s32 @!p0 $0x11  }
0x2a5: {  	_ =	swait.ge @!p0 [sflag:s0], s1  }
0x2a6: {  	s1 =	ssub.s32 @!p0 $0x0, s1;
	[sflag:s0] =	ssyncset.done @!p0 $0x0  }
0x2a7: {  	[sflag:s0] =	ssyncadd.s32 @!p0 s1  }
0x2a8: {  	[bflag:$0x3] =	sbarrier.arrive $0xFFFF  }
0x2a9: {  	_ =	shalt  }

</sc_bundles>
